<compile_context>
chip_gen: v7x
topology: tpu7x:2x2x1
jax: 0.10.2.dev20260603
libtpu: 0.0.44.dev20260713+nightly
codegen_flags: <defaults>
</compile_context>

<pallas_src>
import functools

import jax
import jax.numpy as jnp
from jax import lax
from jax.experimental import pallas as pl
from jax.experimental.pallas import tpu as pltpu
from jax.experimental.pallas import tpu_sc as plsc

N = 320000
D = 128
S = 512
NC = 2
NS = 16
NW = NC * NS
ROWS_PER_W = N // NW
CHUNK = 80
CHUNKS_PER_W = ROWS_PER_W // CHUNK
CHUNKS_PAD = 128
ZROWS = S // NS
NBUF = 8
NL = 16
NV = D // NL
RUNROLL = 4

_mesh = plsc.VectorSubcoreMesh(core_axis_name="c", subcore_axis_name="s")


@functools.partial(
    pl.kernel,
    mesh=_mesh,
    out_type=jax.ShapeDtypeStruct((NC, S, D), jnp.float32),
    scratch_types=[
        pltpu.VMEM((NBUF, CHUNK, D), jnp.float32),
        pltpu.VMEM((CHUNKS_PAD, CHUNK), jnp.int32),
        pltpu.VMEM((8, CHUNKS_PAD), jnp.int32),
        pltpu.VMEM((CHUNKS_PAD, D), jnp.float32),
        pltpu.VMEM_SHARED((S, D), jnp.float32),
        pltpu.SemaphoreType.DMA((NBUF,)),
        pltpu.SemaphoreType.DMA((NBUF,)),
    ],
)
def _segsum_sc(h_hbm, idx_hbm, fidx_hbm, out_hbm, hbuf, ibuf, fbuf, stage, acc,
               lsem, ssem):
    cid = lax.axis_index("c")
    sid = lax.axis_index("s")
    wid = cid * NS + sid
    base = wid * ROWS_PER_W

    def _load(k, b):
        return pltpu.make_async_copy(
            h_hbm.at[pl.ds(base + k * CHUNK, CHUNK)], hbuf.at[b], lsem.at[b]
        )

    def _scatter(k, b):
        return pltpu.make_async_copy(hbuf.at[b], acc.at[ibuf.at[k]], ssem.at[b])

    for b in range(NBUF):
        _load(b, b).start()

    zvec = jnp.zeros((NL,), jnp.float32)

    for r in range(ZROWS):
        for c in range(NV):
            stage[CHUNKS_PER_W - ZROWS + 3 + r, pl.ds(c * NL, NL)] = zvec
    pltpu.sync_copy(
        stage.at[pl.ds(CHUNKS_PER_W - ZROWS + 3, ZROWS)],
        acc.at[pl.ds(sid * ZROWS, ZROWS)],
    )

    pltpu.sync_copy(idx_hbm.at[pl.ds(wid * CHUNKS_PAD, CHUNKS_PAD)], ibuf)
    pltpu.sync_copy(fidx_hbm.at[pl.ds(wid * 8, 8)], fbuf)

    plsc.subcore_barrier()

    def chunk_step(k, carry):
        b = lax.bitwise_and(k, NBUF - 1)
        _load(k, b).wait()

        iv_first = ibuf[k, pl.ds(0, NL)]
        iv_last = ibuf[k, pl.ds(CHUNK - NL, NL)]
        single = iv_first[0] == iv_last[NL - 1]

        @pl.when(single)
        def _fast():
            def rows(r, accs):
                out = list(accs)
                for u in range(RUNROLL):
                    for c in range(NV):
                        out[c] = out[c] + hbuf[b, r * RUNROLL + u,
                                               pl.ds(c * NL, NL)]
                return tuple(out)

            sums = lax.fori_loop(
                0, CHUNK // RUNROLL, rows,
                tuple(jnp.zeros((NL,), jnp.float32) for _ in range(NV)),
            )
            for c in range(NV):
                stage[k, pl.ds(c * NL, NL)] = sums[c]

        @pl.when(jnp.logical_not(single))
        def _slow():
            for c in range(NV):
                stage[k, pl.ds(c * NL, NL)] = zvec
            _scatter(k, b).start(add=True)
            _scatter(k, b).wait()

        @pl.when(k < CHUNKS_PER_W - NBUF)
        def _():
            _load(k + NBUF, b).start()

        return carry

    lax.fori_loop(0, CHUNKS_PER_W, chunk_step, 0)

    pltpu.sync_copy(stage, acc.at[fbuf.at[0]], add=True)

    plsc.subcore_barrier()

    pltpu.sync_copy(
        acc.at[pl.ds(sid * ZROWS, ZROWS)],
        out_hbm.at[cid, pl.ds(sid * ZROWS, ZROWS)],
    )


def _merge_body(p_ref, o_ref):
    o_ref[...] = p_ref[0] + p_ref[1]


def _merge(partials):
    return pl.pallas_call(
        _merge_body,
        out_shape=jax.ShapeDtypeStruct((S, D), jnp.float32),
    )(partials)


@jax.jit
def kernel(h, index):
    index = index.astype(jnp.int32)
    idx3d = index.reshape(NW, CHUNKS_PER_W, CHUNK)
    idx_pad = jnp.pad(idx3d, ((0, 0), (0, CHUNKS_PAD - CHUNKS_PER_W), (0, 0)))
    idx2d = idx_pad.reshape(NW * CHUNKS_PAD, CHUNK)
    fidx = jnp.pad(
        index[::CHUNK].reshape(NW, 1, CHUNKS_PER_W),
        ((0, 0), (0, 7), (0, CHUNKS_PAD - CHUNKS_PER_W)),
    ).reshape(NW * 8, CHUNKS_PAD)
    partials = _segsum_sc(h, idx2d, fidx)
    return _merge(partials)

# --- scband reference (transcript-rebuilt; emitter-appended) ---
"""Pipeline reference for scband-sum-readout-13048110645763 (READ-ONLY COPY).

The authoritative reference and input builder live on the scoring server;
editing this copy changes nothing except your own understanding.
"""

import jax, jax.numpy as jnp
import numpy as np

NUM_SEGMENTS = 512

def setup_inputs(seed: int = 0) -> dict:
    key = jax.random.key(seed)
    k1, k2 = jax.random.split(key)
    h = jax.random.normal(k1, (320000, 128), dtype=jnp.float32)
    index = jnp.sort(jax.random.randint(k2, (320000,), 0, NUM_SEGMENTS, dtype=jnp.int64))
    return {"h": h, "index": index}

def reference(h, index):
    # SumReadout.forward: global_add_pool(h, index) == segment-wise sum of node
    # features h grouped by graph assignment `index`.
    out = jax.ops.segment_sum(h, index, num_segments=NUM_SEGMENTS)
    return out

if __name__ == "__main__":
    import jax
    _d = setup_inputs()
    print(jax.jit(kernel)(*tuple(_d.values())))

</pallas_src>

<mosaic_0001>
#map = affine_map<(d0, d1) -> (0, 0)>
#map1 = affine_map<(d0, d1) -> (0, 0, 0)>
module attributes {stable_mosaic.version = 14 : i64} {
  func.func @_segsum_sc(%arg0: i32, %arg1: i32, %arg2: memref<320000x128xf32, #tpu.memory_space<hbm>>, %arg3: memref<4096x80xi32, #tpu.memory_space<hbm>>, %arg4: memref<256x128xi32, #tpu.memory_space<hbm>>, %arg5: memref<2x512x128xf32, #tpu.memory_space<hbm>>, %arg6: memref<8x80x128xf32, #tpu.memory_space<vmem>>, %arg7: memref<128x80xi32, #tpu.memory_space<vmem>>, %arg8: memref<8x128xi32, #tpu.memory_space<vmem>>, %arg9: memref<128x128xf32, #tpu.memory_space<vmem>>, %arg10: memref<512x128xf32, #tpu.memory_space<vmem_shared>>, %arg11: memref<8x!tpu.dma_semaphore, #tpu.memory_space<semaphore_mem>>, %arg12: memref<8x!tpu.dma_semaphore, #tpu.memory_space<semaphore_mem>>) attributes {dimension_semantics = [#tpu.dimension_semantics<core_parallel>, #tpu.dimension_semantics<subcore_parallel>], iteration_bounds = array<i64: 2, 16>, scalar_prefetch = 0 : i64, scratch_operands = 7 : i64, tpu.core_type = #tpu.core_type<sc_vector_subcore>, window_params = [{transform_indices = #map}, {transform_indices = #map}, {transform_indices = #map}, {transform_indices = #map1}]} {
    %mul3A = arith.constant 16 : i32
    %mul3A_0 = arith.muli %arg0, %mul3A : i32
    %add3A = arith.addi %mul3A_0, %arg1 : i32
    %mul3A_1 = arith.constant 10000 : i32
    %mul3A_2 = arith.muli %add3A, %mul3A_1 : i32
    %add3A_3 = arith.constant 0 : i32
    %add3A_4 = arith.addi %mul3A_2, %add3A_3 : i32
    %dma_start3A = arith.constant 0 : i32
    %dma_start3A_5 = arith.constant 0 : i32
    %dma_start3A_6 = arith.constant 0 : i32
    %dma_start3A_7 = arith.constant 0 : i32
    %dma_start3A_8 = tpu.memref_slice %arg6[%dma_start3A, %dma_start3A_6, %dma_start3A_7] : memref<8x80x128xf32, #tpu.memory_space<vmem>> -> memref<1x80x128xf32, #tpu.memory_space<vmem>>
    %dma_start3A_9 = tpu.memref_squeeze %dma_start3A_8 : memref<1x80x128xf32, #tpu.memory_space<vmem>> -> memref<80x128xf32, #tpu.memory_space<vmem>>
    %dma_start3A_10 = arith.constant 0 : i32
    %dma_start3A_11 = tpu.memref_slice %arg2[%add3A_4, %dma_start3A_10] : memref<320000x128xf32, #tpu.memory_space<hbm>> -> memref<80x128xf32, #tpu.memory_space<hbm>>
    %dma_start3A_12 = tpu.memref_slice %arg11[%dma_start3A_5] : memref<8x!tpu.dma_semaphore, #tpu.memory_space<semaphore_mem>> -> memref<1x!tpu.dma_semaphore, #tpu.memory_space<semaphore_mem>>
    %dma_start3A_13 = tpu.memref_squeeze %dma_start3A_12 : memref<1x!tpu.dma_semaphore, #tpu.memory_space<semaphore_mem>> -> memref<!tpu.dma_semaphore, #tpu.memory_space<semaphore_mem>>
    %dma_start3A_14 = arith.constant 0 : i32
    %dma_start3A_15 = arith.constant 0 : i32
    %dma_start3A_16 = tpu.memref_slice %arg6[%dma_start3A, %dma_start3A_14, %dma_start3A_15] : memref<8x80x128xf32, #tpu.memory_space<vmem>> -> memref<1x80x128xf32, #tpu.memory_space<vmem>>
    %dma_start3A_17 = tpu.memref_squeeze %dma_start3A_16 : memref<1x80x128xf32, #tpu.memory_space<vmem>> -> memref<80x128xf32, #tpu.memory_space<vmem>>
    %dma_start3A_18 = arith.constant 0 : i32
    %dma_start3A_19 = tpu.memref_slice %arg2[%add3A_4, %dma_start3A_18] : memref<320000x128xf32, #tpu.memory_space<hbm>> -> memref<80x128xf32, #tpu.memory_space<hbm>>
    tpu.enqueue_dma source(%dma_start3A_19 : memref<80x128xf32, #tpu.memory_space<hbm>>) target(%dma_start3A_17 : memref<80x128xf32, #tpu.memory_space<vmem>>) target_semaphore(%dma_start3A_13 : memref<!tpu.dma_semaphore, #tpu.memory_space<semaphore_mem>>)
    %add3A_20 = arith.constant 80 : i32
    %add3A_21 = arith.addi %mul3A_2, %add3A_20 : i32
    %dma_start3A_22 = arith.constant 1 : i32
    %dma_start3A_23 = arith.constant 1 : i32
    %dma_start3A_24 = arith.constant 0 : i32
    %dma_start3A_25 = arith.constant 0 : i32
    %dma_start3A_26 = tpu.memref_slice %arg6[%dma_start3A_22, %dma_start3A_24, %dma_start3A_25] : memref<8x80x128xf32, #tpu.memory_space<vmem>> -> memref<1x80x128xf32, #tpu.memory_space<vmem>>
    %dma_start3A_27 = tpu.memref_squeeze %dma_start3A_26 : memref<1x80x128xf32, #tpu.memory_space<vmem>> -> memref<80x128xf32, #tpu.memory_space<vmem>>
    %dma_start3A_28 = arith.constant 0 : i32
    %dma_start3A_29 = tpu.memref_slice %arg2[%add3A_21, %dma_start3A_28] : memref<320000x128xf32, #tpu.memory_space<hbm>> -> memref<80x128xf32, #tpu.memory_space<hbm>>
    %dma_start3A_30 = tpu.memref_slice %arg11[%dma_start3A_23] : memref<8x!tpu.dma_semaphore, #tpu.memory_space<semaphore_mem>> -> memref<1x!tpu.dma_semaphore, #tpu.memory_space<semaphore_mem>>
    %dma_start3A_31 = tpu.memref_squeeze %dma_start3A_30 : memref<1x!tpu.dma_semaphore, #tpu.memory_space<semaphore_mem>> -> memref<!tpu.dma_semaphore, #tpu.memory_space<semaphore_mem>>
    %dma_start3A_32 = arith.constant 0 : i32
    %dma_start3A_33 = arith.constant 0 : i32
    %dma_start3A_34 = tpu.memref_slice %arg6[%dma_start3A_22, %dma_start3A_32, %dma_start3A_33] : memref<8x80x128xf32, #tpu.memory_space<vmem>> -> memref<1x80x128xf32, #tpu.memory_space<vmem>>
    %dma_start3A_35 = tpu.memref_squeeze %dma_start3A_34 : memref<1x80x128xf32, #tpu.memory_space<vmem>> -> memref<80x128xf32, #tpu.memory_space<vmem>>
    %dma_start3A_36 = arith.constant 0 : i32
    %dma_start3A_37 = tpu.memref_slice %arg2[%add3A_21, %dma_start3A_36] : memref<320000x128xf32, #tpu.memory_space<hbm>> -> memref<80x128xf32, #tpu.memory_space<hbm>>
    tpu.enqueue_dma source(%dma_start3A_37 : memref<80x128xf32, #tpu.memory_space<hbm>>) target(%dma_start3A_35 : memref<80x128xf32, #tpu.memory_space<vmem>>) target_semaphore(%dma_start3A_31 : memref<!tpu.dma_semaphore, #tpu.memory_space<semaphore_mem>>)
    %add3A_38 = arith.constant 160 : i32
    %add3A_39 = arith.addi %mul3A_2, %add3A_38 : i32
    %dma_start3A_40 = arith.constant 2 : i32
    %dma_start3A_41 = arith.constant 2 : i32
    %dma_start3A_42 = arith.constant 0 : i32
    %dma_start3A_43 = arith.constant 0 : i32
    %dma_start3A_44 = tpu.memref_slice %arg6[%dma_start3A_40, %dma_start3A_42, %dma_start3A_43] : memref<8x80x128xf32, #tpu.memory_space<vmem>> -> memref<1x80x128xf32, #tpu.memory_space<vmem>>
    %dma_start3A_45 = tpu.memref_squeeze %dma_start3A_44 : memref<1x80x128xf32, #tpu.memory_space<vmem>> -> memref<80x128xf32, #tpu.memory_space<vmem>>
    %dma_start3A_46 = arith.constant 0 : i32
    %dma_start3A_47 = tpu.memref_slice %arg2[%add3A_39, %dma_start3A_46] : memref<320000x128xf32, #tpu.memory_space<hbm>> -> memref<80x128xf32, #tpu.memory_space<hbm>>
    %dma_start3A_48 = tpu.memref_slice %arg11[%dma_start3A_41] : memref<8x!tpu.dma_semaphore, #tpu.memory_space<semaphore_mem>> -> memref<1x!tpu.dma_semaphore, #tpu.memory_space<semaphore_mem>>
    %dma_start3A_49 = tpu.memref_squeeze %dma_start3A_48 : memref<1x!tpu.dma_semaphore, #tpu.memory_space<semaphore_mem>> -> memref<!tpu.dma_semaphore, #tpu.memory_space<semaphore_mem>>
    %dma_start3A_50 = arith.constant 0 : i32
    %dma_start3A_51 = arith.constant 0 : i32
    %dma_start3A_52 = tpu.memref_slice %arg6[%dma_start3A_40, %dma_start3A_50, %dma_start3A_51] : memref<8x80x128xf32, #tpu.memory_space<vmem>> -> memref<1x80x128xf32, #tpu.memory_space<vmem>>
    %dma_start3A_53 = tpu.memref_squeeze %dma_start3A_52 : memref<1x80x128xf32, #tpu.memory_space<vmem>> -> memref<80x128xf32, #tpu.memory_space<vmem>>
    %dma_start3A_54 = arith.constant 0 : i32
    %dma_start3A_55 = tpu.memref_slice %arg2[%add3A_39, %dma_start3A_54] : memref<320000x128xf32, #tpu.memory_space<hbm>> -> memref<80x128xf32, #tpu.memory_space<hbm>>
    tpu.enqueue_dma source(%dma_start3A_55 : memref<80x128xf32, #tpu.memory_space<hbm>>) target(%dma_start3A_53 : memref<80x128xf32, #tpu.memory_space<vmem>>) target_semaphore(%dma_start3A_49 : memref<!tpu.dma_semaphore, #tpu.memory_space<semaphore_mem>>)
    %add3A_56 = arith.constant 240 : i32
    %add3A_57 = arith.addi %mul3A_2, %add3A_56 : i32
    %dma_start3A_58 = arith.constant 3 : i32
    %dma_start3A_59 = arith.constant 3 : i32
    %dma_start3A_60 = arith.constant 0 : i32
    %dma_start3A_61 = arith.constant 0 : i32
    %dma_start3A_62 = tpu.memref_slice %arg6[%dma_start3A_58, %dma_start3A_60, %dma_start3A_61] : memref<8x80x128xf32, #tpu.memory_space<vmem>> -> memref<1x80x128xf32, #tpu.memory_space<vmem>>
    %dma_start3A_63 = tpu.memref_squeeze %dma_start3A_62 : memref<1x80x128xf32, #tpu.memory_space<vmem>> -> memref<80x128xf32, #tpu.memory_space<vmem>>
    %dma_start3A_64 = arith.constant 0 : i32
    %dma_start3A_65 = tpu.memref_slice %arg2[%add3A_57, %dma_start3A_64] : memref<320000x128xf32, #tpu.memory_space<hbm>> -> memref<80x128xf32, #tpu.memory_space<hbm>>
    %dma_start3A_66 = tpu.memref_slice %arg11[%dma_start3A_59] : memref<8x!tpu.dma_semaphore, #tpu.memory_space<semaphore_mem>> -> memref<1x!tpu.dma_semaphore, #tpu.memory_space<semaphore_mem>>
    %dma_start3A_67 = tpu.memref_squeeze %dma_start3A_66 : memref<1x!tpu.dma_semaphore, #tpu.memory_space<semaphore_mem>> -> memref<!tpu.dma_semaphore, #tpu.memory_space<semaphore_mem>>
    %dma_start3A_68 = arith.constant 0 : i32
    %dma_start3A_69 = arith.constant 0 : i32
    %dma_start3A_70 = tpu.memref_slice %arg6[%dma_start3A_58, %dma_start3A_68, %dma_start3A_69] : memref<8x80x128xf32, #tpu.memory_space<vmem>> -> memref<1x80x128xf32, #tpu.memory_space<vmem>>
    %dma_start3A_71 = tpu.memref_squeeze %dma_start3A_70 : memref<1x80x128xf32, #tpu.memory_space<vmem>> -> memref<80x128xf32, #tpu.memory_space<vmem>>
    %dma_start3A_72 = arith.constant 0 : i32
    %dma_start3A_73 = tpu.memref_slice %arg2[%add3A_57, %dma_start3A_72] : memref<320000x128xf32, #tpu.memory_space<hbm>> -> memref<80x128xf32, #tpu.memory_space<hbm>>
    tpu.enqueue_dma source(%dma_start3A_73 : memref<80x128xf32, #tpu.memory_space<hbm>>) target(%dma_start3A_71 : memref<80x128xf32, #tpu.memory_space<vmem>>) target_semaphore(%dma_start3A_67 : memref<!tpu.dma_semaphore, #tpu.memory_space<semaphore_mem>>)
    %add3A_74 = arith.constant 320 : i32
    %add3A_75 = arith.addi %mul3A_2, %add3A_74 : i32
    %dma_start3A_76 = arith.constant 4 : i32
    %dma_start3A_77 = arith.constant 4 : i32
    %dma_start3A_78 = arith.constant 0 : i32
    %dma_start3A_79 = arith.constant 0 : i32
    %dma_start3A_80 = tpu.memref_slice %arg6[%dma_start3A_76, %dma_start3A_78, %dma_start3A_79] : memref<8x80x128xf32, #tpu.memory_space<vmem>> -> memref<1x80x128xf32, #tpu.memory_space<vmem>>
    %dma_start3A_81 = tpu.memref_squeeze %dma_start3A_80 : memref<1x80x128xf32, #tpu.memory_space<vmem>> -> memref<80x128xf32, #tpu.memory_space<vmem>>
    %dma_start3A_82 = arith.constant 0 : i32
    %dma_start3A_83 = tpu.memref_slice %arg2[%add3A_75, %dma_start3A_82] : memref<320000x128xf32, #tpu.memory_space<hbm>> -> memref<80x128xf32, #tpu.memory_space<hbm>>
    %dma_start3A_84 = tpu.memref_slice %arg11[%dma_start3A_77] : memref<8x!tpu.dma_semaphore, #tpu.memory_space<semaphore_mem>> -> memref<1x!tpu.dma_semaphore, #tpu.memory_space<semaphore_mem>>
    %dma_start3A_85 = tpu.memref_squeeze %dma_start3A_84 : memref<1x!tpu.dma_semaphore, #tpu.memory_space<semaphore_mem>> -> memref<!tpu.dma_semaphore, #tpu.memory_space<semaphore_mem>>
    %dma_start3A_86 = arith.constant 0 : i32
    %dma_start3A_87 = arith.constant 0 : i32
    %dma_start3A_88 = tpu.memref_slice %arg6[%dma_start3A_76, %dma_start3A_86, %dma_start3A_87] : memref<8x80x128xf32, #tpu.memory_space<vmem>> -> memref<1x80x128xf32, #tpu.memory_space<vmem>>
    %dma_start3A_89 = tpu.memref_squeeze %dma_start3A_88 : memref<1x80x128xf32, #tpu.memory_space<vmem>> -> memref<80x128xf32, #tpu.memory_space<vmem>>
    %dma_start3A_90 = arith.constant 0 : i32
    %dma_start3A_91 = tpu.memref_slice %arg2[%add3A_75, %dma_start3A_90] : memref<320000x128xf32, #tpu.memory_space<hbm>> -> memref<80x128xf32, #tpu.memory_space<hbm>>
    tpu.enqueue_dma source(%dma_start3A_91 : memref<80x128xf32, #tpu.memory_space<hbm>>) target(%dma_start3A_89 : memref<80x128xf32, #tpu.memory_space<vmem>>) target_semaphore(%dma_start3A_85 : memref<!tpu.dma_semaphore, #tpu.memory_space<semaphore_mem>>)
    %add3A_92 = arith.constant 400 : i32
    %add3A_93 = arith.addi %mul3A_2, %add3A_92 : i32
    %dma_start3A_94 = arith.constant 5 : i32
    %dma_start3A_95 = arith.constant 5 : i32
    %dma_start3A_96 = arith.constant 0 : i32
    %dma_start3A_97 = arith.constant 0 : i32
    %dma_start3A_98 = tpu.memref_slice %arg6[%dma_start3A_94, %dma_start3A_96, %dma_start3A_97] : memref<8x80x128xf32, #tpu.memory_space<vmem>> -> memref<1x80x128xf32, #tpu.memory_space<vmem>>
    %dma_start3A_99 = tpu.memref_squeeze %dma_start3A_98 : memref<1x80x128xf32, #tpu.memory_space<vmem>> -> memref<80x128xf32, #tpu.memory_space<vmem>>
    %dma_start3A_100 = arith.constant 0 : i32
    %dma_start3A_101 = tpu.memref_slice %arg2[%add3A_93, %dma_start3A_100] : memref<320000x128xf32, #tpu.memory_space<hbm>> -> memref<80x128xf32, #tpu.memory_space<hbm>>
    %dma_start3A_102 = tpu.memref_slice %arg11[%dma_start3A_95] : memref<8x!tpu.dma_semaphore, #tpu.memory_space<semaphore_mem>> -> memref<1x!tpu.dma_semaphore, #tpu.memory_space<semaphore_mem>>
    %dma_start3A_103 = tpu.memref_squeeze %dma_start3A_102 : memref<1x!tpu.dma_semaphore, #tpu.memory_space<semaphore_mem>> -> memref<!tpu.dma_semaphore, #tpu.memory_space<semaphore_mem>>
    %dma_start3A_104 = arith.constant 0 : i32
    %dma_start3A_105 = arith.constant 0 : i32
    %dma_start3A_106 = tpu.memref_slice %arg6[%dma_start3A_94, %dma_start3A_104, %dma_start3A_105] : memref<8x80x128xf32, #tpu.memory_space<vmem>> -> memref<1x80x128xf32, #tpu.memory_space<vmem>>
    %dma_start3A_107 = tpu.memref_squeeze %dma_start3A_106 : memref<1x80x128xf32, #tpu.memory_space<vmem>> -> memref<80x128xf32, #tpu.memory_space<vmem>>
    %dma_start3A_108 = arith.constant 0 : i32
    %dma_start3A_109 = tpu.memref_slice %arg2[%add3A_93, %dma_start3A_108] : memref<320000x128xf32, #tpu.memory_space<hbm>> -> memref<80x128xf32, #tpu.memory_space<hbm>>
    tpu.enqueue_dma source(%dma_start3A_109 : memref<80x128xf32, #tpu.memory_space<hbm>>) target(%dma_start3A_107 : memref<80x128xf32, #tpu.memory_space<vmem>>) target_semaphore(%dma_start3A_103 : memref<!tpu.dma_semaphore, #tpu.memory_space<semaphore_mem>>)
    %add3A_110 = arith.constant 480 : i32
    %add3A_111 = arith.addi %mul3A_2, %add3A_110 : i32
    %dma_start3A_112 = arith.constant 6 : i32
    %dma_start3A_113 = arith.constant 6 : i32
    %dma_start3A_114 = arith.constant 0 : i32
    %dma_start3A_115 = arith.constant 0 : i32
    %dma_start3A_116 = tpu.memref_slice %arg6[%dma_start3A_112, %dma_start3A_114, %dma_start3A_115] : memref<8x80x128xf32, #tpu.memory_space<vmem>> -> memref<1x80x128xf32, #tpu.memory_space<vmem>>
    %dma_start3A_117 = tpu.memref_squeeze %dma_start3A_116 : memref<1x80x128xf32, #tpu.memory_space<vmem>> -> memref<80x128xf32, #tpu.memory_space<vmem>>
    %dma_start3A_118 = arith.constant 0 : i32
    %dma_start3A_119 = tpu.memref_slice %arg2[%add3A_111, %dma_start3A_118] : memref<320000x128xf32, #tpu.memory_space<hbm>> -> memref<80x128xf32, #tpu.memory_space<hbm>>
    %dma_start3A_120 = tpu.memref_slice %arg11[%dma_start3A_113] : memref<8x!tpu.dma_semaphore, #tpu.memory_space<semaphore_mem>> -> memref<1x!tpu.dma_semaphore, #tpu.memory_space<semaphore_mem>>
    %dma_start3A_121 = tpu.memref_squeeze %dma_start3A_120 : memref<1x!tpu.dma_semaphore, #tpu.memory_space<semaphore_mem>> -> memref<!tpu.dma_semaphore, #tpu.memory_space<semaphore_mem>>
    %dma_start3A_122 = arith.constant 0 : i32
    %dma_start3A_123 = arith.constant 0 : i32
    %dma_start3A_124 = tpu.memref_slice %arg6[%dma_start3A_112, %dma_start3A_122, %dma_start3A_123] : memref<8x80x128xf32, #tpu.memory_space<vmem>> -> memref<1x80x128xf32, #tpu.memory_space<vmem>>
    %dma_start3A_125 = tpu.memref_squeeze %dma_start3A_124 : memref<1x80x128xf32, #tpu.memory_space<vmem>> -> memref<80x128xf32, #tpu.memory_space<vmem>>
    %dma_start3A_126 = arith.constant 0 : i32
    %dma_start3A_127 = tpu.memref_slice %arg2[%add3A_111, %dma_start3A_126] : memref<320000x128xf32, #tpu.memory_space<hbm>> -> memref<80x128xf32, #tpu.memory_space<hbm>>
    tpu.enqueue_dma source(%dma_start3A_127 : memref<80x128xf32, #tpu.memory_space<hbm>>) target(%dma_start3A_125 : memref<80x128xf32, #tpu.memory_space<vmem>>) target_semaphore(%dma_start3A_121 : memref<!tpu.dma_semaphore, #tpu.memory_space<semaphore_mem>>)
    %add3A_128 = arith.constant 560 : i32
    %add3A_129 = arith.addi %mul3A_2, %add3A_128 : i32
    %dma_start3A_130 = arith.constant 7 : i32
    %dma_start3A_131 = arith.constant 7 : i32
    %dma_start3A_132 = arith.constant 0 : i32
    %dma_start3A_133 = arith.constant 0 : i32
    %dma_start3A_134 = tpu.memref_slice %arg6[%dma_start3A_130, %dma_start3A_132, %dma_start3A_133] : memref<8x80x128xf32, #tpu.memory_space<vmem>> -> memref<1x80x128xf32, #tpu.memory_space<vmem>>
    %dma_start3A_135 = tpu.memref_squeeze %dma_start3A_134 : memref<1x80x128xf32, #tpu.memory_space<vmem>> -> memref<80x128xf32, #tpu.memory_space<vmem>>
    %dma_start3A_136 = arith.constant 0 : i32
    %dma_start3A_137 = tpu.memref_slice %arg2[%add3A_129, %dma_start3A_136] : memref<320000x128xf32, #tpu.memory_space<hbm>> -> memref<80x128xf32, #tpu.memory_space<hbm>>
    %dma_start3A_138 = tpu.memref_slice %arg11[%dma_start3A_131] : memref<8x!tpu.dma_semaphore, #tpu.memory_space<semaphore_mem>> -> memref<1x!tpu.dma_semaphore, #tpu.memory_space<semaphore_mem>>
    %dma_start3A_139 = tpu.memref_squeeze %dma_start3A_138 : memref<1x!tpu.dma_semaphore, #tpu.memory_space<semaphore_mem>> -> memref<!tpu.dma_semaphore, #tpu.memory_space<semaphore_mem>>
    %dma_start3A_140 = arith.constant 0 : i32
    %dma_start3A_141 = arith.constant 0 : i32
    %dma_start3A_142 = tpu.memref_slice %arg6[%dma_start3A_130, %dma_start3A_140, %dma_start3A_141] : memref<8x80x128xf32, #tpu.memory_space<vmem>> -> memref<1x80x128xf32, #tpu.memory_space<vmem>>
    %dma_start3A_143 = tpu.memref_squeeze %dma_start3A_142 : memref<1x80x128xf32, #tpu.memory_space<vmem>> -> memref<80x128xf32, #tpu.memory_space<vmem>>
    %dma_start3A_144 = arith.constant 0 : i32
    %dma_start3A_145 = tpu.memref_slice %arg2[%add3A_129, %dma_start3A_144] : memref<320000x128xf32, #tpu.memory_space<hbm>> -> memref<80x128xf32, #tpu.memory_space<hbm>>
    tpu.enqueue_dma source(%dma_start3A_145 : memref<80x128xf32, #tpu.memory_space<hbm>>) target(%dma_start3A_143 : memref<80x128xf32, #tpu.memory_space<vmem>>) target_semaphore(%dma_start3A_139 : memref<!tpu.dma_semaphore, #tpu.memory_space<semaphore_mem>>)
    %broadcast_in_dim3A = arith.constant 0.000000e+00 : f32
    %broadcast_in_dim3A_146 = vector.broadcast %broadcast_in_dim3A : f32 to vector<16xf32>
    %swap3A = arith.constant 96 : i32
    %swap3A_147 = arith.index_cast %swap3A : i32 to index
    %swap3A_148 = arith.constant 0 : index
    %swap3A_149 = tpu.vector_load %arg9[%swap3A_147, %swap3A_148] {strides = array<i32>} : memref<128x128xf32, #tpu.memory_space<vmem>>, vector<1x16xf32>,
    %swap3A_150 = vector.shape_cast %swap3A_149 : vector<1x16xf32> to vector<16xf32>
    %swap3A_151 = vector.shape_cast %broadcast_in_dim3A_146 : vector<16xf32> to vector<1x16xf32>
    tpu.vector_store %arg9[%swap3A_147, %swap3A_148], %swap3A_151 {strides = array<i32>} : memref<128x128xf32, #tpu.memory_space<vmem>>, vector<1x16xf32>,
    %swap3A_152 = arith.constant 96 : i32
    %swap3A_153 = arith.index_cast %swap3A_152 : i32 to index
    %swap3A_154 = arith.constant 16 : index
    %swap3A_155 = tpu.vector_load %arg9[%swap3A_153, %swap3A_154] {strides = array<i32>} : memref<128x128xf32, #tpu.memory_space<vmem>>, vector<1x16xf32>,
    %swap3A_156 = vector.shape_cast %swap3A_155 : vector<1x16xf32> to vector<16xf32>
    %swap3A_157 = vector.shape_cast %broadcast_in_dim3A_146 : vector<16xf32> to vector<1x16xf32>
    tpu.vector_store %arg9[%swap3A_153, %swap3A_154], %swap3A_157 {strides = array<i32>} : memref<128x128xf32, #tpu.memory_space<vmem>>, vector<1x16xf32>,
    %swap3A_158 = arith.constant 96 : i32
    %swap3A_159 = arith.index_cast %swap3A_158 : i32 to index
    %swap3A_160 = arith.constant 32 : index
    %swap3A_161 = tpu.vector_load %arg9[%swap3A_159, %swap3A_160] {strides = array<i32>} : memref<128x128xf32, #tpu.memory_space<vmem>>, vector<1x16xf32>,
    %swap3A_162 = vector.shape_cast %swap3A_161 : vector<1x16xf32> to vector<16xf32>
    %swap3A_163 = vector.shape_cast %broadcast_in_dim3A_146 : vector<16xf32> to vector<1x16xf32>
    tpu.vector_store %arg9[%swap3A_159, %swap3A_160], %swap3A_163 {strides = array<i32>} : memref<128x128xf32, #tpu.memory_space<vmem>>, vector<1x16xf32>,
    %swap3A_164 = arith.constant 96 : i32
    %swap3A_165 = arith.index_cast %swap3A_164 : i32 to index
    %swap3A_166 = arith.constant 48 : index
    %swap3A_167 = tpu.vector_load %arg9[%swap3A_165, %swap3A_166] {strides = array<i32>} : memref<128x128xf32, #tpu.memory_space<vmem>>, vector<1x16xf32>,
    %swap3A_168 = vector.shape_cast %swap3A_167 : vector<1x16xf32> to vector<16xf32>
    %swap3A_169 = vector.shape_cast %broadcast_in_dim3A_146 : vector<16xf32> to vector<1x16xf32>
    tpu.vector_store %arg9[%swap3A_165, %swap3A_166], %swap3A_169 {strides = array<i32>} : memref<128x128xf32, #tpu.memory_space<vmem>>, vector<1x16xf32>,
    %swap3A_170 = arith.constant 96 : i32
    %swap3A_171 = arith.index_cast %swap3A_170 : i32 to index
    %swap3A_172 = arith.constant 64 : index
    %swap3A_173 = tpu.vector_load %arg9[%swap3A_171, %swap3A_172] {strides = array<i32>} : memref<128x128xf32, #tpu.memory_space<vmem>>, vector<1x16xf32>,
    %swap3A_174 = vector.shape_cast %swap3A_173 : vector<1x16xf32> to vector<16xf32>
    %swap3A_175 = vector.shape_cast %broadcast_in_dim3A_146 : vector<16xf32> to vector<1x16xf32>
    tpu.vector_store %arg9[%swap3A_171, %swap3A_172], %swap3A_175 {strides = array<i32>} : memref<128x128xf32, #tpu.memory_space<vmem>>, vector<1x16xf32>,
    %swap3A_176 = arith.constant 96 : i32
    %swap3A_177 = arith.index_cast %swap3A_176 : i32 to index
    %swap3A_178 = arith.constant 80 : index
    %swap3A_179 = tpu.vector_load %arg9[%swap3A_177, %swap3A_178] {strides = array<i32>} : memref<128x128xf32, #tpu.memory_space<vmem>>, vector<1x16xf32>,
    %swap3A_180 = vector.shape_cast %swap3A_179 : vector<1x16xf32> to vector<16xf32>
    %swap3A_181 = vector.shape_cast %broadcast_in_dim3A_146 : vector<16xf32> to vector<1x16xf32>
    tpu.vector_store %arg9[%swap3A_177, %swap3A_178], %swap3A_181 {strides = array<i32>} : memref<128x128xf32, #tpu.memory_space<vmem>>, vector<1x16xf32>,
    %swap3A_182 = arith.constant 96 : i32
    %swap3A_183 = arith.index_cast %swap3A_182 : i32 to index
    %swap3A_184 = arith.constant 96 : index
    %swap3A_185 = tpu.vector_load %arg9[%swap3A_183, %swap3A_184] {strides = array<i32>} : memref<128x128xf32, #tpu.memory_space<vmem>>, vector<1x16xf32>,
    %swap3A_186 = vector.shape_cast %swap3A_185 : vector<1x16xf32> to vector<16xf32>
    %swap3A_187 = vector.shape_cast %broadcast_in_dim3A_146 : vector<16xf32> to vector<1x16xf32>
    tpu.vector_store %arg9[%swap3A_183, %swap3A_184], %swap3A_187 {strides = array<i32>} : memref<128x128xf32, #tpu.memory_space<vmem>>, vector<1x16xf32>,
    %swap3A_188 = arith.constant 96 : i32
    %swap3A_189 = arith.index_cast %swap3A_188 : i32 to index
    %swap3A_190 = arith.constant 112 : index
    %swap3A_191 = tpu.vector_load %arg9[%swap3A_189, %swap3A_190] {strides = array<i32>} : memref<128x128xf32, #tpu.memory_space<vmem>>, vector<1x16xf32>,
    %swap3A_192 = vector.shape_cast %swap3A_191 : vector<1x16xf32> to vector<16xf32>
    %swap3A_193 = vector.shape_cast %broadcast_in_dim3A_146 : vector<16xf32> to vector<1x16xf32>
    tpu.vector_store %arg9[%swap3A_189, %swap3A_190], %swap3A_193 {strides = array<i32>} : memref<128x128xf32, #tpu.memory_space<vmem>>, vector<1x16xf32>,
    %swap3A_194 = arith.constant 97 : i32
    %swap3A_195 = arith.index_cast %swap3A_194 : i32 to index
    %swap3A_196 = arith.constant 0 : index
    %swap3A_197 = tpu.vector_load %arg9[%swap3A_195, %swap3A_196] {strides = array<i32>} : memref<128x128xf32, #tpu.memory_space<vmem>>, vector<1x16xf32>,
    %swap3A_198 = vector.shape_cast %swap3A_197 : vector<1x16xf32> to vector<16xf32>
    %swap3A_199 = vector.shape_cast %broadcast_in_dim3A_146 : vector<16xf32> to vector<1x16xf32>
    tpu.vector_store %arg9[%swap3A_195, %swap3A_196], %swap3A_199 {strides = array<i32>} : memref<128x128xf32, #tpu.memory_space<vmem>>, vector<1x16xf32>,
    %swap3A_200 = arith.constant 97 : i32
    %swap3A_201 = arith.index_cast %swap3A_200 : i32 to index
    %swap3A_202 = arith.constant 16 : index
    %swap3A_203 = tpu.vector_load %arg9[%swap3A_201, %swap3A_202] {strides = array<i32>} : memref<128x128xf32, #tpu.memory_space<vmem>>, vector<1x16xf32>,
    %swap3A_204 = vector.shape_cast %swap3A_203 : vector<1x16xf32> to vector<16xf32>
    %swap3A_205 = vector.shape_cast %broadcast_in_dim3A_146 : vector<16xf32> to vector<1x16xf32>
    tpu.vector_store %arg9[%swap3A_201, %swap3A_202], %swap3A_205 {strides = array<i32>} : memref<128x128xf32, #tpu.memory_space<vmem>>, vector<1x16xf32>,
    %swap3A_206 = arith.constant 97 : i32
    %swap3A_207 = arith.index_cast %swap3A_206 : i32 to index
    %swap3A_208 = arith.constant 32 : index
    %swap3A_209 = tpu.vector_load %arg9[%swap3A_207, %swap3A_208] {strides = array<i32>} : memref<128x128xf32, #tpu.memory_space<vmem>>, vector<1x16xf32>,
    %swap3A_210 = vector.shape_cast %swap3A_209 : vector<1x16xf32> to vector<16xf32>
    %swap3A_211 = vector.shape_cast %broadcast_in_dim3A_146 : vector<16xf32> to vector<1x16xf32>
    tpu.vector_store %arg9[%swap3A_207, %swap3A_208], %swap3A_211 {strides = array<i32>} : memref<128x128xf32, #tpu.memory_space<vmem>>, vector<1x16xf32>,
    %swap3A_212 = arith.constant 97 : i32
    %swap3A_213 = arith.index_cast %swap3A_212 : i32 to index
    %swap3A_214 = arith.constant 48 : index
    %swap3A_215 = tpu.vector_load %arg9[%swap3A_213, %swap3A_214] {strides = array<i32>} : memref<128x128xf32, #tpu.memory_space<vmem>>, vector<1x16xf32>,
    %swap3A_216 = vector.shape_cast %swap3A_215 : vector<1x16xf32> to vector<16xf32>
    %swap3A_217 = vector.shape_cast %broadcast_in_dim3A_146 : vector<16xf32> to vector<1x16xf32>
    tpu.vector_store %arg9[%swap3A_213, %swap3A_214], %swap3A_217 {strides = array<i32>} : memref<128x128xf32, #tpu.memory_space<vmem>>, vector<1x16xf32>,
    %swap3A_218 = arith.constant 97 : i32
    %swap3A_219 = arith.index_cast %swap3A_218 : i32 to index
    %swap3A_220 = arith.constant 64 : index
    %swap3A_221 = tpu.vector_load %arg9[%swap3A_219, %swap3A_220] {strides = array<i32>} : memref<128x128xf32, #tpu.memory_space<vmem>>, vector<1x16xf32>,
    %swap3A_222 = vector.shape_cast %swap3A_221 : vector<1x16xf32> to vector<16xf32>
    %swap3A_223 = vector.shape_cast %broadcast_in_dim3A_146 : vector<16xf32> to vector<1x16xf32>
    tpu.vector_store %arg9[%swap3A_219, %swap3A_220], %swap3A_223 {strides = array<i32>} : memref<128x128xf32, #tpu.memory_space<vmem>>, vector<1x16xf32>,
    %swap3A_224 = arith.constant 97 : i32
    %swap3A_225 = arith.index_cast %swap3A_224 : i32 to index
    %swap3A_226 = arith.constant 80 : index
    %swap3A_227 = tpu.vector_load %arg9[%swap3A_225, %swap3A_226] {strides = array<i32>} : memref<128x128xf32, #tpu.memory_space<vmem>>, vector<1x16xf32>,
    %swap3A_228 = vector.shape_cast %swap3A_227 : vector<1x16xf32> to vector<16xf32>
    %swap3A_229 = vector.shape_cast %broadcast_in_dim3A_146 : vector<16xf32> to vector<1x16xf32>
    tpu.vector_store %arg9[%swap3A_225, %swap3A_226], %swap3A_229 {strides = array<i32>} : memref<128x128xf32, #tpu.memory_space<vmem>>, vector<1x16xf32>,
    %swap3A_230 = arith.constant 97 : i32
    %swap3A_231 = arith.index_cast %swap3A_230 : i32 to index
    %swap3A_232 = arith.constant 96 : index
    %swap3A_233 = tpu.vector_load %arg9[%swap3A_231, %swap3A_232] {strides = array<i32>} : memref<128x128xf32, #tpu.memory_space<vmem>>, vector<1x16xf32>,
    %swap3A_234 = vector.shape_cast %swap3A_233 : vector<1x16xf32> to vector<16xf32>
    %swap3A_235 = vector.shape_cast %broadcast_in_dim3A_146 : vector<16xf32> to vector<1x16xf32>
    tpu.vector_store %arg9[%swap3A_231, %swap3A_232], %swap3A_235 {strides = array<i32>} : memref<128x128xf32, #tpu.memory_space<vmem>>, vector<1x16xf32>,
    %swap3A_236 = arith.constant 97 : i32
    %swap3A_237 = arith.index_cast %swap3A_236 : i32 to index
    %swap3A_238 = arith.constant 112 : index
    %swap3A_239 = tpu.vector_load %arg9[%swap3A_237, %swap3A_238] {strides = array<i32>} : memref<128x128xf32, #tpu.memory_space<vmem>>, vector<1x16xf32>,
    %swap3A_240 = vector.shape_cast %swap3A_239 : vector<1x16xf32> to vector<16xf32>
    %swap3A_241 = vector.shape_cast %broadcast_in_dim3A_146 : vector<16xf32> to vector<1x16xf32>
    tpu.vector_store %arg9[%swap3A_237, %swap3A_238], %swap3A_241 {strides = array<i32>} : memref<128x128xf32, #tpu.memory_space<vmem>>, vector<1x16xf32>,
    %swap3A_242 = arith.constant 98 : i32
    %swap3A_243 = arith.index_cast %swap3A_242 : i32 to index
    %swap3A_244 = arith.constant 0 : index
    %swap3A_245 = tpu.vector_load %arg9[%swap3A_243, %swap3A_244] {strides = array<i32>} : memref<128x128xf32, #tpu.memory_space<vmem>>, vector<1x16xf32>,
    %swap3A_246 = vector.shape_cast %swap3A_245 : vector<1x16xf32> to vector<16xf32>
    %swap3A_247 = vector.shape_cast %broadcast_in_dim3A_146 : vector<16xf32> to vector<1x16xf32>
    tpu.vector_store %arg9[%swap3A_243, %swap3A_244], %swap3A_247 {strides = array<i32>} : memref<128x128xf32, #tpu.memory_space<vmem>>, vector<1x16xf32>,
    %swap3A_248 = arith.constant 98 : i32
    %swap3A_249 = arith.index_cast %swap3A_248 : i32 to index
    %swap3A_250 = arith.constant 16 : index
    %swap3A_251 = tpu.vector_load %arg9[%swap3A_249, %swap3A_250] {strides = array<i32>} : memref<128x128xf32, #tpu.memory_space<vmem>>, vector<1x16xf32>,
    %swap3A_252 = vector.shape_cast %swap3A_251 : vector<1x16xf32> to vector<16xf32>
    %swap3A_253 = vector.shape_cast %broadcast_in_dim3A_146 : vector<16xf32> to vector<1x16xf32>
    tpu.vector_store %arg9[%swap3A_249, %swap3A_250], %swap3A_253 {strides = array<i32>} : memref<128x128xf32, #tpu.memory_space<vmem>>, vector<1x16xf32>,
    %swap3A_254 = arith.constant 98 : i32
    %swap3A_255 = arith.index_cast %swap3A_254 : i32 to index
    %swap3A_256 = arith.constant 32 : index
    %swap3A_257 = tpu.vector_load %arg9[%swap3A_255, %swap3A_256] {strides = array<i32>} : memref<128x128xf32, #tpu.memory_space<vmem>>, vector<1x16xf32>,
    %swap3A_258 = vector.shape_cast %swap3A_257 : vector<1x16xf32> to vector<16xf32>
    %swap3A_259 = vector.shape_cast %broadcast_in_dim3A_146 : vector<16xf32> to vector<1x16xf32>
    tpu.vector_store %arg9[%swap3A_255, %swap3A_256], %swap3A_259 {strides = array<i32>} : memref<128x128xf32, #tpu.memory_space<vmem>>, vector<1x16xf32>,
    %swap3A_260 = arith.constant 98 : i32
    %swap3A_261 = arith.index_cast %swap3A_260 : i32 to index
    %swap3A_262 = arith.constant 48 : index
    %swap3A_263 = tpu.vector_load %arg9[%swap3A_261, %swap3A_262] {strides = array<i32>} : memref<128x128xf32, #tpu.memory_space<vmem>>, vector<1x16xf32>,
    %swap3A_264 = vector.shape_cast %swap3A_263 : vector<1x16xf32> to vector<16xf32>
    %swap3A_265 = vector.shape_cast %broadcast_in_dim3A_146 : vector<16xf32> to vector<1x16xf32>
    tpu.vector_store %arg9[%swap3A_261, %swap3A_262], %swap3A_265 {strides = array<i32>} : memref<128x128xf32, #tpu.memory_space<vmem>>, vector<1x16xf32>,
    %swap3A_266 = arith.constant 98 : i32
    %swap3A_267 = arith.index_cast %swap3A_266 : i32 to index
    %swap3A_268 = arith.constant 64 : index
    %swap3A_269 = tpu.vector_load %arg9[%swap3A_267, %swap3A_268] {strides = array<i32>} : memref<128x128xf32, #tpu.memory_space<vmem>>, vector<1x16xf32>,
    %swap3A_270 = vector.shape_cast %swap3A_269 : vector<1x16xf32> to vector<16xf32>
    %swap3A_271 = vector.shape_cast %broadcast_in_dim3A_146 : vector<16xf32> to vector<1x16xf32>
    tpu.vector_store %arg9[%swap3A_267, %swap3A_268], %swap3A_271 {strides = array<i32>} : memref<128x128xf32, #tpu.memory_space<vmem>>, vector<1x16xf32>,
    %swap3A_272 = arith.constant 98 : i32
    %swap3A_273 = arith.index_cast %swap3A_272 : i32 to index
    %swap3A_274 = arith.constant 80 : index
    %swap3A_275 = tpu.vector_load %arg9[%swap3A_273, %swap3A_274] {strides = array<i32>} : memref<128x128xf32, #tpu.memory_space<vmem>>, vector<1x16xf32>,
    %swap3A_276 = vector.shape_cast %swap3A_275 : vector<1x16xf32> to vector<16xf32>
    %swap3A_277 = vector.shape_cast %broadcast_in_dim3A_146 : vector<16xf32> to vector<1x16xf32>
    tpu.vector_store %arg9[%swap3A_273, %swap3A_274], %swap3A_277 {strides = array<i32>} : memref<128x128xf32, #tpu.memory_space<vmem>>, vector<1x16xf32>,
    %swap3A_278 = arith.constant 98 : i32
    %swap3A_279 = arith.index_cast %swap3A_278 : i32 to index
    %swap3A_280 = arith.constant 96 : index
    %swap3A_281 = tpu.vector_load %arg9[%swap3A_279, %swap3A_280] {strides = array<i32>} : memref<128x128xf32, #tpu.memory_space<vmem>>, vector<1x16xf32>,
    %swap3A_282 = vector.shape_cast %swap3A_281 : vector<1x16xf32> to vector<16xf32>
    %swap3A_283 = vector.shape_cast %broadcast_in_dim3A_146 : vector<16xf32> to vector<1x16xf32>
    tpu.vector_store %arg9[%swap3A_279, %swap3A_280], %swap3A_283 {strides = array<i32>} : memref<128x128xf32, #tpu.memory_space<vmem>>, vector<1x16xf32>,
    %swap3A_284 = arith.constant 98 : i32
    %swap3A_285 = arith.index_cast %swap3A_284 : i32 to index
    %swap3A_286 = arith.constant 112 : index
    %swap3A_287 = tpu.vector_load %arg9[%swap3A_285, %swap3A_286] {strides = array<i32>} : memref<128x128xf32, #tpu.memory_space<vmem>>, vector<1x16xf32>,
    %swap3A_288 = vector.shape_cast %swap3A_287 : vector<1x16xf32> to vector<16xf32>
    %swap3A_289 = vector.shape_cast %broadcast_in_dim3A_146 : vector<16xf32> to vector<1x16xf32>
    tpu.vector_store %arg9[%swap3A_285, %swap3A_286], %swap3A_289 {strides = array<i32>} : memref<128x128xf32, #tpu.memory_space<vmem>>, vector<1x16xf32>,
    %swap3A_290 = arith.constant 99 : i32
    %swap3A_291 = arith.index_cast %swap3A_290 : i32 to index
    %swap3A_292 = arith.constant 0 : index
    %swap3A_293 = tpu.vector_load %arg9[%swap3A_291, %swap3A_292] {strides = array<i32>} : memref<128x128xf32, #tpu.memory_space<vmem>>, vector<1x16xf32>,
    %swap3A_294 = vector.shape_cast %swap3A_293 : vector<1x16xf32> to vector<16xf32>
    %swap3A_295 = vector.shape_cast %broadcast_in_dim3A_146 : vector<16xf32> to vector<1x16xf32>
    tpu.vector_store %arg9[%swap3A_291, %swap3A_292], %swap3A_295 {strides = array<i32>} : memref<128x128xf32, #tpu.memory_space<vmem>>, vector<1x16xf32>,
    %swap3A_296 = arith.constant 99 : i32
    %swap3A_297 = arith.index_cast %swap3A_296 : i32 to index
    %swap3A_298 = arith.constant 16 : index
    %swap3A_299 = tpu.vector_load %arg9[%swap3A_297, %swap3A_298] {strides = array<i32>} : memref<128x128xf32, #tpu.memory_space<vmem>>, vector<1x16xf32>,
    %swap3A_300 = vector.shape_cast %swap3A_299 : vector<1x16xf32> to vector<16xf32>
    %swap3A_301 = vector.shape_cast %broadcast_in_dim3A_146 : vector<16xf32> to vector<1x16xf32>
    tpu.vector_store %arg9[%swap3A_297, %swap3A_298], %swap3A_301 {strides = array<i32>} : memref<128x128xf32, #tpu.memory_space<vmem>>, vector<1x16xf32>,
    %swap3A_302 = arith.constant 99 : i32
    %swap3A_303 = arith.index_cast %swap3A_302 : i32 to index
    %swap3A_304 = arith.constant 32 : index
    %swap3A_305 = tpu.vector_load %arg9[%swap3A_303, %swap3A_304] {strides = array<i32>} : memref<128x128xf32, #tpu.memory_space<vmem>>, vector<1x16xf32>,
    %swap3A_306 = vector.shape_cast %swap3A_305 : vector<1x16xf32> to vector<16xf32>
    %swap3A_307 = vector.shape_cast %broadcast_in_dim3A_146 : vector<16xf32> to vector<1x16xf32>
    tpu.vector_store %arg9[%swap3A_303, %swap3A_304], %swap3A_307 {strides = array<i32>} : memref<128x128xf32, #tpu.memory_space<vmem>>, vector<1x16xf32>,
    %swap3A_308 = arith.constant 99 : i32
    %swap3A_309 = arith.index_cast %swap3A_308 : i32 to index
    %swap3A_310 = arith.constant 48 : index
    %swap3A_311 = tpu.vector_load %arg9[%swap3A_309, %swap3A_310] {strides = array<i32>} : memref<128x128xf32, #tpu.memory_space<vmem>>, vector<1x16xf32>,
    %swap3A_312 = vector.shape_cast %swap3A_311 : vector<1x16xf32> to vector<16xf32>
    %swap3A_313 = vector.shape_cast %broadcast_in_dim3A_146 : vector<16xf32> to vector<1x16xf32>
    tpu.vector_store %arg9[%swap3A_309, %swap3A_310], %swap3A_313 {strides = array<i32>} : memref<128x128xf32, #tpu.memory_space<vmem>>, vector<1x16xf32>,
    %swap3A_314 = arith.constant 99 : i32
    %swap3A_315 = arith.index_cast %swap3A_314 : i32 to index
    %swap3A_316 = arith.constant 64 : index
    %swap3A_317 = tpu.vector_load %arg9[%swap3A_315, %swap3A_316] {strides = array<i32>} : memref<128x128xf32, #tpu.memory_space<vmem>>, vector<1x16xf32>,
    %swap3A_318 = vector.shape_cast %swap3A_317 : vector<1x16xf32> to vector<16xf32>
    %swap3A_319 = vector.shape_cast %broadcast_in_dim3A_146 : vector<16xf32> to vector<1x16xf32>
    tpu.vector_store %arg9[%swap3A_315, %swap3A_316], %swap3A_319 {strides = array<i32>} : memref<128x128xf32, #tpu.memory_space<vmem>>, vector<1x16xf32>,
    %swap3A_320 = arith.constant 99 : i32
    %swap3A_321 = arith.index_cast %swap3A_320 : i32 to index
    %swap3A_322 = arith.constant 80 : index
    %swap3A_323 = tpu.vector_load %arg9[%swap3A_321, %swap3A_322] {strides = array<i32>} : memref<128x128xf32, #tpu.memory_space<vmem>>, vector<1x16xf32>,
    %swap3A_324 = vector.shape_cast %swap3A_323 : vector<1x16xf32> to vector<16xf32>
    %swap3A_325 = vector.shape_cast %broadcast_in_dim3A_146 : vector<16xf32> to vector<1x16xf32>
    tpu.vector_store %arg9[%swap3A_321, %swap3A_322], %swap3A_325 {strides = array<i32>} : memref<128x128xf32, #tpu.memory_space<vmem>>, vector<1x16xf32>,
    %swap3A_326 = arith.constant 99 : i32
    %swap3A_327 = arith.index_cast %swap3A_326 : i32 to index
    %swap3A_328 = arith.constant 96 : index
    %swap3A_329 = tpu.vector_load %arg9[%swap3A_327, %swap3A_328] {strides = array<i32>} : memref<128x128xf32, #tpu.memory_space<vmem>>, vector<1x16xf32>,
    %swap3A_330 = vector.shape_cast %swap3A_329 : vector<1x16xf32> to vector<16xf32>
    %swap3A_331 = vector.shape_cast %broadcast_in_dim3A_146 : vector<16xf32> to vector<1x16xf32>
    tpu.vector_store %arg9[%swap3A_327, %swap3A_328], %swap3A_331 {strides = array<i32>} : memref<128x128xf32, #tpu.memory_space<vmem>>, vector<1x16xf32>,
    %swap3A_332 = arith.constant 99 : i32
    %swap3A_333 = arith.index_cast %swap3A_332 : i32 to index
    %swap3A_334 = arith.constant 112 : index
    %swap3A_335 = tpu.vector_load %arg9[%swap3A_333, %swap3A_334] {strides = array<i32>} : memref<128x128xf32, #tpu.memory_space<vmem>>, vector<1x16xf32>,
    %swap3A_336 = vector.shape_cast %swap3A_335 : vector<1x16xf32> to vector<16xf32>
    %swap3A_337 = vector.shape_cast %broadcast_in_dim3A_146 : vector<16xf32> to vector<1x16xf32>
    tpu.vector_store %arg9[%swap3A_333, %swap3A_334], %swap3A_337 {strides = array<i32>} : memref<128x128xf32, #tpu.memory_space<vmem>>, vector<1x16xf32>,
    %swap3A_338 = arith.constant 100 : i32
    %swap3A_339 = arith.index_cast %swap3A_338 : i32 to index
    %swap3A_340 = arith.constant 0 : index
    %swap3A_341 = tpu.vector_load %arg9[%swap3A_339, %swap3A_340] {strides = array<i32>} : memref<128x128xf32, #tpu.memory_space<vmem>>, vector<1x16xf32>,
    %swap3A_342 = vector.shape_cast %swap3A_341 : vector<1x16xf32> to vector<16xf32>
    %swap3A_343 = vector.shape_cast %broadcast_in_dim3A_146 : vector<16xf32> to vector<1x16xf32>
    tpu.vector_store %arg9[%swap3A_339, %swap3A_340], %swap3A_343 {strides = array<i32>} : memref<128x128xf32, #tpu.memory_space<vmem>>, vector<1x16xf32>,
    %swap3A_344 = arith.constant 100 : i32
    %swap3A_345 = arith.index_cast %swap3A_344 : i32 to index
    %swap3A_346 = arith.constant 16 : index
    %swap3A_347 = tpu.vector_load %arg9[%swap3A_345, %swap3A_346] {strides = array<i32>} : memref<128x128xf32, #tpu.memory_space<vmem>>, vector<1x16xf32>,
    %swap3A_348 = vector.shape_cast %swap3A_347 : vector<1x16xf32> to vector<16xf32>
    %swap3A_349 = vector.shape_cast %broadcast_in_dim3A_146 : vector<16xf32> to vector<1x16xf32>
    tpu.vector_store %arg9[%swap3A_345, %swap3A_346], %swap3A_349 {strides = array<i32>} : memref<128x128xf32, #tpu.memory_space<vmem>>, vector<1x16xf32>,
    %swap3A_350 = arith.constant 100 : i32
    %swap3A_351 = arith.index_cast %swap3A_350 : i32 to index
    %swap3A_352 = arith.constant 32 : index
    %swap3A_353 = tpu.vector_load %arg9[%swap3A_351, %swap3A_352] {strides = array<i32>} : memref<128x128xf32, #tpu.memory_space<vmem>>, vector<1x16xf32>,
    %swap3A_354 = vector.shape_cast %swap3A_353 : vector<1x16xf32> to vector<16xf32>
    %swap3A_355 = vector.shape_cast %broadcast_in_dim3A_146 : vector<16xf32> to vector<1x16xf32>
    tpu.vector_store %arg9[%swap3A_351, %swap3A_352], %swap3A_355 {strides = array<i32>} : memref<128x128xf32, #tpu.memory_space<vmem>>, vector<1x16xf32>,
    %swap3A_356 = arith.constant 100 : i32
    %swap3A_357 = arith.index_cast %swap3A_356 : i32 to index
    %swap3A_358 = arith.constant 48 : index
    %swap3A_359 = tpu.vector_load %arg9[%swap3A_357, %swap3A_358] {strides = array<i32>} : memref<128x128xf32, #tpu.memory_space<vmem>>, vector<1x16xf32>,
    %swap3A_360 = vector.shape_cast %swap3A_359 : vector<1x16xf32> to vector<16xf32>
    %swap3A_361 = vector.shape_cast %broadcast_in_dim3A_146 : vector<16xf32> to vector<1x16xf32>
    tpu.vector_store %arg9[%swap3A_357, %swap3A_358], %swap3A_361 {strides = array<i32>} : memref<128x128xf32, #tpu.memory_space<vmem>>, vector<1x16xf32>,
    %swap3A_362 = arith.constant 100 : i32
    %swap3A_363 = arith.index_cast %swap3A_362 : i32 to index
    %swap3A_364 = arith.constant 64 : index
    %swap3A_365 = tpu.vector_load %arg9[%swap3A_363, %swap3A_364] {strides = array<i32>} : memref<128x128xf32, #tpu.memory_space<vmem>>, vector<1x16xf32>,
    %swap3A_366 = vector.shape_cast %swap3A_365 : vector<1x16xf32> to vector<16xf32>
    %swap3A_367 = vector.shape_cast %broadcast_in_dim3A_146 : vector<16xf32> to vector<1x16xf32>
    tpu.vector_store %arg9[%swap3A_363, %swap3A_364], %swap3A_367 {strides = array<i32>} : memref<128x128xf32, #tpu.memory_space<vmem>>, vector<1x16xf32>,
    %swap3A_368 = arith.constant 100 : i32
    %swap3A_369 = arith.index_cast %swap3A_368 : i32 to index
    %swap3A_370 = arith.constant 80 : index
    %swap3A_371 = tpu.vector_load %arg9[%swap3A_369, %swap3A_370] {strides = array<i32>} : memref<128x128xf32, #tpu.memory_space<vmem>>, vector<1x16xf32>,
    %swap3A_372 = vector.shape_cast %swap3A_371 : vector<1x16xf32> to vector<16xf32>
    %swap3A_373 = vector.shape_cast %broadcast_in_dim3A_146 : vector<16xf32> to vector<1x16xf32>
    tpu.vector_store %arg9[%swap3A_369, %swap3A_370], %swap3A_373 {strides = array<i32>} : memref<128x128xf32, #tpu.memory_space<vmem>>, vector<1x16xf32>,
    %swap3A_374 = arith.constant 100 : i32
    %swap3A_375 = arith.index_cast %swap3A_374 : i32 to index
    %swap3A_376 = arith.constant 96 : index
    %swap3A_377 = tpu.vector_load %arg9[%swap3A_375, %swap3A_376] {strides = array<i32>} : memref<128x128xf32, #tpu.memory_space<vmem>>, vector<1x16xf32>,
    %swap3A_378 = vector.shape_cast %swap3A_377 : vector<1x16xf32> to vector<16xf32>
    %swap3A_379 = vector.shape_cast %broadcast_in_dim3A_146 : vector<16xf32> to vector<1x16xf32>
    tpu.vector_store %arg9[%swap3A_375, %swap3A_376], %swap3A_379 {strides = array<i32>} : memref<128x128xf32, #tpu.memory_space<vmem>>, vector<1x16xf32>,
    %swap3A_380 = arith.constant 100 : i32
    %swap3A_381 = arith.index_cast %swap3A_380 : i32 to index
    %swap3A_382 = arith.constant 112 : index
    %swap3A_383 = tpu.vector_load %arg9[%swap3A_381, %swap3A_382] {strides = array<i32>} : memref<128x128xf32, #tpu.memory_space<vmem>>, vector<1x16xf32>,
    %swap3A_384 = vector.shape_cast %swap3A_383 : vector<1x16xf32> to vector<16xf32>
    %swap3A_385 = vector.shape_cast %broadcast_in_dim3A_146 : vector<16xf32> to vector<1x16xf32>
    tpu.vector_store %arg9[%swap3A_381, %swap3A_382], %swap3A_385 {strides = array<i32>} : memref<128x128xf32, #tpu.memory_space<vmem>>, vector<1x16xf32>,
    %swap3A_386 = arith.constant 101 : i32
    %swap3A_387 = arith.index_cast %swap3A_386 : i32 to index
    %swap3A_388 = arith.constant 0 : index
    %swap3A_389 = tpu.vector_load %arg9[%swap3A_387, %swap3A_388] {strides = array<i32>} : memref<128x128xf32, #tpu.memory_space<vmem>>, vector<1x16xf32>,
    %swap3A_390 = vector.shape_cast %swap3A_389 : vector<1x16xf32> to vector<16xf32>
    %swap3A_391 = vector.shape_cast %broadcast_in_dim3A_146 : vector<16xf32> to vector<1x16xf32>
    tpu.vector_store %arg9[%swap3A_387, %swap3A_388], %swap3A_391 {strides = array<i32>} : memref<128x128xf32, #tpu.memory_space<vmem>>, vector<1x16xf32>,
    %swap3A_392 = arith.constant 101 : i32
    %swap3A_393 = arith.index_cast %swap3A_392 : i32 to index
    %swap3A_394 = arith.constant 16 : index
    %swap3A_395 = tpu.vector_load %arg9[%swap3A_393, %swap3A_394] {strides = array<i32>} : memref<128x128xf32, #tpu.memory_space<vmem>>, vector<1x16xf32>,
    %swap3A_396 = vector.shape_cast %swap3A_395 : vector<1x16xf32> to vector<16xf32>
    %swap3A_397 = vector.shape_cast %broadcast_in_dim3A_146 : vector<16xf32> to vector<1x16xf32>
    tpu.vector_store %arg9[%swap3A_393, %swap3A_394], %swap3A_397 {strides = array<i32>} : memref<128x128xf32, #tpu.memory_space<vmem>>, vector<1x16xf32>,
    %swap3A_398 = arith.constant 101 : i32
    %swap3A_399 = arith.index_cast %swap3A_398 : i32 to index
    %swap3A_400 = arith.constant 32 : index
    %swap3A_401 = tpu.vector_load %arg9[%swap3A_399, %swap3A_400] {strides = array<i32>} : memref<128x128xf32, #tpu.memory_space<vmem>>, vector<1x16xf32>,
    %swap3A_402 = vector.shape_cast %swap3A_401 : vector<1x16xf32> to vector<16xf32>
    %swap3A_403 = vector.shape_cast %broadcast_in_dim3A_146 : vector<16xf32> to vector<1x16xf32>
    tpu.vector_store %arg9[%swap3A_399, %swap3A_400], %swap3A_403 {strides = array<i32>} : memref<128x128xf32, #tpu.memory_space<vmem>>, vector<1x16xf32>,
    %swap3A_404 = arith.constant 101 : i32
    %swap3A_405 = arith.index_cast %swap3A_404 : i32 to index
    %swap3A_406 = arith.constant 48 : index
    %swap3A_407 = tpu.vector_load %arg9[%swap3A_405, %swap3A_406] {strides = array<i32>} : memref<128x128xf32, #tpu.memory_space<vmem>>, vector<1x16xf32>,
    %swap3A_408 = vector.shape_cast %swap3A_407 : vector<1x16xf32> to vector<16xf32>
    %swap3A_409 = vector.shape_cast %broadcast_in_dim3A_146 : vector<16xf32> to vector<1x16xf32>
    tpu.vector_store %arg9[%swap3A_405, %swap3A_406], %swap3A_409 {strides = array<i32>} : memref<128x128xf32, #tpu.memory_space<vmem>>, vector<1x16xf32>,
    %swap3A_410 = arith.constant 101 : i32
    %swap3A_411 = arith.index_cast %swap3A_410 : i32 to index
    %swap3A_412 = arith.constant 64 : index
    %swap3A_413 = tpu.vector_load %arg9[%swap3A_411, %swap3A_412] {strides = array<i32>} : memref<128x128xf32, #tpu.memory_space<vmem>>, vector<1x16xf32>,
    %swap3A_414 = vector.shape_cast %swap3A_413 : vector<1x16xf32> to vector<16xf32>
    %swap3A_415 = vector.shape_cast %broadcast_in_dim3A_146 : vector<16xf32> to vector<1x16xf32>
    tpu.vector_store %arg9[%swap3A_411, %swap3A_412], %swap3A_415 {strides = array<i32>} : memref<128x128xf32, #tpu.memory_space<vmem>>, vector<1x16xf32>,
    %swap3A_416 = arith.constant 101 : i32
    %swap3A_417 = arith.index_cast %swap3A_416 : i32 to index
    %swap3A_418 = arith.constant 80 : index
    %swap3A_419 = tpu.vector_load %arg9[%swap3A_417, %swap3A_418] {strides = array<i32>} : memref<128x128xf32, #tpu.memory_space<vmem>>, vector<1x16xf32>,
    %swap3A_420 = vector.shape_cast %swap3A_419 : vector<1x16xf32> to vector<16xf32>
    %swap3A_421 = vector.shape_cast %broadcast_in_dim3A_146 : vector<16xf32> to vector<1x16xf32>
    tpu.vector_store %arg9[%swap3A_417, %swap3A_418], %swap3A_421 {strides = array<i32>} : memref<128x128xf32, #tpu.memory_space<vmem>>, vector<1x16xf32>,
    %swap3A_422 = arith.constant 101 : i32
    %swap3A_423 = arith.index_cast %swap3A_422 : i32 to index
    %swap3A_424 = arith.constant 96 : index
    %swap3A_425 = tpu.vector_load %arg9[%swap3A_423, %swap3A_424] {strides = array<i32>} : memref<128x128xf32, #tpu.memory_space<vmem>>, vector<1x16xf32>,
    %swap3A_426 = vector.shape_cast %swap3A_425 : vector<1x16xf32> to vector<16xf32>
    %swap3A_427 = vector.shape_cast %broadcast_in_dim3A_146 : vector<16xf32> to vector<1x16xf32>
    tpu.vector_store %arg9[%swap3A_423, %swap3A_424], %swap3A_427 {strides = array<i32>} : memref<128x128xf32, #tpu.memory_space<vmem>>, vector<1x16xf32>,
    %swap3A_428 = arith.constant 101 : i32
    %swap3A_429 = arith.index_cast %swap3A_428 : i32 to index
    %swap3A_430 = arith.constant 112 : index
    %swap3A_431 = tpu.vector_load %arg9[%swap3A_429, %swap3A_430] {strides = array<i32>} : memref<128x128xf32, #tpu.memory_space<vmem>>, vector<1x16xf32>,
    %swap3A_432 = vector.shape_cast %swap3A_431 : vector<1x16xf32> to vector<16xf32>
    %swap3A_433 = vector.shape_cast %broadcast_in_dim3A_146 : vector<16xf32> to vector<1x16xf32>
    tpu.vector_store %arg9[%swap3A_429, %swap3A_430], %swap3A_433 {strides = array<i32>} : memref<128x128xf32, #tpu.memory_space<vmem>>, vector<1x16xf32>,
    %swap3A_434 = arith.constant 102 : i32
    %swap3A_435 = arith.index_cast %swap3A_434 : i32 to index
    %swap3A_436 = arith.constant 0 : index
    %swap3A_437 = tpu.vector_load %arg9[%swap3A_435, %swap3A_436] {strides = array<i32>} : memref<128x128xf32, #tpu.memory_space<vmem>>, vector<1x16xf32>,
    %swap3A_438 = vector.shape_cast %swap3A_437 : vector<1x16xf32> to vector<16xf32>
    %swap3A_439 = vector.shape_cast %broadcast_in_dim3A_146 : vector<16xf32> to vector<1x16xf32>
    tpu.vector_store %arg9[%swap3A_435, %swap3A_436], %swap3A_439 {strides = array<i32>} : memref<128x128xf32, #tpu.memory_space<vmem>>, vector<1x16xf32>,
    %swap3A_440 = arith.constant 102 : i32
    %swap3A_441 = arith.index_cast %swap3A_440 : i32 to index
    %swap3A_442 = arith.constant 16 : index
    %swap3A_443 = tpu.vector_load %arg9[%swap3A_441, %swap3A_442] {strides = array<i32>} : memref<128x128xf32, #tpu.memory_space<vmem>>, vector<1x16xf32>,
    %swap3A_444 = vector.shape_cast %swap3A_443 : vector<1x16xf32> to vector<16xf32>
    %swap3A_445 = vector.shape_cast %broadcast_in_dim3A_146 : vector<16xf32> to vector<1x16xf32>
    tpu.vector_store %arg9[%swap3A_441, %swap3A_442], %swap3A_445 {strides = array<i32>} : memref<128x128xf32, #tpu.memory_space<vmem>>, vector<1x16xf32>,
    %swap3A_446 = arith.constant 102 : i32
    %swap3A_447 = arith.index_cast %swap3A_446 : i32 to index
    %swap3A_448 = arith.constant 32 : index
    %swap3A_449 = tpu.vector_load %arg9[%swap3A_447, %swap3A_448] {strides = array<i32>} : memref<128x128xf32, #tpu.memory_space<vmem>>, vector<1x16xf32>,
    %swap3A_450 = vector.shape_cast %swap3A_449 : vector<1x16xf32> to vector<16xf32>
    %swap3A_451 = vector.shape_cast %broadcast_in_dim3A_146 : vector<16xf32> to vector<1x16xf32>
    tpu.vector_store %arg9[%swap3A_447, %swap3A_448], %swap3A_451 {strides = array<i32>} : memref<128x128xf32, #tpu.memory_space<vmem>>, vector<1x16xf32>,
    %swap3A_452 = arith.constant 102 : i32
    %swap3A_453 = arith.index_cast %swap3A_452 : i32 to index
    %swap3A_454 = arith.constant 48 : index
    %swap3A_455 = tpu.vector_load %arg9[%swap3A_453, %swap3A_454] {strides = array<i32>} : memref<128x128xf32, #tpu.memory_space<vmem>>, vector<1x16xf32>,
    %swap3A_456 = vector.shape_cast %swap3A_455 : vector<1x16xf32> to vector<16xf32>
    %swap3A_457 = vector.shape_cast %broadcast_in_dim3A_146 : vector<16xf32> to vector<1x16xf32>
    tpu.vector_store %arg9[%swap3A_453, %swap3A_454], %swap3A_457 {strides = array<i32>} : memref<128x128xf32, #tpu.memory_space<vmem>>, vector<1x16xf32>,
    %swap3A_458 = arith.constant 102 : i32
    %swap3A_459 = arith.index_cast %swap3A_458 : i32 to index
    %swap3A_460 = arith.constant 64 : index
    %swap3A_461 = tpu.vector_load %arg9[%swap3A_459, %swap3A_460] {strides = array<i32>} : memref<128x128xf32, #tpu.memory_space<vmem>>, vector<1x16xf32>,
    %swap3A_462 = vector.shape_cast %swap3A_461 : vector<1x16xf32> to vector<16xf32>
    %swap3A_463 = vector.shape_cast %broadcast_in_dim3A_146 : vector<16xf32> to vector<1x16xf32>
    tpu.vector_store %arg9[%swap3A_459, %swap3A_460], %swap3A_463 {strides = array<i32>} : memref<128x128xf32, #tpu.memory_space<vmem>>, vector<1x16xf32>,
    %swap3A_464 = arith.constant 102 : i32
    %swap3A_465 = arith.index_cast %swap3A_464 : i32 to index
    %swap3A_466 = arith.constant 80 : index
    %swap3A_467 = tpu.vector_load %arg9[%swap3A_465, %swap3A_466] {strides = array<i32>} : memref<128x128xf32, #tpu.memory_space<vmem>>, vector<1x16xf32>,
    %swap3A_468 = vector.shape_cast %swap3A_467 : vector<1x16xf32> to vector<16xf32>
    %swap3A_469 = vector.shape_cast %broadcast_in_dim3A_146 : vector<16xf32> to vector<1x16xf32>
    tpu.vector_store %arg9[%swap3A_465, %swap3A_466], %swap3A_469 {strides = array<i32>} : memref<128x128xf32, #tpu.memory_space<vmem>>, vector<1x16xf32>,
    %swap3A_470 = arith.constant 102 : i32
    %swap3A_471 = arith.index_cast %swap3A_470 : i32 to index
    %swap3A_472 = arith.constant 96 : index
    %swap3A_473 = tpu.vector_load %arg9[%swap3A_471, %swap3A_472] {strides = array<i32>} : memref<128x128xf32, #tpu.memory_space<vmem>>, vector<1x16xf32>,
    %swap3A_474 = vector.shape_cast %swap3A_473 : vector<1x16xf32> to vector<16xf32>
    %swap3A_475 = vector.shape_cast %broadcast_in_dim3A_146 : vector<16xf32> to vector<1x16xf32>
    tpu.vector_store %arg9[%swap3A_471, %swap3A_472], %swap3A_475 {strides = array<i32>} : memref<128x128xf32, #tpu.memory_space<vmem>>, vector<1x16xf32>,
    %swap3A_476 = arith.constant 102 : i32
    %swap3A_477 = arith.index_cast %swap3A_476 : i32 to index
    %swap3A_478 = arith.constant 112 : index
    %swap3A_479 = tpu.vector_load %arg9[%swap3A_477, %swap3A_478] {strides = array<i32>} : memref<128x128xf32, #tpu.memory_space<vmem>>, vector<1x16xf32>,
    %swap3A_480 = vector.shape_cast %swap3A_479 : vector<1x16xf32> to vector<16xf32>
    %swap3A_481 = vector.shape_cast %broadcast_in_dim3A_146 : vector<16xf32> to vector<1x16xf32>
    tpu.vector_store %arg9[%swap3A_477, %swap3A_478], %swap3A_481 {strides = array<i32>} : memref<128x128xf32, #tpu.memory_space<vmem>>, vector<1x16xf32>,
    %swap3A_482 = arith.constant 103 : i32
    %swap3A_483 = arith.index_cast %swap3A_482 : i32 to index
    %swap3A_484 = arith.constant 0 : index
    %swap3A_485 = tpu.vector_load %arg9[%swap3A_483, %swap3A_484] {strides = array<i32>} : memref<128x128xf32, #tpu.memory_space<vmem>>, vector<1x16xf32>,
    %swap3A_486 = vector.shape_cast %swap3A_485 : vector<1x16xf32> to vector<16xf32>
    %swap3A_487 = vector.shape_cast %broadcast_in_dim3A_146 : vector<16xf32> to vector<1x16xf32>
    tpu.vector_store %arg9[%swap3A_483, %swap3A_484], %swap3A_487 {strides = array<i32>} : memref<128x128xf32, #tpu.memory_space<vmem>>, vector<1x16xf32>,
    %swap3A_488 = arith.constant 103 : i32
    %swap3A_489 = arith.index_cast %swap3A_488 : i32 to index
    %swap3A_490 = arith.constant 16 : index
    %swap3A_491 = tpu.vector_load %arg9[%swap3A_489, %swap3A_490] {strides = array<i32>} : memref<128x128xf32, #tpu.memory_space<vmem>>, vector<1x16xf32>,
    %swap3A_492 = vector.shape_cast %swap3A_491 : vector<1x16xf32> to vector<16xf32>
    %swap3A_493 = vector.shape_cast %broadcast_in_dim3A_146 : vector<16xf32> to vector<1x16xf32>
    tpu.vector_store %arg9[%swap3A_489, %swap3A_490], %swap3A_493 {strides = array<i32>} : memref<128x128xf32, #tpu.memory_space<vmem>>, vector<1x16xf32>,
    %swap3A_494 = arith.constant 103 : i32
    %swap3A_495 = arith.index_cast %swap3A_494 : i32 to index
    %swap3A_496 = arith.constant 32 : index
    %swap3A_497 = tpu.vector_load %arg9[%swap3A_495, %swap3A_496] {strides = array<i32>} : memref<128x128xf32, #tpu.memory_space<vmem>>, vector<1x16xf32>,
    %swap3A_498 = vector.shape_cast %swap3A_497 : vector<1x16xf32> to vector<16xf32>
    %swap3A_499 = vector.shape_cast %broadcast_in_dim3A_146 : vector<16xf32> to vector<1x16xf32>
    tpu.vector_store %arg9[%swap3A_495, %swap3A_496], %swap3A_499 {strides = array<i32>} : memref<128x128xf32, #tpu.memory_space<vmem>>, vector<1x16xf32>,
    %swap3A_500 = arith.constant 103 : i32
    %swap3A_501 = arith.index_cast %swap3A_500 : i32 to index
    %swap3A_502 = arith.constant 48 : index
    %swap3A_503 = tpu.vector_load %arg9[%swap3A_501, %swap3A_502] {strides = array<i32>} : memref<128x128xf32, #tpu.memory_space<vmem>>, vector<1x16xf32>,
    %swap3A_504 = vector.shape_cast %swap3A_503 : vector<1x16xf32> to vector<16xf32>
    %swap3A_505 = vector.shape_cast %broadcast_in_dim3A_146 : vector<16xf32> to vector<1x16xf32>
    tpu.vector_store %arg9[%swap3A_501, %swap3A_502], %swap3A_505 {strides = array<i32>} : memref<128x128xf32, #tpu.memory_space<vmem>>, vector<1x16xf32>,
    %swap3A_506 = arith.constant 103 : i32
    %swap3A_507 = arith.index_cast %swap3A_506 : i32 to index
    %swap3A_508 = arith.constant 64 : index
    %swap3A_509 = tpu.vector_load %arg9[%swap3A_507, %swap3A_508] {strides = array<i32>} : memref<128x128xf32, #tpu.memory_space<vmem>>, vector<1x16xf32>,
    %swap3A_510 = vector.shape_cast %swap3A_509 : vector<1x16xf32> to vector<16xf32>
    %swap3A_511 = vector.shape_cast %broadcast_in_dim3A_146 : vector<16xf32> to vector<1x16xf32>
    tpu.vector_store %arg9[%swap3A_507, %swap3A_508], %swap3A_511 {strides = array<i32>} : memref<128x128xf32, #tpu.memory_space<vmem>>, vector<1x16xf32>,
    %swap3A_512 = arith.constant 103 : i32
    %swap3A_513 = arith.index_cast %swap3A_512 : i32 to index
    %swap3A_514 = arith.constant 80 : index
    %swap3A_515 = tpu.vector_load %arg9[%swap3A_513, %swap3A_514] {strides = array<i32>} : memref<128x128xf32, #tpu.memory_space<vmem>>, vector<1x16xf32>,
    %swap3A_516 = vector.shape_cast %swap3A_515 : vector<1x16xf32> to vector<16xf32>
    %swap3A_517 = vector.shape_cast %broadcast_in_dim3A_146 : vector<16xf32> to vector<1x16xf32>
    tpu.vector_store %arg9[%swap3A_513, %swap3A_514], %swap3A_517 {strides = array<i32>} : memref<128x128xf32, #tpu.memory_space<vmem>>, vector<1x16xf32>,
    %swap3A_518 = arith.constant 103 : i32
    %swap3A_519 = arith.index_cast %swap3A_518 : i32 to index
    %swap3A_520 = arith.constant 96 : index
    %swap3A_521 = tpu.vector_load %arg9[%swap3A_519, %swap3A_520] {strides = array<i32>} : memref<128x128xf32, #tpu.memory_space<vmem>>, vector<1x16xf32>,
    %swap3A_522 = vector.shape_cast %swap3A_521 : vector<1x16xf32> to vector<16xf32>
    %swap3A_523 = vector.shape_cast %broadcast_in_dim3A_146 : vector<16xf32> to vector<1x16xf32>
    tpu.vector_store %arg9[%swap3A_519, %swap3A_520], %swap3A_523 {strides = array<i32>} : memref<128x128xf32, #tpu.memory_space<vmem>>, vector<1x16xf32>,
    %swap3A_524 = arith.constant 103 : i32
    %swap3A_525 = arith.index_cast %swap3A_524 : i32 to index
    %swap3A_526 = arith.constant 112 : index
    %swap3A_527 = tpu.vector_load %arg9[%swap3A_525, %swap3A_526] {strides = array<i32>} : memref<128x128xf32, #tpu.memory_space<vmem>>, vector<1x16xf32>,
    %swap3A_528 = vector.shape_cast %swap3A_527 : vector<1x16xf32> to vector<16xf32>
    %swap3A_529 = vector.shape_cast %broadcast_in_dim3A_146 : vector<16xf32> to vector<1x16xf32>
    tpu.vector_store %arg9[%swap3A_525, %swap3A_526], %swap3A_529 {strides = array<i32>} : memref<128x128xf32, #tpu.memory_space<vmem>>, vector<1x16xf32>,
    %swap3A_530 = arith.constant 104 : i32
    %swap3A_531 = arith.index_cast %swap3A_530 : i32 to index
    %swap3A_532 = arith.constant 0 : index
    %swap3A_533 = tpu.vector_load %arg9[%swap3A_531, %swap3A_532] {strides = array<i32>} : memref<128x128xf32, #tpu.memory_space<vmem>>, vector<1x16xf32>,
    %swap3A_534 = vector.shape_cast %swap3A_533 : vector<1x16xf32> to vector<16xf32>
    %swap3A_535 = vector.shape_cast %broadcast_in_dim3A_146 : vector<16xf32> to vector<1x16xf32>
    tpu.vector_store %arg9[%swap3A_531, %swap3A_532], %swap3A_535 {strides = array<i32>} : memref<128x128xf32, #tpu.memory_space<vmem>>, vector<1x16xf32>,
    %swap3A_536 = arith.constant 104 : i32
    %swap3A_537 = arith.index_cast %swap3A_536 : i32 to index
    %swap3A_538 = arith.constant 16 : index
    %swap3A_539 = tpu.vector_load %arg9[%swap3A_537, %swap3A_538] {strides = array<i32>} : memref<128x128xf32, #tpu.memory_space<vmem>>, vector<1x16xf32>,
    %swap3A_540 = vector.shape_cast %swap3A_539 : vector<1x16xf32> to vector<16xf32>
    %swap3A_541 = vector.shape_cast %broadcast_in_dim3A_146 : vector<16xf32> to vector<1x16xf32>
    tpu.vector_store %arg9[%swap3A_537, %swap3A_538], %swap3A_541 {strides = array<i32>} : memref<128x128xf32, #tpu.memory_space<vmem>>, vector<1x16xf32>,
    %swap3A_542 = arith.constant 104 : i32
    %swap3A_543 = arith.index_cast %swap3A_542 : i32 to index
    %swap3A_544 = arith.constant 32 : index
    %swap3A_545 = tpu.vector_load %arg9[%swap3A_543, %swap3A_544] {strides = array<i32>} : memref<128x128xf32, #tpu.memory_space<vmem>>, vector<1x16xf32>,
    %swap3A_546 = vector.shape_cast %swap3A_545 : vector<1x16xf32> to vector<16xf32>
    %swap3A_547 = vector.shape_cast %broadcast_in_dim3A_146 : vector<16xf32> to vector<1x16xf32>
    tpu.vector_store %arg9[%swap3A_543, %swap3A_544], %swap3A_547 {strides = array<i32>} : memref<128x128xf32, #tpu.memory_space<vmem>>, vector<1x16xf32>,
    %swap3A_548 = arith.constant 104 : i32
    %swap3A_549 = arith.index_cast %swap3A_548 : i32 to index
    %swap3A_550 = arith.constant 48 : index
    %swap3A_551 = tpu.vector_load %arg9[%swap3A_549, %swap3A_550] {strides = array<i32>} : memref<128x128xf32, #tpu.memory_space<vmem>>, vector<1x16xf32>,
    %swap3A_552 = vector.shape_cast %swap3A_551 : vector<1x16xf32> to vector<16xf32>
    %swap3A_553 = vector.shape_cast %broadcast_in_dim3A_146 : vector<16xf32> to vector<1x16xf32>
    tpu.vector_store %arg9[%swap3A_549, %swap3A_550], %swap3A_553 {strides = array<i32>} : memref<128x128xf32, #tpu.memory_space<vmem>>, vector<1x16xf32>,
    %swap3A_554 = arith.constant 104 : i32
    %swap3A_555 = arith.index_cast %swap3A_554 : i32 to index
    %swap3A_556 = arith.constant 64 : index
    %swap3A_557 = tpu.vector_load %arg9[%swap3A_555, %swap3A_556] {strides = array<i32>} : memref<128x128xf32, #tpu.memory_space<vmem>>, vector<1x16xf32>,
    %swap3A_558 = vector.shape_cast %swap3A_557 : vector<1x16xf32> to vector<16xf32>
    %swap3A_559 = vector.shape_cast %broadcast_in_dim3A_146 : vector<16xf32> to vector<1x16xf32>
    tpu.vector_store %arg9[%swap3A_555, %swap3A_556], %swap3A_559 {strides = array<i32>} : memref<128x128xf32, #tpu.memory_space<vmem>>, vector<1x16xf32>,
    %swap3A_560 = arith.constant 104 : i32
    %swap3A_561 = arith.index_cast %swap3A_560 : i32 to index
    %swap3A_562 = arith.constant 80 : index
    %swap3A_563 = tpu.vector_load %arg9[%swap3A_561, %swap3A_562] {strides = array<i32>} : memref<128x128xf32, #tpu.memory_space<vmem>>, vector<1x16xf32>,
    %swap3A_564 = vector.shape_cast %swap3A_563 : vector<1x16xf32> to vector<16xf32>
    %swap3A_565 = vector.shape_cast %broadcast_in_dim3A_146 : vector<16xf32> to vector<1x16xf32>
    tpu.vector_store %arg9[%swap3A_561, %swap3A_562], %swap3A_565 {strides = array<i32>} : memref<128x128xf32, #tpu.memory_space<vmem>>, vector<1x16xf32>,
    %swap3A_566 = arith.constant 104 : i32
    %swap3A_567 = arith.index_cast %swap3A_566 : i32 to index
    %swap3A_568 = arith.constant 96 : index
    %swap3A_569 = tpu.vector_load %arg9[%swap3A_567, %swap3A_568] {strides = array<i32>} : memref<128x128xf32, #tpu.memory_space<vmem>>, vector<1x16xf32>,
    %swap3A_570 = vector.shape_cast %swap3A_569 : vector<1x16xf32> to vector<16xf32>
    %swap3A_571 = vector.shape_cast %broadcast_in_dim3A_146 : vector<16xf32> to vector<1x16xf32>
    tpu.vector_store %arg9[%swap3A_567, %swap3A_568], %swap3A_571 {strides = array<i32>} : memref<128x128xf32, #tpu.memory_space<vmem>>, vector<1x16xf32>,
    %swap3A_572 = arith.constant 104 : i32
    %swap3A_573 = arith.index_cast %swap3A_572 : i32 to index
    %swap3A_574 = arith.constant 112 : index
    %swap3A_575 = tpu.vector_load %arg9[%swap3A_573, %swap3A_574] {strides = array<i32>} : memref<128x128xf32, #tpu.memory_space<vmem>>, vector<1x16xf32>,
    %swap3A_576 = vector.shape_cast %swap3A_575 : vector<1x16xf32> to vector<16xf32>
    %swap3A_577 = vector.shape_cast %broadcast_in_dim3A_146 : vector<16xf32> to vector<1x16xf32>
    tpu.vector_store %arg9[%swap3A_573, %swap3A_574], %swap3A_577 {strides = array<i32>} : memref<128x128xf32, #tpu.memory_space<vmem>>, vector<1x16xf32>,
    %swap3A_578 = arith.constant 105 : i32
    %swap3A_579 = arith.index_cast %swap3A_578 : i32 to index
    %swap3A_580 = arith.constant 0 : index
    %swap3A_581 = tpu.vector_load %arg9[%swap3A_579, %swap3A_580] {strides = array<i32>} : memref<128x128xf32, #tpu.memory_space<vmem>>, vector<1x16xf32>,
    %swap3A_582 = vector.shape_cast %swap3A_581 : vector<1x16xf32> to vector<16xf32>
    %swap3A_583 = vector.shape_cast %broadcast_in_dim3A_146 : vector<16xf32> to vector<1x16xf32>
    tpu.vector_store %arg9[%swap3A_579, %swap3A_580], %swap3A_583 {strides = array<i32>} : memref<128x128xf32, #tpu.memory_space<vmem>>, vector<1x16xf32>,
    %swap3A_584 = arith.constant 105 : i32
    %swap3A_585 = arith.index_cast %swap3A_584 : i32 to index
    %swap3A_586 = arith.constant 16 : index
    %swap3A_587 = tpu.vector_load %arg9[%swap3A_585, %swap3A_586] {strides = array<i32>} : memref<128x128xf32, #tpu.memory_space<vmem>>, vector<1x16xf32>,
    %swap3A_588 = vector.shape_cast %swap3A_587 : vector<1x16xf32> to vector<16xf32>
    %swap3A_589 = vector.shape_cast %broadcast_in_dim3A_146 : vector<16xf32> to vector<1x16xf32>
    tpu.vector_store %arg9[%swap3A_585, %swap3A_586], %swap3A_589 {strides = array<i32>} : memref<128x128xf32, #tpu.memory_space<vmem>>, vector<1x16xf32>,
    %swap3A_590 = arith.constant 105 : i32
    %swap3A_591 = arith.index_cast %swap3A_590 : i32 to index
    %swap3A_592 = arith.constant 32 : index
    %swap3A_593 = tpu.vector_load %arg9[%swap3A_591, %swap3A_592] {strides = array<i32>} : memref<128x128xf32, #tpu.memory_space<vmem>>, vector<1x16xf32>,
    %swap3A_594 = vector.shape_cast %swap3A_593 : vector<1x16xf32> to vector<16xf32>
    %swap3A_595 = vector.shape_cast %broadcast_in_dim3A_146 : vector<16xf32> to vector<1x16xf32>
    tpu.vector_store %arg9[%swap3A_591, %swap3A_592], %swap3A_595 {strides = array<i32>} : memref<128x128xf32, #tpu.memory_space<vmem>>, vector<1x16xf32>,
    %swap3A_596 = arith.constant 105 : i32
    %swap3A_597 = arith.index_cast %swap3A_596 : i32 to index
    %swap3A_598 = arith.constant 48 : index
    %swap3A_599 = tpu.vector_load %arg9[%swap3A_597, %swap3A_598] {strides = array<i32>} : memref<128x128xf32, #tpu.memory_space<vmem>>, vector<1x16xf32>,
    %swap3A_600 = vector.shape_cast %swap3A_599 : vector<1x16xf32> to vector<16xf32>
    %swap3A_601 = vector.shape_cast %broadcast_in_dim3A_146 : vector<16xf32> to vector<1x16xf32>
    tpu.vector_store %arg9[%swap3A_597, %swap3A_598], %swap3A_601 {strides = array<i32>} : memref<128x128xf32, #tpu.memory_space<vmem>>, vector<1x16xf32>,
    %swap3A_602 = arith.constant 105 : i32
    %swap3A_603 = arith.index_cast %swap3A_602 : i32 to index
    %swap3A_604 = arith.constant 64 : index
    %swap3A_605 = tpu.vector_load %arg9[%swap3A_603, %swap3A_604] {strides = array<i32>} : memref<128x128xf32, #tpu.memory_space<vmem>>, vector<1x16xf32>,
    %swap3A_606 = vector.shape_cast %swap3A_605 : vector<1x16xf32> to vector<16xf32>
    %swap3A_607 = vector.shape_cast %broadcast_in_dim3A_146 : vector<16xf32> to vector<1x16xf32>
    tpu.vector_store %arg9[%swap3A_603, %swap3A_604], %swap3A_607 {strides = array<i32>} : memref<128x128xf32, #tpu.memory_space<vmem>>, vector<1x16xf32>,
    %swap3A_608 = arith.constant 105 : i32
    %swap3A_609 = arith.index_cast %swap3A_608 : i32 to index
    %swap3A_610 = arith.constant 80 : index
    %swap3A_611 = tpu.vector_load %arg9[%swap3A_609, %swap3A_610] {strides = array<i32>} : memref<128x128xf32, #tpu.memory_space<vmem>>, vector<1x16xf32>,
    %swap3A_612 = vector.shape_cast %swap3A_611 : vector<1x16xf32> to vector<16xf32>
    %swap3A_613 = vector.shape_cast %broadcast_in_dim3A_146 : vector<16xf32> to vector<1x16xf32>
    tpu.vector_store %arg9[%swap3A_609, %swap3A_610], %swap3A_613 {strides = array<i32>} : memref<128x128xf32, #tpu.memory_space<vmem>>, vector<1x16xf32>,
    %swap3A_614 = arith.constant 105 : i32
    %swap3A_615 = arith.index_cast %swap3A_614 : i32 to index
    %swap3A_616 = arith.constant 96 : index
    %swap3A_617 = tpu.vector_load %arg9[%swap3A_615, %swap3A_616] {strides = array<i32>} : memref<128x128xf32, #tpu.memory_space<vmem>>, vector<1x16xf32>,
    %swap3A_618 = vector.shape_cast %swap3A_617 : vector<1x16xf32> to vector<16xf32>
    %swap3A_619 = vector.shape_cast %broadcast_in_dim3A_146 : vector<16xf32> to vector<1x16xf32>
    tpu.vector_store %arg9[%swap3A_615, %swap3A_616], %swap3A_619 {strides = array<i32>} : memref<128x128xf32, #tpu.memory_space<vmem>>, vector<1x16xf32>,
    %swap3A_620 = arith.constant 105 : i32
    %swap3A_621 = arith.index_cast %swap3A_620 : i32 to index
    %swap3A_622 = arith.constant 112 : index
    %swap3A_623 = tpu.vector_load %arg9[%swap3A_621, %swap3A_622] {strides = array<i32>} : memref<128x128xf32, #tpu.memory_space<vmem>>, vector<1x16xf32>,
    %swap3A_624 = vector.shape_cast %swap3A_623 : vector<1x16xf32> to vector<16xf32>
    %swap3A_625 = vector.shape_cast %broadcast_in_dim3A_146 : vector<16xf32> to vector<1x16xf32>
    tpu.vector_store %arg9[%swap3A_621, %swap3A_622], %swap3A_625 {strides = array<i32>} : memref<128x128xf32, #tpu.memory_space<vmem>>, vector<1x16xf32>,
    %swap3A_626 = arith.constant 106 : i32
    %swap3A_627 = arith.index_cast %swap3A_626 : i32 to index
    %swap3A_628 = arith.constant 0 : index
    %swap3A_629 = tpu.vector_load %arg9[%swap3A_627, %swap3A_628] {strides = array<i32>} : memref<128x128xf32, #tpu.memory_space<vmem>>, vector<1x16xf32>,
    %swap3A_630 = vector.shape_cast %swap3A_629 : vector<1x16xf32> to vector<16xf32>
    %swap3A_631 = vector.shape_cast %broadcast_in_dim3A_146 : vector<16xf32> to vector<1x16xf32>
    tpu.vector_store %arg9[%swap3A_627, %swap3A_628], %swap3A_631 {strides = array<i32>} : memref<128x128xf32, #tpu.memory_space<vmem>>, vector<1x16xf32>,
    %swap3A_632 = arith.constant 106 : i32
    %swap3A_633 = arith.index_cast %swap3A_632 : i32 to index
    %swap3A_634 = arith.constant 16 : index
    %swap3A_635 = tpu.vector_load %arg9[%swap3A_633, %swap3A_634] {strides = array<i32>} : memref<128x128xf32, #tpu.memory_space<vmem>>, vector<1x16xf32>,
    %swap3A_636 = vector.shape_cast %swap3A_635 : vector<1x16xf32> to vector<16xf32>
    %swap3A_637 = vector.shape_cast %broadcast_in_dim3A_146 : vector<16xf32> to vector<1x16xf32>
    tpu.vector_store %arg9[%swap3A_633, %swap3A_634], %swap3A_637 {strides = array<i32>} : memref<128x128xf32, #tpu.memory_space<vmem>>, vector<1x16xf32>,
    %swap3A_638 = arith.constant 106 : i32
    %swap3A_639 = arith.index_cast %swap3A_638 : i32 to index
    %swap3A_640 = arith.constant 32 : index
    %swap3A_641 = tpu.vector_load %arg9[%swap3A_639, %swap3A_640] {strides = array<i32>} : memref<128x128xf32, #tpu.memory_space<vmem>>, vector<1x16xf32>,
    %swap3A_642 = vector.shape_cast %swap3A_641 : vector<1x16xf32> to vector<16xf32>
    %swap3A_643 = vector.shape_cast %broadcast_in_dim3A_146 : vector<16xf32> to vector<1x16xf32>
    tpu.vector_store %arg9[%swap3A_639, %swap3A_640], %swap3A_643 {strides = array<i32>} : memref<128x128xf32, #tpu.memory_space<vmem>>, vector<1x16xf32>,
    %swap3A_644 = arith.constant 106 : i32
    %swap3A_645 = arith.index_cast %swap3A_644 : i32 to index
    %swap3A_646 = arith.constant 48 : index
    %swap3A_647 = tpu.vector_load %arg9[%swap3A_645, %swap3A_646] {strides = array<i32>} : memref<128x128xf32, #tpu.memory_space<vmem>>, vector<1x16xf32>,
    %swap3A_648 = vector.shape_cast %swap3A_647 : vector<1x16xf32> to vector<16xf32>
    %swap3A_649 = vector.shape_cast %broadcast_in_dim3A_146 : vector<16xf32> to vector<1x16xf32>
    tpu.vector_store %arg9[%swap3A_645, %swap3A_646], %swap3A_649 {strides = array<i32>} : memref<128x128xf32, #tpu.memory_space<vmem>>, vector<1x16xf32>,
    %swap3A_650 = arith.constant 106 : i32
    %swap3A_651 = arith.index_cast %swap3A_650 : i32 to index
    %swap3A_652 = arith.constant 64 : index
    %swap3A_653 = tpu.vector_load %arg9[%swap3A_651, %swap3A_652] {strides = array<i32>} : memref<128x128xf32, #tpu.memory_space<vmem>>, vector<1x16xf32>,
    %swap3A_654 = vector.shape_cast %swap3A_653 : vector<1x16xf32> to vector<16xf32>
    %swap3A_655 = vector.shape_cast %broadcast_in_dim3A_146 : vector<16xf32> to vector<1x16xf32>
    tpu.vector_store %arg9[%swap3A_651, %swap3A_652], %swap3A_655 {strides = array<i32>} : memref<128x128xf32, #tpu.memory_space<vmem>>, vector<1x16xf32>,
    %swap3A_656 = arith.constant 106 : i32
    %swap3A_657 = arith.index_cast %swap3A_656 : i32 to index
    %swap3A_658 = arith.constant 80 : index
    %swap3A_659 = tpu.vector_load %arg9[%swap3A_657, %swap3A_658] {strides = array<i32>} : memref<128x128xf32, #tpu.memory_space<vmem>>, vector<1x16xf32>,
    %swap3A_660 = vector.shape_cast %swap3A_659 : vector<1x16xf32> to vector<16xf32>
    %swap3A_661 = vector.shape_cast %broadcast_in_dim3A_146 : vector<16xf32> to vector<1x16xf32>
    tpu.vector_store %arg9[%swap3A_657, %swap3A_658], %swap3A_661 {strides = array<i32>} : memref<128x128xf32, #tpu.memory_space<vmem>>, vector<1x16xf32>,
    %swap3A_662 = arith.constant 106 : i32
    %swap3A_663 = arith.index_cast %swap3A_662 : i32 to index
    %swap3A_664 = arith.constant 96 : index
    %swap3A_665 = tpu.vector_load %arg9[%swap3A_663, %swap3A_664] {strides = array<i32>} : memref<128x128xf32, #tpu.memory_space<vmem>>, vector<1x16xf32>,
    %swap3A_666 = vector.shape_cast %swap3A_665 : vector<1x16xf32> to vector<16xf32>
    %swap3A_667 = vector.shape_cast %broadcast_in_dim3A_146 : vector<16xf32> to vector<1x16xf32>
    tpu.vector_store %arg9[%swap3A_663, %swap3A_664], %swap3A_667 {strides = array<i32>} : memref<128x128xf32, #tpu.memory_space<vmem>>, vector<1x16xf32>,
    %swap3A_668 = arith.constant 106 : i32
    %swap3A_669 = arith.index_cast %swap3A_668 : i32 to index
    %swap3A_670 = arith.constant 112 : index
    %swap3A_671 = tpu.vector_load %arg9[%swap3A_669, %swap3A_670] {strides = array<i32>} : memref<128x128xf32, #tpu.memory_space<vmem>>, vector<1x16xf32>,
    %swap3A_672 = vector.shape_cast %swap3A_671 : vector<1x16xf32> to vector<16xf32>
    %swap3A_673 = vector.shape_cast %broadcast_in_dim3A_146 : vector<16xf32> to vector<1x16xf32>
    tpu.vector_store %arg9[%swap3A_669, %swap3A_670], %swap3A_673 {strides = array<i32>} : memref<128x128xf32, #tpu.memory_space<vmem>>, vector<1x16xf32>,
    %swap3A_674 = arith.constant 107 : i32
    %swap3A_675 = arith.index_cast %swap3A_674 : i32 to index
    %swap3A_676 = arith.constant 0 : index
    %swap3A_677 = tpu.vector_load %arg9[%swap3A_675, %swap3A_676] {strides = array<i32>} : memref<128x128xf32, #tpu.memory_space<vmem>>, vector<1x16xf32>,
    %swap3A_678 = vector.shape_cast %swap3A_677 : vector<1x16xf32> to vector<16xf32>
    %swap3A_679 = vector.shape_cast %broadcast_in_dim3A_146 : vector<16xf32> to vector<1x16xf32>
    tpu.vector_store %arg9[%swap3A_675, %swap3A_676], %swap3A_679 {strides = array<i32>} : memref<128x128xf32, #tpu.memory_space<vmem>>, vector<1x16xf32>,
    %swap3A_680 = arith.constant 107 : i32
    %swap3A_681 = arith.index_cast %swap3A_680 : i32 to index
    %swap3A_682 = arith.constant 16 : index
    %swap3A_683 = tpu.vector_load %arg9[%swap3A_681, %swap3A_682] {strides = array<i32>} : memref<128x128xf32, #tpu.memory_space<vmem>>, vector<1x16xf32>,
    %swap3A_684 = vector.shape_cast %swap3A_683 : vector<1x16xf32> to vector<16xf32>
    %swap3A_685 = vector.shape_cast %broadcast_in_dim3A_146 : vector<16xf32> to vector<1x16xf32>
    tpu.vector_store %arg9[%swap3A_681, %swap3A_682], %swap3A_685 {strides = array<i32>} : memref<128x128xf32, #tpu.memory_space<vmem>>, vector<1x16xf32>,
    %swap3A_686 = arith.constant 107 : i32
    %swap3A_687 = arith.index_cast %swap3A_686 : i32 to index
    %swap3A_688 = arith.constant 32 : index
    %swap3A_689 = tpu.vector_load %arg9[%swap3A_687, %swap3A_688] {strides = array<i32>} : memref<128x128xf32, #tpu.memory_space<vmem>>, vector<1x16xf32>,
    %swap3A_690 = vector.shape_cast %swap3A_689 : vector<1x16xf32> to vector<16xf32>
    %swap3A_691 = vector.shape_cast %broadcast_in_dim3A_146 : vector<16xf32> to vector<1x16xf32>
    tpu.vector_store %arg9[%swap3A_687, %swap3A_688], %swap3A_691 {strides = array<i32>} : memref<128x128xf32, #tpu.memory_space<vmem>>, vector<1x16xf32>,
    %swap3A_692 = arith.constant 107 : i32
    %swap3A_693 = arith.index_cast %swap3A_692 : i32 to index
    %swap3A_694 = arith.constant 48 : index
    %swap3A_695 = tpu.vector_load %arg9[%swap3A_693, %swap3A_694] {strides = array<i32>} : memref<128x128xf32, #tpu.memory_space<vmem>>, vector<1x16xf32>,
    %swap3A_696 = vector.shape_cast %swap3A_695 : vector<1x16xf32> to vector<16xf32>
    %swap3A_697 = vector.shape_cast %broadcast_in_dim3A_146 : vector<16xf32> to vector<1x16xf32>
    tpu.vector_store %arg9[%swap3A_693, %swap3A_694], %swap3A_697 {strides = array<i32>} : memref<128x128xf32, #tpu.memory_space<vmem>>, vector<1x16xf32>,
    %swap3A_698 = arith.constant 107 : i32
    %swap3A_699 = arith.index_cast %swap3A_698 : i32 to index
    %swap3A_700 = arith.constant 64 : index
    %swap3A_701 = tpu.vector_load %arg9[%swap3A_699, %swap3A_700] {strides = array<i32>} : memref<128x128xf32, #tpu.memory_space<vmem>>, vector<1x16xf32>,
    %swap3A_702 = vector.shape_cast %swap3A_701 : vector<1x16xf32> to vector<16xf32>
    %swap3A_703 = vector.shape_cast %broadcast_in_dim3A_146 : vector<16xf32> to vector<1x16xf32>
    tpu.vector_store %arg9[%swap3A_699, %swap3A_700], %swap3A_703 {strides = array<i32>} : memref<128x128xf32, #tpu.memory_space<vmem>>, vector<1x16xf32>,
    %swap3A_704 = arith.constant 107 : i32
    %swap3A_705 = arith.index_cast %swap3A_704 : i32 to index
    %swap3A_706 = arith.constant 80 : index
    %swap3A_707 = tpu.vector_load %arg9[%swap3A_705, %swap3A_706] {strides = array<i32>} : memref<128x128xf32, #tpu.memory_space<vmem>>, vector<1x16xf32>,
    %swap3A_708 = vector.shape_cast %swap3A_707 : vector<1x16xf32> to vector<16xf32>
    %swap3A_709 = vector.shape_cast %broadcast_in_dim3A_146 : vector<16xf32> to vector<1x16xf32>
    tpu.vector_store %arg9[%swap3A_705, %swap3A_706], %swap3A_709 {strides = array<i32>} : memref<128x128xf32, #tpu.memory_space<vmem>>, vector<1x16xf32>,
    %swap3A_710 = arith.constant 107 : i32
    %swap3A_711 = arith.index_cast %swap3A_710 : i32 to index
    %swap3A_712 = arith.constant 96 : index
    %swap3A_713 = tpu.vector_load %arg9[%swap3A_711, %swap3A_712] {strides = array<i32>} : memref<128x128xf32, #tpu.memory_space<vmem>>, vector<1x16xf32>,
    %swap3A_714 = vector.shape_cast %swap3A_713 : vector<1x16xf32> to vector<16xf32>
    %swap3A_715 = vector.shape_cast %broadcast_in_dim3A_146 : vector<16xf32> to vector<1x16xf32>
    tpu.vector_store %arg9[%swap3A_711, %swap3A_712], %swap3A_715 {strides = array<i32>} : memref<128x128xf32, #tpu.memory_space<vmem>>, vector<1x16xf32>,
    %swap3A_716 = arith.constant 107 : i32
    %swap3A_717 = arith.index_cast %swap3A_716 : i32 to index
    %swap3A_718 = arith.constant 112 : index
    %swap3A_719 = tpu.vector_load %arg9[%swap3A_717, %swap3A_718] {strides = array<i32>} : memref<128x128xf32, #tpu.memory_space<vmem>>, vector<1x16xf32>,
    %swap3A_720 = vector.shape_cast %swap3A_719 : vector<1x16xf32> to vector<16xf32>
    %swap3A_721 = vector.shape_cast %broadcast_in_dim3A_146 : vector<16xf32> to vector<1x16xf32>
    tpu.vector_store %arg9[%swap3A_717, %swap3A_718], %swap3A_721 {strides = array<i32>} : memref<128x128xf32, #tpu.memory_space<vmem>>, vector<1x16xf32>,
    %swap3A_722 = arith.constant 108 : i32
    %swap3A_723 = arith.index_cast %swap3A_722 : i32 to index
    %swap3A_724 = arith.constant 0 : index
    %swap3A_725 = tpu.vector_load %arg9[%swap3A_723, %swap3A_724] {strides = array<i32>} : memref<128x128xf32, #tpu.memory_space<vmem>>, vector<1x16xf32>,
    %swap3A_726 = vector.shape_cast %swap3A_725 : vector<1x16xf32> to vector<16xf32>
    %swap3A_727 = vector.shape_cast %broadcast_in_dim3A_146 : vector<16xf32> to vector<1x16xf32>
    tpu.vector_store %arg9[%swap3A_723, %swap3A_724], %swap3A_727 {strides = array<i32>} : memref<128x128xf32, #tpu.memory_space<vmem>>, vector<1x16xf32>,
    %swap3A_728 = arith.constant 108 : i32
    %swap3A_729 = arith.index_cast %swap3A_728 : i32 to index
    %swap3A_730 = arith.constant 16 : index
    %swap3A_731 = tpu.vector_load %arg9[%swap3A_729, %swap3A_730] {strides = array<i32>} : memref<128x128xf32, #tpu.memory_space<vmem>>, vector<1x16xf32>,
    %swap3A_732 = vector.shape_cast %swap3A_731 : vector<1x16xf32> to vector<16xf32>
    %swap3A_733 = vector.shape_cast %broadcast_in_dim3A_146 : vector<16xf32> to vector<1x16xf32>
    tpu.vector_store %arg9[%swap3A_729, %swap3A_730], %swap3A_733 {strides = array<i32>} : memref<128x128xf32, #tpu.memory_space<vmem>>, vector<1x16xf32>,
    %swap3A_734 = arith.constant 108 : i32
    %swap3A_735 = arith.index_cast %swap3A_734 : i32 to index
    %swap3A_736 = arith.constant 32 : index
    %swap3A_737 = tpu.vector_load %arg9[%swap3A_735, %swap3A_736] {strides = array<i32>} : memref<128x128xf32, #tpu.memory_space<vmem>>, vector<1x16xf32>,
    %swap3A_738 = vector.shape_cast %swap3A_737 : vector<1x16xf32> to vector<16xf32>
    %swap3A_739 = vector.shape_cast %broadcast_in_dim3A_146 : vector<16xf32> to vector<1x16xf32>
    tpu.vector_store %arg9[%swap3A_735, %swap3A_736], %swap3A_739 {strides = array<i32>} : memref<128x128xf32, #tpu.memory_space<vmem>>, vector<1x16xf32>,
    %swap3A_740 = arith.constant 108 : i32
    %swap3A_741 = arith.index_cast %swap3A_740 : i32 to index
    %swap3A_742 = arith.constant 48 : index
    %swap3A_743 = tpu.vector_load %arg9[%swap3A_741, %swap3A_742] {strides = array<i32>} : memref<128x128xf32, #tpu.memory_space<vmem>>, vector<1x16xf32>,
    %swap3A_744 = vector.shape_cast %swap3A_743 : vector<1x16xf32> to vector<16xf32>
    %swap3A_745 = vector.shape_cast %broadcast_in_dim3A_146 : vector<16xf32> to vector<1x16xf32>
    tpu.vector_store %arg9[%swap3A_741, %swap3A_742], %swap3A_745 {strides = array<i32>} : memref<128x128xf32, #tpu.memory_space<vmem>>, vector<1x16xf32>,
    %swap3A_746 = arith.constant 108 : i32
    %swap3A_747 = arith.index_cast %swap3A_746 : i32 to index
    %swap3A_748 = arith.constant 64 : index
    %swap3A_749 = tpu.vector_load %arg9[%swap3A_747, %swap3A_748] {strides = array<i32>} : memref<128x128xf32, #tpu.memory_space<vmem>>, vector<1x16xf32>,
    %swap3A_750 = vector.shape_cast %swap3A_749 : vector<1x16xf32> to vector<16xf32>
    %swap3A_751 = vector.shape_cast %broadcast_in_dim3A_146 : vector<16xf32> to vector<1x16xf32>
    tpu.vector_store %arg9[%swap3A_747, %swap3A_748], %swap3A_751 {strides = array<i32>} : memref<128x128xf32, #tpu.memory_space<vmem>>, vector<1x16xf32>,
    %swap3A_752 = arith.constant 108 : i32
    %swap3A_753 = arith.index_cast %swap3A_752 : i32 to index
    %swap3A_754 = arith.constant 80 : index
    %swap3A_755 = tpu.vector_load %arg9[%swap3A_753, %swap3A_754] {strides = array<i32>} : memref<128x128xf32, #tpu.memory_space<vmem>>, vector<1x16xf32>,
    %swap3A_756 = vector.shape_cast %swap3A_755 : vector<1x16xf32> to vector<16xf32>
    %swap3A_757 = vector.shape_cast %broadcast_in_dim3A_146 : vector<16xf32> to vector<1x16xf32>
    tpu.vector_store %arg9[%swap3A_753, %swap3A_754], %swap3A_757 {strides = array<i32>} : memref<128x128xf32, #tpu.memory_space<vmem>>, vector<1x16xf32>,
    %swap3A_758 = arith.constant 108 : i32
    %swap3A_759 = arith.index_cast %swap3A_758 : i32 to index
    %swap3A_760 = arith.constant 96 : index
    %swap3A_761 = tpu.vector_load %arg9[%swap3A_759, %swap3A_760] {strides = array<i32>} : memref<128x128xf32, #tpu.memory_space<vmem>>, vector<1x16xf32>,
    %swap3A_762 = vector.shape_cast %swap3A_761 : vector<1x16xf32> to vector<16xf32>
    %swap3A_763 = vector.shape_cast %broadcast_in_dim3A_146 : vector<16xf32> to vector<1x16xf32>
    tpu.vector_store %arg9[%swap3A_759, %swap3A_760], %swap3A_763 {strides = array<i32>} : memref<128x128xf32, #tpu.memory_space<vmem>>, vector<1x16xf32>,
    %swap3A_764 = arith.constant 108 : i32
    %swap3A_765 = arith.index_cast %swap3A_764 : i32 to index
    %swap3A_766 = arith.constant 112 : index
    %swap3A_767 = tpu.vector_load %arg9[%swap3A_765, %swap3A_766] {strides = array<i32>} : memref<128x128xf32, #tpu.memory_space<vmem>>, vector<1x16xf32>,
    %swap3A_768 = vector.shape_cast %swap3A_767 : vector<1x16xf32> to vector<16xf32>
    %swap3A_769 = vector.shape_cast %broadcast_in_dim3A_146 : vector<16xf32> to vector<1x16xf32>
    tpu.vector_store %arg9[%swap3A_765, %swap3A_766], %swap3A_769 {strides = array<i32>} : memref<128x128xf32, #tpu.memory_space<vmem>>, vector<1x16xf32>,
    %swap3A_770 = arith.constant 109 : i32
    %swap3A_771 = arith.index_cast %swap3A_770 : i32 to index
    %swap3A_772 = arith.constant 0 : index
    %swap3A_773 = tpu.vector_load %arg9[%swap3A_771, %swap3A_772] {strides = array<i32>} : memref<128x128xf32, #tpu.memory_space<vmem>>, vector<1x16xf32>,
    %swap3A_774 = vector.shape_cast %swap3A_773 : vector<1x16xf32> to vector<16xf32>
    %swap3A_775 = vector.shape_cast %broadcast_in_dim3A_146 : vector<16xf32> to vector<1x16xf32>
    tpu.vector_store %arg9[%swap3A_771, %swap3A_772], %swap3A_775 {strides = array<i32>} : memref<128x128xf32, #tpu.memory_space<vmem>>, vector<1x16xf32>,
    %swap3A_776 = arith.constant 109 : i32
    %swap3A_777 = arith.index_cast %swap3A_776 : i32 to index
    %swap3A_778 = arith.constant 16 : index
    %swap3A_779 = tpu.vector_load %arg9[%swap3A_777, %swap3A_778] {strides = array<i32>} : memref<128x128xf32, #tpu.memory_space<vmem>>, vector<1x16xf32>,
    %swap3A_780 = vector.shape_cast %swap3A_779 : vector<1x16xf32> to vector<16xf32>
    %swap3A_781 = vector.shape_cast %broadcast_in_dim3A_146 : vector<16xf32> to vector<1x16xf32>
    tpu.vector_store %arg9[%swap3A_777, %swap3A_778], %swap3A_781 {strides = array<i32>} : memref<128x128xf32, #tpu.memory_space<vmem>>, vector<1x16xf32>,
    %swap3A_782 = arith.constant 109 : i32
    %swap3A_783 = arith.index_cast %swap3A_782 : i32 to index
    %swap3A_784 = arith.constant 32 : index
    %swap3A_785 = tpu.vector_load %arg9[%swap3A_783, %swap3A_784] {strides = array<i32>} : memref<128x128xf32, #tpu.memory_space<vmem>>, vector<1x16xf32>,
    %swap3A_786 = vector.shape_cast %swap3A_785 : vector<1x16xf32> to vector<16xf32>
    %swap3A_787 = vector.shape_cast %broadcast_in_dim3A_146 : vector<16xf32> to vector<1x16xf32>
    tpu.vector_store %arg9[%swap3A_783, %swap3A_784], %swap3A_787 {strides = array<i32>} : memref<128x128xf32, #tpu.memory_space<vmem>>, vector<1x16xf32>,
    %swap3A_788 = arith.constant 109 : i32
    %swap3A_789 = arith.index_cast %swap3A_788 : i32 to index
    %swap3A_790 = arith.constant 48 : index
    %swap3A_791 = tpu.vector_load %arg9[%swap3A_789, %swap3A_790] {strides = array<i32>} : memref<128x128xf32, #tpu.memory_space<vmem>>, vector<1x16xf32>,
    %swap3A_792 = vector.shape_cast %swap3A_791 : vector<1x16xf32> to vector<16xf32>
    %swap3A_793 = vector.shape_cast %broadcast_in_dim3A_146 : vector<16xf32> to vector<1x16xf32>
    tpu.vector_store %arg9[%swap3A_789, %swap3A_790], %swap3A_793 {strides = array<i32>} : memref<128x128xf32, #tpu.memory_space<vmem>>, vector<1x16xf32>,
    %swap3A_794 = arith.constant 109 : i32
    %swap3A_795 = arith.index_cast %swap3A_794 : i32 to index
    %swap3A_796 = arith.constant 64 : index
    %swap3A_797 = tpu.vector_load %arg9[%swap3A_795, %swap3A_796] {strides = array<i32>} : memref<128x128xf32, #tpu.memory_space<vmem>>, vector<1x16xf32>,
    %swap3A_798 = vector.shape_cast %swap3A_797 : vector<1x16xf32> to vector<16xf32>
    %swap3A_799 = vector.shape_cast %broadcast_in_dim3A_146 : vector<16xf32> to vector<1x16xf32>
    tpu.vector_store %arg9[%swap3A_795, %swap3A_796], %swap3A_799 {strides = array<i32>} : memref<128x128xf32, #tpu.memory_space<vmem>>, vector<1x16xf32>,
    %swap3A_800 = arith.constant 109 : i32
    %swap3A_801 = arith.index_cast %swap3A_800 : i32 to index
    %swap3A_802 = arith.constant 80 : index
    %swap3A_803 = tpu.vector_load %arg9[%swap3A_801, %swap3A_802] {strides = array<i32>} : memref<128x128xf32, #tpu.memory_space<vmem>>, vector<1x16xf32>,
    %swap3A_804 = vector.shape_cast %swap3A_803 : vector<1x16xf32> to vector<16xf32>
    %swap3A_805 = vector.shape_cast %broadcast_in_dim3A_146 : vector<16xf32> to vector<1x16xf32>
    tpu.vector_store %arg9[%swap3A_801, %swap3A_802], %swap3A_805 {strides = array<i32>} : memref<128x128xf32, #tpu.memory_space<vmem>>, vector<1x16xf32>,
    %swap3A_806 = arith.constant 109 : i32
    %swap3A_807 = arith.index_cast %swap3A_806 : i32 to index
    %swap3A_808 = arith.constant 96 : index
    %swap3A_809 = tpu.vector_load %arg9[%swap3A_807, %swap3A_808] {strides = array<i32>} : memref<128x128xf32, #tpu.memory_space<vmem>>, vector<1x16xf32>,
    %swap3A_810 = vector.shape_cast %swap3A_809 : vector<1x16xf32> to vector<16xf32>
    %swap3A_811 = vector.shape_cast %broadcast_in_dim3A_146 : vector<16xf32> to vector<1x16xf32>
    tpu.vector_store %arg9[%swap3A_807, %swap3A_808], %swap3A_811 {strides = array<i32>} : memref<128x128xf32, #tpu.memory_space<vmem>>, vector<1x16xf32>,
    %swap3A_812 = arith.constant 109 : i32
    %swap3A_813 = arith.index_cast %swap3A_812 : i32 to index
    %swap3A_814 = arith.constant 112 : index
    %swap3A_815 = tpu.vector_load %arg9[%swap3A_813, %swap3A_814] {strides = array<i32>} : memref<128x128xf32, #tpu.memory_space<vmem>>, vector<1x16xf32>,
    %swap3A_816 = vector.shape_cast %swap3A_815 : vector<1x16xf32> to vector<16xf32>
    %swap3A_817 = vector.shape_cast %broadcast_in_dim3A_146 : vector<16xf32> to vector<1x16xf32>
    tpu.vector_store %arg9[%swap3A_813, %swap3A_814], %swap3A_817 {strides = array<i32>} : memref<128x128xf32, #tpu.memory_space<vmem>>, vector<1x16xf32>,
    %swap3A_818 = arith.constant 110 : i32
    %swap3A_819 = arith.index_cast %swap3A_818 : i32 to index
    %swap3A_820 = arith.constant 0 : index
    %swap3A_821 = tpu.vector_load %arg9[%swap3A_819, %swap3A_820] {strides = array<i32>} : memref<128x128xf32, #tpu.memory_space<vmem>>, vector<1x16xf32>,
    %swap3A_822 = vector.shape_cast %swap3A_821 : vector<1x16xf32> to vector<16xf32>
    %swap3A_823 = vector.shape_cast %broadcast_in_dim3A_146 : vector<16xf32> to vector<1x16xf32>
    tpu.vector_store %arg9[%swap3A_819, %swap3A_820], %swap3A_823 {strides = array<i32>} : memref<128x128xf32, #tpu.memory_space<vmem>>, vector<1x16xf32>,
    %swap3A_824 = arith.constant 110 : i32
    %swap3A_825 = arith.index_cast %swap3A_824 : i32 to index
    %swap3A_826 = arith.constant 16 : index
    %swap3A_827 = tpu.vector_load %arg9[%swap3A_825, %swap3A_826] {strides = array<i32>} : memref<128x128xf32, #tpu.memory_space<vmem>>, vector<1x16xf32>,
    %swap3A_828 = vector.shape_cast %swap3A_827 : vector<1x16xf32> to vector<16xf32>
    %swap3A_829 = vector.shape_cast %broadcast_in_dim3A_146 : vector<16xf32> to vector<1x16xf32>
    tpu.vector_store %arg9[%swap3A_825, %swap3A_826], %swap3A_829 {strides = array<i32>} : memref<128x128xf32, #tpu.memory_space<vmem>>, vector<1x16xf32>,
    %swap3A_830 = arith.constant 110 : i32
    %swap3A_831 = arith.index_cast %swap3A_830 : i32 to index
    %swap3A_832 = arith.constant 32 : index
    %swap3A_833 = tpu.vector_load %arg9[%swap3A_831, %swap3A_832] {strides = array<i32>} : memref<128x128xf32, #tpu.memory_space<vmem>>, vector<1x16xf32>,
    %swap3A_834 = vector.shape_cast %swap3A_833 : vector<1x16xf32> to vector<16xf32>
    %swap3A_835 = vector.shape_cast %broadcast_in_dim3A_146 : vector<16xf32> to vector<1x16xf32>
    tpu.vector_store %arg9[%swap3A_831, %swap3A_832], %swap3A_835 {strides = array<i32>} : memref<128x128xf32, #tpu.memory_space<vmem>>, vector<1x16xf32>,
    %swap3A_836 = arith.constant 110 : i32
    %swap3A_837 = arith.index_cast %swap3A_836 : i32 to index
    %swap3A_838 = arith.constant 48 : index
    %swap3A_839 = tpu.vector_load %arg9[%swap3A_837, %swap3A_838] {strides = array<i32>} : memref<128x128xf32, #tpu.memory_space<vmem>>, vector<1x16xf32>,
    %swap3A_840 = vector.shape_cast %swap3A_839 : vector<1x16xf32> to vector<16xf32>
    %swap3A_841 = vector.shape_cast %broadcast_in_dim3A_146 : vector<16xf32> to vector<1x16xf32>
    tpu.vector_store %arg9[%swap3A_837, %swap3A_838], %swap3A_841 {strides = array<i32>} : memref<128x128xf32, #tpu.memory_space<vmem>>, vector<1x16xf32>,
    %swap3A_842 = arith.constant 110 : i32
    %swap3A_843 = arith.index_cast %swap3A_842 : i32 to index
    %swap3A_844 = arith.constant 64 : index
    %swap3A_845 = tpu.vector_load %arg9[%swap3A_843, %swap3A_844] {strides = array<i32>} : memref<128x128xf32, #tpu.memory_space<vmem>>, vector<1x16xf32>,
    %swap3A_846 = vector.shape_cast %swap3A_845 : vector<1x16xf32> to vector<16xf32>
    %swap3A_847 = vector.shape_cast %broadcast_in_dim3A_146 : vector<16xf32> to vector<1x16xf32>
    tpu.vector_store %arg9[%swap3A_843, %swap3A_844], %swap3A_847 {strides = array<i32>} : memref<128x128xf32, #tpu.memory_space<vmem>>, vector<1x16xf32>,
    %swap3A_848 = arith.constant 110 : i32
    %swap3A_849 = arith.index_cast %swap3A_848 : i32 to index
    %swap3A_850 = arith.constant 80 : index
    %swap3A_851 = tpu.vector_load %arg9[%swap3A_849, %swap3A_850] {strides = array<i32>} : memref<128x128xf32, #tpu.memory_space<vmem>>, vector<1x16xf32>,
    %swap3A_852 = vector.shape_cast %swap3A_851 : vector<1x16xf32> to vector<16xf32>
    %swap3A_853 = vector.shape_cast %broadcast_in_dim3A_146 : vector<16xf32> to vector<1x16xf32>
    tpu.vector_store %arg9[%swap3A_849, %swap3A_850], %swap3A_853 {strides = array<i32>} : memref<128x128xf32, #tpu.memory_space<vmem>>, vector<1x16xf32>,
    %swap3A_854 = arith.constant 110 : i32
    %swap3A_855 = arith.index_cast %swap3A_854 : i32 to index
    %swap3A_856 = arith.constant 96 : index
    %swap3A_857 = tpu.vector_load %arg9[%swap3A_855, %swap3A_856] {strides = array<i32>} : memref<128x128xf32, #tpu.memory_space<vmem>>, vector<1x16xf32>,
    %swap3A_858 = vector.shape_cast %swap3A_857 : vector<1x16xf32> to vector<16xf32>
    %swap3A_859 = vector.shape_cast %broadcast_in_dim3A_146 : vector<16xf32> to vector<1x16xf32>
    tpu.vector_store %arg9[%swap3A_855, %swap3A_856], %swap3A_859 {strides = array<i32>} : memref<128x128xf32, #tpu.memory_space<vmem>>, vector<1x16xf32>,
    %swap3A_860 = arith.constant 110 : i32
    %swap3A_861 = arith.index_cast %swap3A_860 : i32 to index
    %swap3A_862 = arith.constant 112 : index
    %swap3A_863 = tpu.vector_load %arg9[%swap3A_861, %swap3A_862] {strides = array<i32>} : memref<128x128xf32, #tpu.memory_space<vmem>>, vector<1x16xf32>,
    %swap3A_864 = vector.shape_cast %swap3A_863 : vector<1x16xf32> to vector<16xf32>
    %swap3A_865 = vector.shape_cast %broadcast_in_dim3A_146 : vector<16xf32> to vector<1x16xf32>
    tpu.vector_store %arg9[%swap3A_861, %swap3A_862], %swap3A_865 {strides = array<i32>} : memref<128x128xf32, #tpu.memory_space<vmem>>, vector<1x16xf32>,
    %swap3A_866 = arith.constant 111 : i32
    %swap3A_867 = arith.index_cast %swap3A_866 : i32 to index
    %swap3A_868 = arith.constant 0 : index
    %swap3A_869 = tpu.vector_load %arg9[%swap3A_867, %swap3A_868] {strides = array<i32>} : memref<128x128xf32, #tpu.memory_space<vmem>>, vector<1x16xf32>,
    %swap3A_870 = vector.shape_cast %swap3A_869 : vector<1x16xf32> to vector<16xf32>
    %swap3A_871 = vector.shape_cast %broadcast_in_dim3A_146 : vector<16xf32> to vector<1x16xf32>
    tpu.vector_store %arg9[%swap3A_867, %swap3A_868], %swap3A_871 {strides = array<i32>} : memref<128x128xf32, #tpu.memory_space<vmem>>, vector<1x16xf32>,
    %swap3A_872 = arith.constant 111 : i32
    %swap3A_873 = arith.index_cast %swap3A_872 : i32 to index
    %swap3A_874 = arith.constant 16 : index
    %swap3A_875 = tpu.vector_load %arg9[%swap3A_873, %swap3A_874] {strides = array<i32>} : memref<128x128xf32, #tpu.memory_space<vmem>>, vector<1x16xf32>,
    %swap3A_876 = vector.shape_cast %swap3A_875 : vector<1x16xf32> to vector<16xf32>
    %swap3A_877 = vector.shape_cast %broadcast_in_dim3A_146 : vector<16xf32> to vector<1x16xf32>
    tpu.vector_store %arg9[%swap3A_873, %swap3A_874], %swap3A_877 {strides = array<i32>} : memref<128x128xf32, #tpu.memory_space<vmem>>, vector<1x16xf32>,
    %swap3A_878 = arith.constant 111 : i32
    %swap3A_879 = arith.index_cast %swap3A_878 : i32 to index
    %swap3A_880 = arith.constant 32 : index
    %swap3A_881 = tpu.vector_load %arg9[%swap3A_879, %swap3A_880] {strides = array<i32>} : memref<128x128xf32, #tpu.memory_space<vmem>>, vector<1x16xf32>,
    %swap3A_882 = vector.shape_cast %swap3A_881 : vector<1x16xf32> to vector<16xf32>
    %swap3A_883 = vector.shape_cast %broadcast_in_dim3A_146 : vector<16xf32> to vector<1x16xf32>
    tpu.vector_store %arg9[%swap3A_879, %swap3A_880], %swap3A_883 {strides = array<i32>} : memref<128x128xf32, #tpu.memory_space<vmem>>, vector<1x16xf32>,
    %swap3A_884 = arith.constant 111 : i32
    %swap3A_885 = arith.index_cast %swap3A_884 : i32 to index
    %swap3A_886 = arith.constant 48 : index
    %swap3A_887 = tpu.vector_load %arg9[%swap3A_885, %swap3A_886] {strides = array<i32>} : memref<128x128xf32, #tpu.memory_space<vmem>>, vector<1x16xf32>,
    %swap3A_888 = vector.shape_cast %swap3A_887 : vector<1x16xf32> to vector<16xf32>
    %swap3A_889 = vector.shape_cast %broadcast_in_dim3A_146 : vector<16xf32> to vector<1x16xf32>
    tpu.vector_store %arg9[%swap3A_885, %swap3A_886], %swap3A_889 {strides = array<i32>} : memref<128x128xf32, #tpu.memory_space<vmem>>, vector<1x16xf32>,
    %swap3A_890 = arith.constant 111 : i32
    %swap3A_891 = arith.index_cast %swap3A_890 : i32 to index
    %swap3A_892 = arith.constant 64 : index
    %swap3A_893 = tpu.vector_load %arg9[%swap3A_891, %swap3A_892] {strides = array<i32>} : memref<128x128xf32, #tpu.memory_space<vmem>>, vector<1x16xf32>,
    %swap3A_894 = vector.shape_cast %swap3A_893 : vector<1x16xf32> to vector<16xf32>
    %swap3A_895 = vector.shape_cast %broadcast_in_dim3A_146 : vector<16xf32> to vector<1x16xf32>
    tpu.vector_store %arg9[%swap3A_891, %swap3A_892], %swap3A_895 {strides = array<i32>} : memref<128x128xf32, #tpu.memory_space<vmem>>, vector<1x16xf32>,
    %swap3A_896 = arith.constant 111 : i32
    %swap3A_897 = arith.index_cast %swap3A_896 : i32 to index
    %swap3A_898 = arith.constant 80 : index
    %swap3A_899 = tpu.vector_load %arg9[%swap3A_897, %swap3A_898] {strides = array<i32>} : memref<128x128xf32, #tpu.memory_space<vmem>>, vector<1x16xf32>,
    %swap3A_900 = vector.shape_cast %swap3A_899 : vector<1x16xf32> to vector<16xf32>
    %swap3A_901 = vector.shape_cast %broadcast_in_dim3A_146 : vector<16xf32> to vector<1x16xf32>
    tpu.vector_store %arg9[%swap3A_897, %swap3A_898], %swap3A_901 {strides = array<i32>} : memref<128x128xf32, #tpu.memory_space<vmem>>, vector<1x16xf32>,
    %swap3A_902 = arith.constant 111 : i32
    %swap3A_903 = arith.index_cast %swap3A_902 : i32 to index
    %swap3A_904 = arith.constant 96 : index
    %swap3A_905 = tpu.vector_load %arg9[%swap3A_903, %swap3A_904] {strides = array<i32>} : memref<128x128xf32, #tpu.memory_space<vmem>>, vector<1x16xf32>,
    %swap3A_906 = vector.shape_cast %swap3A_905 : vector<1x16xf32> to vector<16xf32>
    %swap3A_907 = vector.shape_cast %broadcast_in_dim3A_146 : vector<16xf32> to vector<1x16xf32>
    tpu.vector_store %arg9[%swap3A_903, %swap3A_904], %swap3A_907 {strides = array<i32>} : memref<128x128xf32, #tpu.memory_space<vmem>>, vector<1x16xf32>,
    %swap3A_908 = arith.constant 111 : i32
    %swap3A_909 = arith.index_cast %swap3A_908 : i32 to index
    %swap3A_910 = arith.constant 112 : index
    %swap3A_911 = tpu.vector_load %arg9[%swap3A_909, %swap3A_910] {strides = array<i32>} : memref<128x128xf32, #tpu.memory_space<vmem>>, vector<1x16xf32>,
    %swap3A_912 = vector.shape_cast %swap3A_911 : vector<1x16xf32> to vector<16xf32>
    %swap3A_913 = vector.shape_cast %broadcast_in_dim3A_146 : vector<16xf32> to vector<1x16xf32>
    tpu.vector_store %arg9[%swap3A_909, %swap3A_910], %swap3A_913 {strides = array<i32>} : memref<128x128xf32, #tpu.memory_space<vmem>>, vector<1x16xf32>,
    %swap3A_914 = arith.constant 112 : i32
    %swap3A_915 = arith.index_cast %swap3A_914 : i32 to index
    %swap3A_916 = arith.constant 0 : index
    %swap3A_917 = tpu.vector_load %arg9[%swap3A_915, %swap3A_916] {strides = array<i32>} : memref<128x128xf32, #tpu.memory_space<vmem>>, vector<1x16xf32>,
    %swap3A_918 = vector.shape_cast %swap3A_917 : vector<1x16xf32> to vector<16xf32>
    %swap3A_919 = vector.shape_cast %broadcast_in_dim3A_146 : vector<16xf32> to vector<1x16xf32>
    tpu.vector_store %arg9[%swap3A_915, %swap3A_916], %swap3A_919 {strides = array<i32>} : memref<128x128xf32, #tpu.memory_space<vmem>>, vector<1x16xf32>,
    %swap3A_920 = arith.constant 112 : i32
    %swap3A_921 = arith.index_cast %swap3A_920 : i32 to index
    %swap3A_922 = arith.constant 16 : index
    %swap3A_923 = tpu.vector_load %arg9[%swap3A_921, %swap3A_922] {strides = array<i32>} : memref<128x128xf32, #tpu.memory_space<vmem>>, vector<1x16xf32>,
    %swap3A_924 = vector.shape_cast %swap3A_923 : vector<1x16xf32> to vector<16xf32>
    %swap3A_925 = vector.shape_cast %broadcast_in_dim3A_146 : vector<16xf32> to vector<1x16xf32>
    tpu.vector_store %arg9[%swap3A_921, %swap3A_922], %swap3A_925 {strides = array<i32>} : memref<128x128xf32, #tpu.memory_space<vmem>>, vector<1x16xf32>,
    %swap3A_926 = arith.constant 112 : i32
    %swap3A_927 = arith.index_cast %swap3A_926 : i32 to index
    %swap3A_928 = arith.constant 32 : index
    %swap3A_929 = tpu.vector_load %arg9[%swap3A_927, %swap3A_928] {strides = array<i32>} : memref<128x128xf32, #tpu.memory_space<vmem>>, vector<1x16xf32>,
    %swap3A_930 = vector.shape_cast %swap3A_929 : vector<1x16xf32> to vector<16xf32>
    %swap3A_931 = vector.shape_cast %broadcast_in_dim3A_146 : vector<16xf32> to vector<1x16xf32>
    tpu.vector_store %arg9[%swap3A_927, %swap3A_928], %swap3A_931 {strides = array<i32>} : memref<128x128xf32, #tpu.memory_space<vmem>>, vector<1x16xf32>,
    %swap3A_932 = arith.constant 112 : i32
    %swap3A_933 = arith.index_cast %swap3A_932 : i32 to index
    %swap3A_934 = arith.constant 48 : index
    %swap3A_935 = tpu.vector_load %arg9[%swap3A_933, %swap3A_934] {strides = array<i32>} : memref<128x128xf32, #tpu.memory_space<vmem>>, vector<1x16xf32>,
    %swap3A_936 = vector.shape_cast %swap3A_935 : vector<1x16xf32> to vector<16xf32>
    %swap3A_937 = vector.shape_cast %broadcast_in_dim3A_146 : vector<16xf32> to vector<1x16xf32>
    tpu.vector_store %arg9[%swap3A_933, %swap3A_934], %swap3A_937 {strides = array<i32>} : memref<128x128xf32, #tpu.memory_space<vmem>>, vector<1x16xf32>,
    %swap3A_938 = arith.constant 112 : i32
    %swap3A_939 = arith.index_cast %swap3A_938 : i32 to index
    %swap3A_940 = arith.constant 64 : index
    %swap3A_941 = tpu.vector_load %arg9[%swap3A_939, %swap3A_940] {strides = array<i32>} : memref<128x128xf32, #tpu.memory_space<vmem>>, vector<1x16xf32>,
    %swap3A_942 = vector.shape_cast %swap3A_941 : vector<1x16xf32> to vector<16xf32>
    %swap3A_943 = vector.shape_cast %broadcast_in_dim3A_146 : vector<16xf32> to vector<1x16xf32>
    tpu.vector_store %arg9[%swap3A_939, %swap3A_940], %swap3A_943 {strides = array<i32>} : memref<128x128xf32, #tpu.memory_space<vmem>>, vector<1x16xf32>,
    %swap3A_944 = arith.constant 112 : i32
    %swap3A_945 = arith.index_cast %swap3A_944 : i32 to index
    %swap3A_946 = arith.constant 80 : index
    %swap3A_947 = tpu.vector_load %arg9[%swap3A_945, %swap3A_946] {strides = array<i32>} : memref<128x128xf32, #tpu.memory_space<vmem>>, vector<1x16xf32>,
    %swap3A_948 = vector.shape_cast %swap3A_947 : vector<1x16xf32> to vector<16xf32>
    %swap3A_949 = vector.shape_cast %broadcast_in_dim3A_146 : vector<16xf32> to vector<1x16xf32>
    tpu.vector_store %arg9[%swap3A_945, %swap3A_946], %swap3A_949 {strides = array<i32>} : memref<128x128xf32, #tpu.memory_space<vmem>>, vector<1x16xf32>,
    %swap3A_950 = arith.constant 112 : i32
    %swap3A_951 = arith.index_cast %swap3A_950 : i32 to index
    %swap3A_952 = arith.constant 96 : index
    %swap3A_953 = tpu.vector_load %arg9[%swap3A_951, %swap3A_952] {strides = array<i32>} : memref<128x128xf32, #tpu.memory_space<vmem>>, vector<1x16xf32>,
    %swap3A_954 = vector.shape_cast %swap3A_953 : vector<1x16xf32> to vector<16xf32>
    %swap3A_955 = vector.shape_cast %broadcast_in_dim3A_146 : vector<16xf32> to vector<1x16xf32>
    tpu.vector_store %arg9[%swap3A_951, %swap3A_952], %swap3A_955 {strides = array<i32>} : memref<128x128xf32, #tpu.memory_space<vmem>>, vector<1x16xf32>,
    %swap3A_956 = arith.constant 112 : i32
    %swap3A_957 = arith.index_cast %swap3A_956 : i32 to index
    %swap3A_958 = arith.constant 112 : index
    %swap3A_959 = tpu.vector_load %arg9[%swap3A_957, %swap3A_958] {strides = array<i32>} : memref<128x128xf32, #tpu.memory_space<vmem>>, vector<1x16xf32>,
    %swap3A_960 = vector.shape_cast %swap3A_959 : vector<1x16xf32> to vector<16xf32>
    %swap3A_961 = vector.shape_cast %broadcast_in_dim3A_146 : vector<16xf32> to vector<1x16xf32>
    tpu.vector_store %arg9[%swap3A_957, %swap3A_958], %swap3A_961 {strides = array<i32>} : memref<128x128xf32, #tpu.memory_space<vmem>>, vector<1x16xf32>,
    %swap3A_962 = arith.constant 113 : i32
    %swap3A_963 = arith.index_cast %swap3A_962 : i32 to index
    %swap3A_964 = arith.constant 0 : index
    %swap3A_965 = tpu.vector_load %arg9[%swap3A_963, %swap3A_964] {strides = array<i32>} : memref<128x128xf32, #tpu.memory_space<vmem>>, vector<1x16xf32>,
    %swap3A_966 = vector.shape_cast %swap3A_965 : vector<1x16xf32> to vector<16xf32>
    %swap3A_967 = vector.shape_cast %broadcast_in_dim3A_146 : vector<16xf32> to vector<1x16xf32>
    tpu.vector_store %arg9[%swap3A_963, %swap3A_964], %swap3A_967 {strides = array<i32>} : memref<128x128xf32, #tpu.memory_space<vmem>>, vector<1x16xf32>,
    %swap3A_968 = arith.constant 113 : i32
    %swap3A_969 = arith.index_cast %swap3A_968 : i32 to index
    %swap3A_970 = arith.constant 16 : index
    %swap3A_971 = tpu.vector_load %arg9[%swap3A_969, %swap3A_970] {strides = array<i32>} : memref<128x128xf32, #tpu.memory_space<vmem>>, vector<1x16xf32>,
    %swap3A_972 = vector.shape_cast %swap3A_971 : vector<1x16xf32> to vector<16xf32>
    %swap3A_973 = vector.shape_cast %broadcast_in_dim3A_146 : vector<16xf32> to vector<1x16xf32>
    tpu.vector_store %arg9[%swap3A_969, %swap3A_970], %swap3A_973 {strides = array<i32>} : memref<128x128xf32, #tpu.memory_space<vmem>>, vector<1x16xf32>,
    %swap3A_974 = arith.constant 113 : i32
    %swap3A_975 = arith.index_cast %swap3A_974 : i32 to index
    %swap3A_976 = arith.constant 32 : index
    %swap3A_977 = tpu.vector_load %arg9[%swap3A_975, %swap3A_976] {strides = array<i32>} : memref<128x128xf32, #tpu.memory_space<vmem>>, vector<1x16xf32>,
    %swap3A_978 = vector.shape_cast %swap3A_977 : vector<1x16xf32> to vector<16xf32>
    %swap3A_979 = vector.shape_cast %broadcast_in_dim3A_146 : vector<16xf32> to vector<1x16xf32>
    tpu.vector_store %arg9[%swap3A_975, %swap3A_976], %swap3A_979 {strides = array<i32>} : memref<128x128xf32, #tpu.memory_space<vmem>>, vector<1x16xf32>,
    %swap3A_980 = arith.constant 113 : i32
    %swap3A_981 = arith.index_cast %swap3A_980 : i32 to index
    %swap3A_982 = arith.constant 48 : index
    %swap3A_983 = tpu.vector_load %arg9[%swap3A_981, %swap3A_982] {strides = array<i32>} : memref<128x128xf32, #tpu.memory_space<vmem>>, vector<1x16xf32>,
    %swap3A_984 = vector.shape_cast %swap3A_983 : vector<1x16xf32> to vector<16xf32>
    %swap3A_985 = vector.shape_cast %broadcast_in_dim3A_146 : vector<16xf32> to vector<1x16xf32>
    tpu.vector_store %arg9[%swap3A_981, %swap3A_982], %swap3A_985 {strides = array<i32>} : memref<128x128xf32, #tpu.memory_space<vmem>>, vector<1x16xf32>,
    %swap3A_986 = arith.constant 113 : i32
    %swap3A_987 = arith.index_cast %swap3A_986 : i32 to index
    %swap3A_988 = arith.constant 64 : index
    %swap3A_989 = tpu.vector_load %arg9[%swap3A_987, %swap3A_988] {strides = array<i32>} : memref<128x128xf32, #tpu.memory_space<vmem>>, vector<1x16xf32>,
    %swap3A_990 = vector.shape_cast %swap3A_989 : vector<1x16xf32> to vector<16xf32>
    %swap3A_991 = vector.shape_cast %broadcast_in_dim3A_146 : vector<16xf32> to vector<1x16xf32>
    tpu.vector_store %arg9[%swap3A_987, %swap3A_988], %swap3A_991 {strides = array<i32>} : memref<128x128xf32, #tpu.memory_space<vmem>>, vector<1x16xf32>,
    %swap3A_992 = arith.constant 113 : i32
    %swap3A_993 = arith.index_cast %swap3A_992 : i32 to index
    %swap3A_994 = arith.constant 80 : index
    %swap3A_995 = tpu.vector_load %arg9[%swap3A_993, %swap3A_994] {strides = array<i32>} : memref<128x128xf32, #tpu.memory_space<vmem>>, vector<1x16xf32>,
    %swap3A_996 = vector.shape_cast %swap3A_995 : vector<1x16xf32> to vector<16xf32>
    %swap3A_997 = vector.shape_cast %broadcast_in_dim3A_146 : vector<16xf32> to vector<1x16xf32>
    tpu.vector_store %arg9[%swap3A_993, %swap3A_994], %swap3A_997 {strides = array<i32>} : memref<128x128xf32, #tpu.memory_space<vmem>>, vector<1x16xf32>,
    %swap3A_998 = arith.constant 113 : i32
    %swap3A_999 = arith.index_cast %swap3A_998 : i32 to index
    %swap3A_1000 = arith.constant 96 : index
    %swap3A_1001 = tpu.vector_load %arg9[%swap3A_999, %swap3A_1000] {strides = array<i32>} : memref<128x128xf32, #tpu.memory_space<vmem>>, vector<1x16xf32>,
    %swap3A_1002 = vector.shape_cast %swap3A_1001 : vector<1x16xf32> to vector<16xf32>
    %swap3A_1003 = vector.shape_cast %broadcast_in_dim3A_146 : vector<16xf32> to vector<1x16xf32>
    tpu.vector_store %arg9[%swap3A_999, %swap3A_1000], %swap3A_1003 {strides = array<i32>} : memref<128x128xf32, #tpu.memory_space<vmem>>, vector<1x16xf32>,
    %swap3A_1004 = arith.constant 113 : i32
    %swap3A_1005 = arith.index_cast %swap3A_1004 : i32 to index
    %swap3A_1006 = arith.constant 112 : index
    %swap3A_1007 = tpu.vector_load %arg9[%swap3A_1005, %swap3A_1006] {strides = array<i32>} : memref<128x128xf32, #tpu.memory_space<vmem>>, vector<1x16xf32>,
    %swap3A_1008 = vector.shape_cast %swap3A_1007 : vector<1x16xf32> to vector<16xf32>
    %swap3A_1009 = vector.shape_cast %broadcast_in_dim3A_146 : vector<16xf32> to vector<1x16xf32>
    tpu.vector_store %arg9[%swap3A_1005, %swap3A_1006], %swap3A_1009 {strides = array<i32>} : memref<128x128xf32, #tpu.memory_space<vmem>>, vector<1x16xf32>,
    %swap3A_1010 = arith.constant 114 : i32
    %swap3A_1011 = arith.index_cast %swap3A_1010 : i32 to index
    %swap3A_1012 = arith.constant 0 : index
    %swap3A_1013 = tpu.vector_load %arg9[%swap3A_1011, %swap3A_1012] {strides = array<i32>} : memref<128x128xf32, #tpu.memory_space<vmem>>, vector<1x16xf32>,
    %swap3A_1014 = vector.shape_cast %swap3A_1013 : vector<1x16xf32> to vector<16xf32>
    %swap3A_1015 = vector.shape_cast %broadcast_in_dim3A_146 : vector<16xf32> to vector<1x16xf32>
    tpu.vector_store %arg9[%swap3A_1011, %swap3A_1012], %swap3A_1015 {strides = array<i32>} : memref<128x128xf32, #tpu.memory_space<vmem>>, vector<1x16xf32>,
    %swap3A_1016 = arith.constant 114 : i32
    %swap3A_1017 = arith.index_cast %swap3A_1016 : i32 to index
    %swap3A_1018 = arith.constant 16 : index
    %swap3A_1019 = tpu.vector_load %arg9[%swap3A_1017, %swap3A_1018] {strides = array<i32>} : memref<128x128xf32, #tpu.memory_space<vmem>>, vector<1x16xf32>,
    %swap3A_1020 = vector.shape_cast %swap3A_1019 : vector<1x16xf32> to vector<16xf32>
    %swap3A_1021 = vector.shape_cast %broadcast_in_dim3A_146 : vector<16xf32> to vector<1x16xf32>
    tpu.vector_store %arg9[%swap3A_1017, %swap3A_1018], %swap3A_1021 {strides = array<i32>} : memref<128x128xf32, #tpu.memory_space<vmem>>, vector<1x16xf32>,
    %swap3A_1022 = arith.constant 114 : i32
    %swap3A_1023 = arith.index_cast %swap3A_1022 : i32 to index
    %swap3A_1024 = arith.constant 32 : index
    %swap3A_1025 = tpu.vector_load %arg9[%swap3A_1023, %swap3A_1024] {strides = array<i32>} : memref<128x128xf32, #tpu.memory_space<vmem>>, vector<1x16xf32>,
    %swap3A_1026 = vector.shape_cast %swap3A_1025 : vector<1x16xf32> to vector<16xf32>
    %swap3A_1027 = vector.shape_cast %broadcast_in_dim3A_146 : vector<16xf32> to vector<1x16xf32>
    tpu.vector_store %arg9[%swap3A_1023, %swap3A_1024], %swap3A_1027 {strides = array<i32>} : memref<128x128xf32, #tpu.memory_space<vmem>>, vector<1x16xf32>,
    %swap3A_1028 = arith.constant 114 : i32
    %swap3A_1029 = arith.index_cast %swap3A_1028 : i32 to index
    %swap3A_1030 = arith.constant 48 : index
    %swap3A_1031 = tpu.vector_load %arg9[%swap3A_1029, %swap3A_1030] {strides = array<i32>} : memref<128x128xf32, #tpu.memory_space<vmem>>, vector<1x16xf32>,
    %swap3A_1032 = vector.shape_cast %swap3A_1031 : vector<1x16xf32> to vector<16xf32>
    %swap3A_1033 = vector.shape_cast %broadcast_in_dim3A_146 : vector<16xf32> to vector<1x16xf32>
    tpu.vector_store %arg9[%swap3A_1029, %swap3A_1030], %swap3A_1033 {strides = array<i32>} : memref<128x128xf32, #tpu.memory_space<vmem>>, vector<1x16xf32>,
    %swap3A_1034 = arith.constant 114 : i32
    %swap3A_1035 = arith.index_cast %swap3A_1034 : i32 to index
    %swap3A_1036 = arith.constant 64 : index
    %swap3A_1037 = tpu.vector_load %arg9[%swap3A_1035, %swap3A_1036] {strides = array<i32>} : memref<128x128xf32, #tpu.memory_space<vmem>>, vector<1x16xf32>,
    %swap3A_1038 = vector.shape_cast %swap3A_1037 : vector<1x16xf32> to vector<16xf32>
    %swap3A_1039 = vector.shape_cast %broadcast_in_dim3A_146 : vector<16xf32> to vector<1x16xf32>
    tpu.vector_store %arg9[%swap3A_1035, %swap3A_1036], %swap3A_1039 {strides = array<i32>} : memref<128x128xf32, #tpu.memory_space<vmem>>, vector<1x16xf32>,
    %swap3A_1040 = arith.constant 114 : i32
    %swap3A_1041 = arith.index_cast %swap3A_1040 : i32 to index
    %swap3A_1042 = arith.constant 80 : index
    %swap3A_1043 = tpu.vector_load %arg9[%swap3A_1041, %swap3A_1042] {strides = array<i32>} : memref<128x128xf32, #tpu.memory_space<vmem>>, vector<1x16xf32>,
    %swap3A_1044 = vector.shape_cast %swap3A_1043 : vector<1x16xf32> to vector<16xf32>
    %swap3A_1045 = vector.shape_cast %broadcast_in_dim3A_146 : vector<16xf32> to vector<1x16xf32>
    tpu.vector_store %arg9[%swap3A_1041, %swap3A_1042], %swap3A_1045 {strides = array<i32>} : memref<128x128xf32, #tpu.memory_space<vmem>>, vector<1x16xf32>,
    %swap3A_1046 = arith.constant 114 : i32
    %swap3A_1047 = arith.index_cast %swap3A_1046 : i32 to index
    %swap3A_1048 = arith.constant 96 : index
    %swap3A_1049 = tpu.vector_load %arg9[%swap3A_1047, %swap3A_1048] {strides = array<i32>} : memref<128x128xf32, #tpu.memory_space<vmem>>, vector<1x16xf32>,
    %swap3A_1050 = vector.shape_cast %swap3A_1049 : vector<1x16xf32> to vector<16xf32>
    %swap3A_1051 = vector.shape_cast %broadcast_in_dim3A_146 : vector<16xf32> to vector<1x16xf32>
    tpu.vector_store %arg9[%swap3A_1047, %swap3A_1048], %swap3A_1051 {strides = array<i32>} : memref<128x128xf32, #tpu.memory_space<vmem>>, vector<1x16xf32>,
    %swap3A_1052 = arith.constant 114 : i32
    %swap3A_1053 = arith.index_cast %swap3A_1052 : i32 to index
    %swap3A_1054 = arith.constant 112 : index
    %swap3A_1055 = tpu.vector_load %arg9[%swap3A_1053, %swap3A_1054] {strides = array<i32>} : memref<128x128xf32, #tpu.memory_space<vmem>>, vector<1x16xf32>,
    %swap3A_1056 = vector.shape_cast %swap3A_1055 : vector<1x16xf32> to vector<16xf32>
    %swap3A_1057 = vector.shape_cast %broadcast_in_dim3A_146 : vector<16xf32> to vector<1x16xf32>
    tpu.vector_store %arg9[%swap3A_1053, %swap3A_1054], %swap3A_1057 {strides = array<i32>} : memref<128x128xf32, #tpu.memory_space<vmem>>, vector<1x16xf32>,
    %swap3A_1058 = arith.constant 115 : i32
    %swap3A_1059 = arith.index_cast %swap3A_1058 : i32 to index
    %swap3A_1060 = arith.constant 0 : index
    %swap3A_1061 = tpu.vector_load %arg9[%swap3A_1059, %swap3A_1060] {strides = array<i32>} : memref<128x128xf32, #tpu.memory_space<vmem>>, vector<1x16xf32>,
    %swap3A_1062 = vector.shape_cast %swap3A_1061 : vector<1x16xf32> to vector<16xf32>
    %swap3A_1063 = vector.shape_cast %broadcast_in_dim3A_146 : vector<16xf32> to vector<1x16xf32>
    tpu.vector_store %arg9[%swap3A_1059, %swap3A_1060], %swap3A_1063 {strides = array<i32>} : memref<128x128xf32, #tpu.memory_space<vmem>>, vector<1x16xf32>,
    %swap3A_1064 = arith.constant 115 : i32
    %swap3A_1065 = arith.index_cast %swap3A_1064 : i32 to index
    %swap3A_1066 = arith.constant 16 : index
    %swap3A_1067 = tpu.vector_load %arg9[%swap3A_1065, %swap3A_1066] {strides = array<i32>} : memref<128x128xf32, #tpu.memory_space<vmem>>, vector<1x16xf32>,
    %swap3A_1068 = vector.shape_cast %swap3A_1067 : vector<1x16xf32> to vector<16xf32>
    %swap3A_1069 = vector.shape_cast %broadcast_in_dim3A_146 : vector<16xf32> to vector<1x16xf32>
    tpu.vector_store %arg9[%swap3A_1065, %swap3A_1066], %swap3A_1069 {strides = array<i32>} : memref<128x128xf32, #tpu.memory_space<vmem>>, vector<1x16xf32>,
    %swap3A_1070 = arith.constant 115 : i32
    %swap3A_1071 = arith.index_cast %swap3A_1070 : i32 to index
    %swap3A_1072 = arith.constant 32 : index
    %swap3A_1073 = tpu.vector_load %arg9[%swap3A_1071, %swap3A_1072] {strides = array<i32>} : memref<128x128xf32, #tpu.memory_space<vmem>>, vector<1x16xf32>,
    %swap3A_1074 = vector.shape_cast %swap3A_1073 : vector<1x16xf32> to vector<16xf32>
    %swap3A_1075 = vector.shape_cast %broadcast_in_dim3A_146 : vector<16xf32> to vector<1x16xf32>
    tpu.vector_store %arg9[%swap3A_1071, %swap3A_1072], %swap3A_1075 {strides = array<i32>} : memref<128x128xf32, #tpu.memory_space<vmem>>, vector<1x16xf32>,
    %swap3A_1076 = arith.constant 115 : i32
    %swap3A_1077 = arith.index_cast %swap3A_1076 : i32 to index
    %swap3A_1078 = arith.constant 48 : index
    %swap3A_1079 = tpu.vector_load %arg9[%swap3A_1077, %swap3A_1078] {strides = array<i32>} : memref<128x128xf32, #tpu.memory_space<vmem>>, vector<1x16xf32>,
    %swap3A_1080 = vector.shape_cast %swap3A_1079 : vector<1x16xf32> to vector<16xf32>
    %swap3A_1081 = vector.shape_cast %broadcast_in_dim3A_146 : vector<16xf32> to vector<1x16xf32>
    tpu.vector_store %arg9[%swap3A_1077, %swap3A_1078], %swap3A_1081 {strides = array<i32>} : memref<128x128xf32, #tpu.memory_space<vmem>>, vector<1x16xf32>,
    %swap3A_1082 = arith.constant 115 : i32
    %swap3A_1083 = arith.index_cast %swap3A_1082 : i32 to index
    %swap3A_1084 = arith.constant 64 : index
    %swap3A_1085 = tpu.vector_load %arg9[%swap3A_1083, %swap3A_1084] {strides = array<i32>} : memref<128x128xf32, #tpu.memory_space<vmem>>, vector<1x16xf32>,
    %swap3A_1086 = vector.shape_cast %swap3A_1085 : vector<1x16xf32> to vector<16xf32>
    %swap3A_1087 = vector.shape_cast %broadcast_in_dim3A_146 : vector<16xf32> to vector<1x16xf32>
    tpu.vector_store %arg9[%swap3A_1083, %swap3A_1084], %swap3A_1087 {strides = array<i32>} : memref<128x128xf32, #tpu.memory_space<vmem>>, vector<1x16xf32>,
    %swap3A_1088 = arith.constant 115 : i32
    %swap3A_1089 = arith.index_cast %swap3A_1088 : i32 to index
    %swap3A_1090 = arith.constant 80 : index
    %swap3A_1091 = tpu.vector_load %arg9[%swap3A_1089, %swap3A_1090] {strides = array<i32>} : memref<128x128xf32, #tpu.memory_space<vmem>>, vector<1x16xf32>,
    %swap3A_1092 = vector.shape_cast %swap3A_1091 : vector<1x16xf32> to vector<16xf32>
    %swap3A_1093 = vector.shape_cast %broadcast_in_dim3A_146 : vector<16xf32> to vector<1x16xf32>
    tpu.vector_store %arg9[%swap3A_1089, %swap3A_1090], %swap3A_1093 {strides = array<i32>} : memref<128x128xf32, #tpu.memory_space<vmem>>, vector<1x16xf32>,
    %swap3A_1094 = arith.constant 115 : i32
    %swap3A_1095 = arith.index_cast %swap3A_1094 : i32 to index
    %swap3A_1096 = arith.constant 96 : index
    %swap3A_1097 = tpu.vector_load %arg9[%swap3A_1095, %swap3A_1096] {strides = array<i32>} : memref<128x128xf32, #tpu.memory_space<vmem>>, vector<1x16xf32>,
    %swap3A_1098 = vector.shape_cast %swap3A_1097 : vector<1x16xf32> to vector<16xf32>
    %swap3A_1099 = vector.shape_cast %broadcast_in_dim3A_146 : vector<16xf32> to vector<1x16xf32>
    tpu.vector_store %arg9[%swap3A_1095, %swap3A_1096], %swap3A_1099 {strides = array<i32>} : memref<128x128xf32, #tpu.memory_space<vmem>>, vector<1x16xf32>,
    %swap3A_1100 = arith.constant 115 : i32
    %swap3A_1101 = arith.index_cast %swap3A_1100 : i32 to index
    %swap3A_1102 = arith.constant 112 : index
    %swap3A_1103 = tpu.vector_load %arg9[%swap3A_1101, %swap3A_1102] {strides = array<i32>} : memref<128x128xf32, #tpu.memory_space<vmem>>, vector<1x16xf32>,
    %swap3A_1104 = vector.shape_cast %swap3A_1103 : vector<1x16xf32> to vector<16xf32>
    %swap3A_1105 = vector.shape_cast %broadcast_in_dim3A_146 : vector<16xf32> to vector<1x16xf32>
    tpu.vector_store %arg9[%swap3A_1101, %swap3A_1102], %swap3A_1105 {strides = array<i32>} : memref<128x128xf32, #tpu.memory_space<vmem>>, vector<1x16xf32>,
    %swap3A_1106 = arith.constant 116 : i32
    %swap3A_1107 = arith.index_cast %swap3A_1106 : i32 to index
    %swap3A_1108 = arith.constant 0 : index
    %swap3A_1109 = tpu.vector_load %arg9[%swap3A_1107, %swap3A_1108] {strides = array<i32>} : memref<128x128xf32, #tpu.memory_space<vmem>>, vector<1x16xf32>,
    %swap3A_1110 = vector.shape_cast %swap3A_1109 : vector<1x16xf32> to vector<16xf32>
    %swap3A_1111 = vector.shape_cast %broadcast_in_dim3A_146 : vector<16xf32> to vector<1x16xf32>
    tpu.vector_store %arg9[%swap3A_1107, %swap3A_1108], %swap3A_1111 {strides = array<i32>} : memref<128x128xf32, #tpu.memory_space<vmem>>, vector<1x16xf32>,
    %swap3A_1112 = arith.constant 116 : i32
    %swap3A_1113 = arith.index_cast %swap3A_1112 : i32 to index
    %swap3A_1114 = arith.constant 16 : index
    %swap3A_1115 = tpu.vector_load %arg9[%swap3A_1113, %swap3A_1114] {strides = array<i32>} : memref<128x128xf32, #tpu.memory_space<vmem>>, vector<1x16xf32>,
    %swap3A_1116 = vector.shape_cast %swap3A_1115 : vector<1x16xf32> to vector<16xf32>
    %swap3A_1117 = vector.shape_cast %broadcast_in_dim3A_146 : vector<16xf32> to vector<1x16xf32>
    tpu.vector_store %arg9[%swap3A_1113, %swap3A_1114], %swap3A_1117 {strides = array<i32>} : memref<128x128xf32, #tpu.memory_space<vmem>>, vector<1x16xf32>,
    %swap3A_1118 = arith.constant 116 : i32
    %swap3A_1119 = arith.index_cast %swap3A_1118 : i32 to index
    %swap3A_1120 = arith.constant 32 : index
    %swap3A_1121 = tpu.vector_load %arg9[%swap3A_1119, %swap3A_1120] {strides = array<i32>} : memref<128x128xf32, #tpu.memory_space<vmem>>, vector<1x16xf32>,
    %swap3A_1122 = vector.shape_cast %swap3A_1121 : vector<1x16xf32> to vector<16xf32>
    %swap3A_1123 = vector.shape_cast %broadcast_in_dim3A_146 : vector<16xf32> to vector<1x16xf32>
    tpu.vector_store %arg9[%swap3A_1119, %swap3A_1120], %swap3A_1123 {strides = array<i32>} : memref<128x128xf32, #tpu.memory_space<vmem>>, vector<1x16xf32>,
    %swap3A_1124 = arith.constant 116 : i32
    %swap3A_1125 = arith.index_cast %swap3A_1124 : i32 to index
    %swap3A_1126 = arith.constant 48 : index
    %swap3A_1127 = tpu.vector_load %arg9[%swap3A_1125, %swap3A_1126] {strides = array<i32>} : memref<128x128xf32, #tpu.memory_space<vmem>>, vector<1x16xf32>,
    %swap3A_1128 = vector.shape_cast %swap3A_1127 : vector<1x16xf32> to vector<16xf32>
    %swap3A_1129 = vector.shape_cast %broadcast_in_dim3A_146 : vector<16xf32> to vector<1x16xf32>
    tpu.vector_store %arg9[%swap3A_1125, %swap3A_1126], %swap3A_1129 {strides = array<i32>} : memref<128x128xf32, #tpu.memory_space<vmem>>, vector<1x16xf32>,
    %swap3A_1130 = arith.constant 116 : i32
    %swap3A_1131 = arith.index_cast %swap3A_1130 : i32 to index
    %swap3A_1132 = arith.constant 64 : index
    %swap3A_1133 = tpu.vector_load %arg9[%swap3A_1131, %swap3A_1132] {strides = array<i32>} : memref<128x128xf32, #tpu.memory_space<vmem>>, vector<1x16xf32>,
    %swap3A_1134 = vector.shape_cast %swap3A_1133 : vector<1x16xf32> to vector<16xf32>
    %swap3A_1135 = vector.shape_cast %broadcast_in_dim3A_146 : vector<16xf32> to vector<1x16xf32>
    tpu.vector_store %arg9[%swap3A_1131, %swap3A_1132], %swap3A_1135 {strides = array<i32>} : memref<128x128xf32, #tpu.memory_space<vmem>>, vector<1x16xf32>,
    %swap3A_1136 = arith.constant 116 : i32
    %swap3A_1137 = arith.index_cast %swap3A_1136 : i32 to index
    %swap3A_1138 = arith.constant 80 : index
    %swap3A_1139 = tpu.vector_load %arg9[%swap3A_1137, %swap3A_1138] {strides = array<i32>} : memref<128x128xf32, #tpu.memory_space<vmem>>, vector<1x16xf32>,
    %swap3A_1140 = vector.shape_cast %swap3A_1139 : vector<1x16xf32> to vector<16xf32>
    %swap3A_1141 = vector.shape_cast %broadcast_in_dim3A_146 : vector<16xf32> to vector<1x16xf32>
    tpu.vector_store %arg9[%swap3A_1137, %swap3A_1138], %swap3A_1141 {strides = array<i32>} : memref<128x128xf32, #tpu.memory_space<vmem>>, vector<1x16xf32>,
    %swap3A_1142 = arith.constant 116 : i32
    %swap3A_1143 = arith.index_cast %swap3A_1142 : i32 to index
    %swap3A_1144 = arith.constant 96 : index
    %swap3A_1145 = tpu.vector_load %arg9[%swap3A_1143, %swap3A_1144] {strides = array<i32>} : memref<128x128xf32, #tpu.memory_space<vmem>>, vector<1x16xf32>,
    %swap3A_1146 = vector.shape_cast %swap3A_1145 : vector<1x16xf32> to vector<16xf32>
    %swap3A_1147 = vector.shape_cast %broadcast_in_dim3A_146 : vector<16xf32> to vector<1x16xf32>
    tpu.vector_store %arg9[%swap3A_1143, %swap3A_1144], %swap3A_1147 {strides = array<i32>} : memref<128x128xf32, #tpu.memory_space<vmem>>, vector<1x16xf32>,
    %swap3A_1148 = arith.constant 116 : i32
    %swap3A_1149 = arith.index_cast %swap3A_1148 : i32 to index
    %swap3A_1150 = arith.constant 112 : index
    %swap3A_1151 = tpu.vector_load %arg9[%swap3A_1149, %swap3A_1150] {strides = array<i32>} : memref<128x128xf32, #tpu.memory_space<vmem>>, vector<1x16xf32>,
    %swap3A_1152 = vector.shape_cast %swap3A_1151 : vector<1x16xf32> to vector<16xf32>
    %swap3A_1153 = vector.shape_cast %broadcast_in_dim3A_146 : vector<16xf32> to vector<1x16xf32>
    tpu.vector_store %arg9[%swap3A_1149, %swap3A_1150], %swap3A_1153 {strides = array<i32>} : memref<128x128xf32, #tpu.memory_space<vmem>>, vector<1x16xf32>,
    %swap3A_1154 = arith.constant 117 : i32
    %swap3A_1155 = arith.index_cast %swap3A_1154 : i32 to index
    %swap3A_1156 = arith.constant 0 : index
    %swap3A_1157 = tpu.vector_load %arg9[%swap3A_1155, %swap3A_1156] {strides = array<i32>} : memref<128x128xf32, #tpu.memory_space<vmem>>, vector<1x16xf32>,
    %swap3A_1158 = vector.shape_cast %swap3A_1157 : vector<1x16xf32> to vector<16xf32>
    %swap3A_1159 = vector.shape_cast %broadcast_in_dim3A_146 : vector<16xf32> to vector<1x16xf32>
    tpu.vector_store %arg9[%swap3A_1155, %swap3A_1156], %swap3A_1159 {strides = array<i32>} : memref<128x128xf32, #tpu.memory_space<vmem>>, vector<1x16xf32>,
    %swap3A_1160 = arith.constant 117 : i32
    %swap3A_1161 = arith.index_cast %swap3A_1160 : i32 to index
    %swap3A_1162 = arith.constant 16 : index
    %swap3A_1163 = tpu.vector_load %arg9[%swap3A_1161, %swap3A_1162] {strides = array<i32>} : memref<128x128xf32, #tpu.memory_space<vmem>>, vector<1x16xf32>,
    %swap3A_1164 = vector.shape_cast %swap3A_1163 : vector<1x16xf32> to vector<16xf32>
    %swap3A_1165 = vector.shape_cast %broadcast_in_dim3A_146 : vector<16xf32> to vector<1x16xf32>
    tpu.vector_store %arg9[%swap3A_1161, %swap3A_1162], %swap3A_1165 {strides = array<i32>} : memref<128x128xf32, #tpu.memory_space<vmem>>, vector<1x16xf32>,
    %swap3A_1166 = arith.constant 117 : i32
    %swap3A_1167 = arith.index_cast %swap3A_1166 : i32 to index
    %swap3A_1168 = arith.constant 32 : index
    %swap3A_1169 = tpu.vector_load %arg9[%swap3A_1167, %swap3A_1168] {strides = array<i32>} : memref<128x128xf32, #tpu.memory_space<vmem>>, vector<1x16xf32>,
    %swap3A_1170 = vector.shape_cast %swap3A_1169 : vector<1x16xf32> to vector<16xf32>
    %swap3A_1171 = vector.shape_cast %broadcast_in_dim3A_146 : vector<16xf32> to vector<1x16xf32>
    tpu.vector_store %arg9[%swap3A_1167, %swap3A_1168], %swap3A_1171 {strides = array<i32>} : memref<128x128xf32, #tpu.memory_space<vmem>>, vector<1x16xf32>,
    %swap3A_1172 = arith.constant 117 : i32
    %swap3A_1173 = arith.index_cast %swap3A_1172 : i32 to index
    %swap3A_1174 = arith.constant 48 : index
    %swap3A_1175 = tpu.vector_load %arg9[%swap3A_1173, %swap3A_1174] {strides = array<i32>} : memref<128x128xf32, #tpu.memory_space<vmem>>, vector<1x16xf32>,
    %swap3A_1176 = vector.shape_cast %swap3A_1175 : vector<1x16xf32> to vector<16xf32>
    %swap3A_1177 = vector.shape_cast %broadcast_in_dim3A_146 : vector<16xf32> to vector<1x16xf32>
    tpu.vector_store %arg9[%swap3A_1173, %swap3A_1174], %swap3A_1177 {strides = array<i32>} : memref<128x128xf32, #tpu.memory_space<vmem>>, vector<1x16xf32>,
    %swap3A_1178 = arith.constant 117 : i32
    %swap3A_1179 = arith.index_cast %swap3A_1178 : i32 to index
    %swap3A_1180 = arith.constant 64 : index
    %swap3A_1181 = tpu.vector_load %arg9[%swap3A_1179, %swap3A_1180] {strides = array<i32>} : memref<128x128xf32, #tpu.memory_space<vmem>>, vector<1x16xf32>,
    %swap3A_1182 = vector.shape_cast %swap3A_1181 : vector<1x16xf32> to vector<16xf32>
    %swap3A_1183 = vector.shape_cast %broadcast_in_dim3A_146 : vector<16xf32> to vector<1x16xf32>
    tpu.vector_store %arg9[%swap3A_1179, %swap3A_1180], %swap3A_1183 {strides = array<i32>} : memref<128x128xf32, #tpu.memory_space<vmem>>, vector<1x16xf32>,
    %swap3A_1184 = arith.constant 117 : i32
    %swap3A_1185 = arith.index_cast %swap3A_1184 : i32 to index
    %swap3A_1186 = arith.constant 80 : index
    %swap3A_1187 = tpu.vector_load %arg9[%swap3A_1185, %swap3A_1186] {strides = array<i32>} : memref<128x128xf32, #tpu.memory_space<vmem>>, vector<1x16xf32>,
    %swap3A_1188 = vector.shape_cast %swap3A_1187 : vector<1x16xf32> to vector<16xf32>
    %swap3A_1189 = vector.shape_cast %broadcast_in_dim3A_146 : vector<16xf32> to vector<1x16xf32>
    tpu.vector_store %arg9[%swap3A_1185, %swap3A_1186], %swap3A_1189 {strides = array<i32>} : memref<128x128xf32, #tpu.memory_space<vmem>>, vector<1x16xf32>,
    %swap3A_1190 = arith.constant 117 : i32
    %swap3A_1191 = arith.index_cast %swap3A_1190 : i32 to index
    %swap3A_1192 = arith.constant 96 : index
    %swap3A_1193 = tpu.vector_load %arg9[%swap3A_1191, %swap3A_1192] {strides = array<i32>} : memref<128x128xf32, #tpu.memory_space<vmem>>, vector<1x16xf32>,
    %swap3A_1194 = vector.shape_cast %swap3A_1193 : vector<1x16xf32> to vector<16xf32>
    %swap3A_1195 = vector.shape_cast %broadcast_in_dim3A_146 : vector<16xf32> to vector<1x16xf32>
    tpu.vector_store %arg9[%swap3A_1191, %swap3A_1192], %swap3A_1195 {strides = array<i32>} : memref<128x128xf32, #tpu.memory_space<vmem>>, vector<1x16xf32>,
    %swap3A_1196 = arith.constant 117 : i32
    %swap3A_1197 = arith.index_cast %swap3A_1196 : i32 to index
    %swap3A_1198 = arith.constant 112 : index
    %swap3A_1199 = tpu.vector_load %arg9[%swap3A_1197, %swap3A_1198] {strides = array<i32>} : memref<128x128xf32, #tpu.memory_space<vmem>>, vector<1x16xf32>,
    %swap3A_1200 = vector.shape_cast %swap3A_1199 : vector<1x16xf32> to vector<16xf32>
    %swap3A_1201 = vector.shape_cast %broadcast_in_dim3A_146 : vector<16xf32> to vector<1x16xf32>
    tpu.vector_store %arg9[%swap3A_1197, %swap3A_1198], %swap3A_1201 {strides = array<i32>} : memref<128x128xf32, #tpu.memory_space<vmem>>, vector<1x16xf32>,
    %swap3A_1202 = arith.constant 118 : i32
    %swap3A_1203 = arith.index_cast %swap3A_1202 : i32 to index
    %swap3A_1204 = arith.constant 0 : index
    %swap3A_1205 = tpu.vector_load %arg9[%swap3A_1203, %swap3A_1204] {strides = array<i32>} : memref<128x128xf32, #tpu.memory_space<vmem>>, vector<1x16xf32>,
    %swap3A_1206 = vector.shape_cast %swap3A_1205 : vector<1x16xf32> to vector<16xf32>
    %swap3A_1207 = vector.shape_cast %broadcast_in_dim3A_146 : vector<16xf32> to vector<1x16xf32>
    tpu.vector_store %arg9[%swap3A_1203, %swap3A_1204], %swap3A_1207 {strides = array<i32>} : memref<128x128xf32, #tpu.memory_space<vmem>>, vector<1x16xf32>,
    %swap3A_1208 = arith.constant 118 : i32
    %swap3A_1209 = arith.index_cast %swap3A_1208 : i32 to index
    %swap3A_1210 = arith.constant 16 : index
    %swap3A_1211 = tpu.vector_load %arg9[%swap3A_1209, %swap3A_1210] {strides = array<i32>} : memref<128x128xf32, #tpu.memory_space<vmem>>, vector<1x16xf32>,
    %swap3A_1212 = vector.shape_cast %swap3A_1211 : vector<1x16xf32> to vector<16xf32>
    %swap3A_1213 = vector.shape_cast %broadcast_in_dim3A_146 : vector<16xf32> to vector<1x16xf32>
    tpu.vector_store %arg9[%swap3A_1209, %swap3A_1210], %swap3A_1213 {strides = array<i32>} : memref<128x128xf32, #tpu.memory_space<vmem>>, vector<1x16xf32>,
    %swap3A_1214 = arith.constant 118 : i32
    %swap3A_1215 = arith.index_cast %swap3A_1214 : i32 to index
    %swap3A_1216 = arith.constant 32 : index
    %swap3A_1217 = tpu.vector_load %arg9[%swap3A_1215, %swap3A_1216] {strides = array<i32>} : memref<128x128xf32, #tpu.memory_space<vmem>>, vector<1x16xf32>,
    %swap3A_1218 = vector.shape_cast %swap3A_1217 : vector<1x16xf32> to vector<16xf32>
    %swap3A_1219 = vector.shape_cast %broadcast_in_dim3A_146 : vector<16xf32> to vector<1x16xf32>
    tpu.vector_store %arg9[%swap3A_1215, %swap3A_1216], %swap3A_1219 {strides = array<i32>} : memref<128x128xf32, #tpu.memory_space<vmem>>, vector<1x16xf32>,
    %swap3A_1220 = arith.constant 118 : i32
    %swap3A_1221 = arith.index_cast %swap3A_1220 : i32 to index
    %swap3A_1222 = arith.constant 48 : index
    %swap3A_1223 = tpu.vector_load %arg9[%swap3A_1221, %swap3A_1222] {strides = array<i32>} : memref<128x128xf32, #tpu.memory_space<vmem>>, vector<1x16xf32>,
    %swap3A_1224 = vector.shape_cast %swap3A_1223 : vector<1x16xf32> to vector<16xf32>
    %swap3A_1225 = vector.shape_cast %broadcast_in_dim3A_146 : vector<16xf32> to vector<1x16xf32>
    tpu.vector_store %arg9[%swap3A_1221, %swap3A_1222], %swap3A_1225 {strides = array<i32>} : memref<128x128xf32, #tpu.memory_space<vmem>>, vector<1x16xf32>,
    %swap3A_1226 = arith.constant 118 : i32
    %swap3A_1227 = arith.index_cast %swap3A_1226 : i32 to index
    %swap3A_1228 = arith.constant 64 : index
    %swap3A_1229 = tpu.vector_load %arg9[%swap3A_1227, %swap3A_1228] {strides = array<i32>} : memref<128x128xf32, #tpu.memory_space<vmem>>, vector<1x16xf32>,
    %swap3A_1230 = vector.shape_cast %swap3A_1229 : vector<1x16xf32> to vector<16xf32>
    %swap3A_1231 = vector.shape_cast %broadcast_in_dim3A_146 : vector<16xf32> to vector<1x16xf32>
    tpu.vector_store %arg9[%swap3A_1227, %swap3A_1228], %swap3A_1231 {strides = array<i32>} : memref<128x128xf32, #tpu.memory_space<vmem>>, vector<1x16xf32>,
    %swap3A_1232 = arith.constant 118 : i32
    %swap3A_1233 = arith.index_cast %swap3A_1232 : i32 to index
    %swap3A_1234 = arith.constant 80 : index
    %swap3A_1235 = tpu.vector_load %arg9[%swap3A_1233, %swap3A_1234] {strides = array<i32>} : memref<128x128xf32, #tpu.memory_space<vmem>>, vector<1x16xf32>,
    %swap3A_1236 = vector.shape_cast %swap3A_1235 : vector<1x16xf32> to vector<16xf32>
    %swap3A_1237 = vector.shape_cast %broadcast_in_dim3A_146 : vector<16xf32> to vector<1x16xf32>
    tpu.vector_store %arg9[%swap3A_1233, %swap3A_1234], %swap3A_1237 {strides = array<i32>} : memref<128x128xf32, #tpu.memory_space<vmem>>, vector<1x16xf32>,
    %swap3A_1238 = arith.constant 118 : i32
    %swap3A_1239 = arith.index_cast %swap3A_1238 : i32 to index
    %swap3A_1240 = arith.constant 96 : index
    %swap3A_1241 = tpu.vector_load %arg9[%swap3A_1239, %swap3A_1240] {strides = array<i32>} : memref<128x128xf32, #tpu.memory_space<vmem>>, vector<1x16xf32>,
    %swap3A_1242 = vector.shape_cast %swap3A_1241 : vector<1x16xf32> to vector<16xf32>
    %swap3A_1243 = vector.shape_cast %broadcast_in_dim3A_146 : vector<16xf32> to vector<1x16xf32>
    tpu.vector_store %arg9[%swap3A_1239, %swap3A_1240], %swap3A_1243 {strides = array<i32>} : memref<128x128xf32, #tpu.memory_space<vmem>>, vector<1x16xf32>,
    %swap3A_1244 = arith.constant 118 : i32
    %swap3A_1245 = arith.index_cast %swap3A_1244 : i32 to index
    %swap3A_1246 = arith.constant 112 : index
    %swap3A_1247 = tpu.vector_load %arg9[%swap3A_1245, %swap3A_1246] {strides = array<i32>} : memref<128x128xf32, #tpu.memory_space<vmem>>, vector<1x16xf32>,
    %swap3A_1248 = vector.shape_cast %swap3A_1247 : vector<1x16xf32> to vector<16xf32>
    %swap3A_1249 = vector.shape_cast %broadcast_in_dim3A_146 : vector<16xf32> to vector<1x16xf32>
    tpu.vector_store %arg9[%swap3A_1245, %swap3A_1246], %swap3A_1249 {strides = array<i32>} : memref<128x128xf32, #tpu.memory_space<vmem>>, vector<1x16xf32>,
    %swap3A_1250 = arith.constant 119 : i32
    %swap3A_1251 = arith.index_cast %swap3A_1250 : i32 to index
    %swap3A_1252 = arith.constant 0 : index
    %swap3A_1253 = tpu.vector_load %arg9[%swap3A_1251, %swap3A_1252] {strides = array<i32>} : memref<128x128xf32, #tpu.memory_space<vmem>>, vector<1x16xf32>,
    %swap3A_1254 = vector.shape_cast %swap3A_1253 : vector<1x16xf32> to vector<16xf32>
    %swap3A_1255 = vector.shape_cast %broadcast_in_dim3A_146 : vector<16xf32> to vector<1x16xf32>
    tpu.vector_store %arg9[%swap3A_1251, %swap3A_1252], %swap3A_1255 {strides = array<i32>} : memref<128x128xf32, #tpu.memory_space<vmem>>, vector<1x16xf32>,
    %swap3A_1256 = arith.constant 119 : i32
    %swap3A_1257 = arith.index_cast %swap3A_1256 : i32 to index
    %swap3A_1258 = arith.constant 16 : index
    %swap3A_1259 = tpu.vector_load %arg9[%swap3A_1257, %swap3A_1258] {strides = array<i32>} : memref<128x128xf32, #tpu.memory_space<vmem>>, vector<1x16xf32>,
    %swap3A_1260 = vector.shape_cast %swap3A_1259 : vector<1x16xf32> to vector<16xf32>
    %swap3A_1261 = vector.shape_cast %broadcast_in_dim3A_146 : vector<16xf32> to vector<1x16xf32>
    tpu.vector_store %arg9[%swap3A_1257, %swap3A_1258], %swap3A_1261 {strides = array<i32>} : memref<128x128xf32, #tpu.memory_space<vmem>>, vector<1x16xf32>,
    %swap3A_1262 = arith.constant 119 : i32
    %swap3A_1263 = arith.index_cast %swap3A_1262 : i32 to index
    %swap3A_1264 = arith.constant 32 : index
    %swap3A_1265 = tpu.vector_load %arg9[%swap3A_1263, %swap3A_1264] {strides = array<i32>} : memref<128x128xf32, #tpu.memory_space<vmem>>, vector<1x16xf32>,
    %swap3A_1266 = vector.shape_cast %swap3A_1265 : vector<1x16xf32> to vector<16xf32>
    %swap3A_1267 = vector.shape_cast %broadcast_in_dim3A_146 : vector<16xf32> to vector<1x16xf32>
    tpu.vector_store %arg9[%swap3A_1263, %swap3A_1264], %swap3A_1267 {strides = array<i32>} : memref<128x128xf32, #tpu.memory_space<vmem>>, vector<1x16xf32>,
    %swap3A_1268 = arith.constant 119 : i32
    %swap3A_1269 = arith.index_cast %swap3A_1268 : i32 to index
    %swap3A_1270 = arith.constant 48 : index
    %swap3A_1271 = tpu.vector_load %arg9[%swap3A_1269, %swap3A_1270] {strides = array<i32>} : memref<128x128xf32, #tpu.memory_space<vmem>>, vector<1x16xf32>,
    %swap3A_1272 = vector.shape_cast %swap3A_1271 : vector<1x16xf32> to vector<16xf32>
    %swap3A_1273 = vector.shape_cast %broadcast_in_dim3A_146 : vector<16xf32> to vector<1x16xf32>
    tpu.vector_store %arg9[%swap3A_1269, %swap3A_1270], %swap3A_1273 {strides = array<i32>} : memref<128x128xf32, #tpu.memory_space<vmem>>, vector<1x16xf32>,
    %swap3A_1274 = arith.constant 119 : i32
    %swap3A_1275 = arith.index_cast %swap3A_1274 : i32 to index
    %swap3A_1276 = arith.constant 64 : index
    %swap3A_1277 = tpu.vector_load %arg9[%swap3A_1275, %swap3A_1276] {strides = array<i32>} : memref<128x128xf32, #tpu.memory_space<vmem>>, vector<1x16xf32>,
    %swap3A_1278 = vector.shape_cast %swap3A_1277 : vector<1x16xf32> to vector<16xf32>
    %swap3A_1279 = vector.shape_cast %broadcast_in_dim3A_146 : vector<16xf32> to vector<1x16xf32>
    tpu.vector_store %arg9[%swap3A_1275, %swap3A_1276], %swap3A_1279 {strides = array<i32>} : memref<128x128xf32, #tpu.memory_space<vmem>>, vector<1x16xf32>,
    %swap3A_1280 = arith.constant 119 : i32
    %swap3A_1281 = arith.index_cast %swap3A_1280 : i32 to index
    %swap3A_1282 = arith.constant 80 : index
    %swap3A_1283 = tpu.vector_load %arg9[%swap3A_1281, %swap3A_1282] {strides = array<i32>} : memref<128x128xf32, #tpu.memory_space<vmem>>, vector<1x16xf32>,
    %swap3A_1284 = vector.shape_cast %swap3A_1283 : vector<1x16xf32> to vector<16xf32>
    %swap3A_1285 = vector.shape_cast %broadcast_in_dim3A_146 : vector<16xf32> to vector<1x16xf32>
    tpu.vector_store %arg9[%swap3A_1281, %swap3A_1282], %swap3A_1285 {strides = array<i32>} : memref<128x128xf32, #tpu.memory_space<vmem>>, vector<1x16xf32>,
    %swap3A_1286 = arith.constant 119 : i32
    %swap3A_1287 = arith.index_cast %swap3A_1286 : i32 to index
    %swap3A_1288 = arith.constant 96 : index
    %swap3A_1289 = tpu.vector_load %arg9[%swap3A_1287, %swap3A_1288] {strides = array<i32>} : memref<128x128xf32, #tpu.memory_space<vmem>>, vector<1x16xf32>,
    %swap3A_1290 = vector.shape_cast %swap3A_1289 : vector<1x16xf32> to vector<16xf32>
    %swap3A_1291 = vector.shape_cast %broadcast_in_dim3A_146 : vector<16xf32> to vector<1x16xf32>
    tpu.vector_store %arg9[%swap3A_1287, %swap3A_1288], %swap3A_1291 {strides = array<i32>} : memref<128x128xf32, #tpu.memory_space<vmem>>, vector<1x16xf32>,
    %swap3A_1292 = arith.constant 119 : i32
    %swap3A_1293 = arith.index_cast %swap3A_1292 : i32 to index
    %swap3A_1294 = arith.constant 112 : index
    %swap3A_1295 = tpu.vector_load %arg9[%swap3A_1293, %swap3A_1294] {strides = array<i32>} : memref<128x128xf32, #tpu.memory_space<vmem>>, vector<1x16xf32>,
    %swap3A_1296 = vector.shape_cast %swap3A_1295 : vector<1x16xf32> to vector<16xf32>
    %swap3A_1297 = vector.shape_cast %broadcast_in_dim3A_146 : vector<16xf32> to vector<1x16xf32>
    tpu.vector_store %arg9[%swap3A_1293, %swap3A_1294], %swap3A_1297 {strides = array<i32>} : memref<128x128xf32, #tpu.memory_space<vmem>>, vector<1x16xf32>,
    %swap3A_1298 = arith.constant 120 : i32
    %swap3A_1299 = arith.index_cast %swap3A_1298 : i32 to index
    %swap3A_1300 = arith.constant 0 : index
    %swap3A_1301 = tpu.vector_load %arg9[%swap3A_1299, %swap3A_1300] {strides = array<i32>} : memref<128x128xf32, #tpu.memory_space<vmem>>, vector<1x16xf32>,
    %swap3A_1302 = vector.shape_cast %swap3A_1301 : vector<1x16xf32> to vector<16xf32>
    %swap3A_1303 = vector.shape_cast %broadcast_in_dim3A_146 : vector<16xf32> to vector<1x16xf32>
    tpu.vector_store %arg9[%swap3A_1299, %swap3A_1300], %swap3A_1303 {strides = array<i32>} : memref<128x128xf32, #tpu.memory_space<vmem>>, vector<1x16xf32>,
    %swap3A_1304 = arith.constant 120 : i32
    %swap3A_1305 = arith.index_cast %swap3A_1304 : i32 to index
    %swap3A_1306 = arith.constant 16 : index
    %swap3A_1307 = tpu.vector_load %arg9[%swap3A_1305, %swap3A_1306] {strides = array<i32>} : memref<128x128xf32, #tpu.memory_space<vmem>>, vector<1x16xf32>,
    %swap3A_1308 = vector.shape_cast %swap3A_1307 : vector<1x16xf32> to vector<16xf32>
    %swap3A_1309 = vector.shape_cast %broadcast_in_dim3A_146 : vector<16xf32> to vector<1x16xf32>
    tpu.vector_store %arg9[%swap3A_1305, %swap3A_1306], %swap3A_1309 {strides = array<i32>} : memref<128x128xf32, #tpu.memory_space<vmem>>, vector<1x16xf32>,
    %swap3A_1310 = arith.constant 120 : i32
    %swap3A_1311 = arith.index_cast %swap3A_1310 : i32 to index
    %swap3A_1312 = arith.constant 32 : index
    %swap3A_1313 = tpu.vector_load %arg9[%swap3A_1311, %swap3A_1312] {strides = array<i32>} : memref<128x128xf32, #tpu.memory_space<vmem>>, vector<1x16xf32>,
    %swap3A_1314 = vector.shape_cast %swap3A_1313 : vector<1x16xf32> to vector<16xf32>
    %swap3A_1315 = vector.shape_cast %broadcast_in_dim3A_146 : vector<16xf32> to vector<1x16xf32>
    tpu.vector_store %arg9[%swap3A_1311, %swap3A_1312], %swap3A_1315 {strides = array<i32>} : memref<128x128xf32, #tpu.memory_space<vmem>>, vector<1x16xf32>,
    %swap3A_1316 = arith.constant 120 : i32
    %swap3A_1317 = arith.index_cast %swap3A_1316 : i32 to index
    %swap3A_1318 = arith.constant 48 : index
    %swap3A_1319 = tpu.vector_load %arg9[%swap3A_1317, %swap3A_1318] {strides = array<i32>} : memref<128x128xf32, #tpu.memory_space<vmem>>, vector<1x16xf32>,
    %swap3A_1320 = vector.shape_cast %swap3A_1319 : vector<1x16xf32> to vector<16xf32>
    %swap3A_1321 = vector.shape_cast %broadcast_in_dim3A_146 : vector<16xf32> to vector<1x16xf32>
    tpu.vector_store %arg9[%swap3A_1317, %swap3A_1318], %swap3A_1321 {strides = array<i32>} : memref<128x128xf32, #tpu.memory_space<vmem>>, vector<1x16xf32>,
    %swap3A_1322 = arith.constant 120 : i32
    %swap3A_1323 = arith.index_cast %swap3A_1322 : i32 to index
    %swap3A_1324 = arith.constant 64 : index
    %swap3A_1325 = tpu.vector_load %arg9[%swap3A_1323, %swap3A_1324] {strides = array<i32>} : memref<128x128xf32, #tpu.memory_space<vmem>>, vector<1x16xf32>,
    %swap3A_1326 = vector.shape_cast %swap3A_1325 : vector<1x16xf32> to vector<16xf32>
    %swap3A_1327 = vector.shape_cast %broadcast_in_dim3A_146 : vector<16xf32> to vector<1x16xf32>
    tpu.vector_store %arg9[%swap3A_1323, %swap3A_1324], %swap3A_1327 {strides = array<i32>} : memref<128x128xf32, #tpu.memory_space<vmem>>, vector<1x16xf32>,
    %swap3A_1328 = arith.constant 120 : i32
    %swap3A_1329 = arith.index_cast %swap3A_1328 : i32 to index
    %swap3A_1330 = arith.constant 80 : index
    %swap3A_1331 = tpu.vector_load %arg9[%swap3A_1329, %swap3A_1330] {strides = array<i32>} : memref<128x128xf32, #tpu.memory_space<vmem>>, vector<1x16xf32>,
    %swap3A_1332 = vector.shape_cast %swap3A_1331 : vector<1x16xf32> to vector<16xf32>
    %swap3A_1333 = vector.shape_cast %broadcast_in_dim3A_146 : vector<16xf32> to vector<1x16xf32>
    tpu.vector_store %arg9[%swap3A_1329, %swap3A_1330], %swap3A_1333 {strides = array<i32>} : memref<128x128xf32, #tpu.memory_space<vmem>>, vector<1x16xf32>,
    %swap3A_1334 = arith.constant 120 : i32
    %swap3A_1335 = arith.index_cast %swap3A_1334 : i32 to index
    %swap3A_1336 = arith.constant 96 : index
    %swap3A_1337 = tpu.vector_load %arg9[%swap3A_1335, %swap3A_1336] {strides = array<i32>} : memref<128x128xf32, #tpu.memory_space<vmem>>, vector<1x16xf32>,
    %swap3A_1338 = vector.shape_cast %swap3A_1337 : vector<1x16xf32> to vector<16xf32>
    %swap3A_1339 = vector.shape_cast %broadcast_in_dim3A_146 : vector<16xf32> to vector<1x16xf32>
    tpu.vector_store %arg9[%swap3A_1335, %swap3A_1336], %swap3A_1339 {strides = array<i32>} : memref<128x128xf32, #tpu.memory_space<vmem>>, vector<1x16xf32>,
    %swap3A_1340 = arith.constant 120 : i32
    %swap3A_1341 = arith.index_cast %swap3A_1340 : i32 to index
    %swap3A_1342 = arith.constant 112 : index
    %swap3A_1343 = tpu.vector_load %arg9[%swap3A_1341, %swap3A_1342] {strides = array<i32>} : memref<128x128xf32, #tpu.memory_space<vmem>>, vector<1x16xf32>,
    %swap3A_1344 = vector.shape_cast %swap3A_1343 : vector<1x16xf32> to vector<16xf32>
    %swap3A_1345 = vector.shape_cast %broadcast_in_dim3A_146 : vector<16xf32> to vector<1x16xf32>
    tpu.vector_store %arg9[%swap3A_1341, %swap3A_1342], %swap3A_1345 {strides = array<i32>} : memref<128x128xf32, #tpu.memory_space<vmem>>, vector<1x16xf32>,
    %swap3A_1346 = arith.constant 121 : i32
    %swap3A_1347 = arith.index_cast %swap3A_1346 : i32 to index
    %swap3A_1348 = arith.constant 0 : index
    %swap3A_1349 = tpu.vector_load %arg9[%swap3A_1347, %swap3A_1348] {strides = array<i32>} : memref<128x128xf32, #tpu.memory_space<vmem>>, vector<1x16xf32>,
    %swap3A_1350 = vector.shape_cast %swap3A_1349 : vector<1x16xf32> to vector<16xf32>
    %swap3A_1351 = vector.shape_cast %broadcast_in_dim3A_146 : vector<16xf32> to vector<1x16xf32>
    tpu.vector_store %arg9[%swap3A_1347, %swap3A_1348], %swap3A_1351 {strides = array<i32>} : memref<128x128xf32, #tpu.memory_space<vmem>>, vector<1x16xf32>,
    %swap3A_1352 = arith.constant 121 : i32
    %swap3A_1353 = arith.index_cast %swap3A_1352 : i32 to index
    %swap3A_1354 = arith.constant 16 : index
    %swap3A_1355 = tpu.vector_load %arg9[%swap3A_1353, %swap3A_1354] {strides = array<i32>} : memref<128x128xf32, #tpu.memory_space<vmem>>, vector<1x16xf32>,
    %swap3A_1356 = vector.shape_cast %swap3A_1355 : vector<1x16xf32> to vector<16xf32>
    %swap3A_1357 = vector.shape_cast %broadcast_in_dim3A_146 : vector<16xf32> to vector<1x16xf32>
    tpu.vector_store %arg9[%swap3A_1353, %swap3A_1354], %swap3A_1357 {strides = array<i32>} : memref<128x128xf32, #tpu.memory_space<vmem>>, vector<1x16xf32>,
    %swap3A_1358 = arith.constant 121 : i32
    %swap3A_1359 = arith.index_cast %swap3A_1358 : i32 to index
    %swap3A_1360 = arith.constant 32 : index
    %swap3A_1361 = tpu.vector_load %arg9[%swap3A_1359, %swap3A_1360] {strides = array<i32>} : memref<128x128xf32, #tpu.memory_space<vmem>>, vector<1x16xf32>,
    %swap3A_1362 = vector.shape_cast %swap3A_1361 : vector<1x16xf32> to vector<16xf32>
    %swap3A_1363 = vector.shape_cast %broadcast_in_dim3A_146 : vector<16xf32> to vector<1x16xf32>
    tpu.vector_store %arg9[%swap3A_1359, %swap3A_1360], %swap3A_1363 {strides = array<i32>} : memref<128x128xf32, #tpu.memory_space<vmem>>, vector<1x16xf32>,
    %swap3A_1364 = arith.constant 121 : i32
    %swap3A_1365 = arith.index_cast %swap3A_1364 : i32 to index
    %swap3A_1366 = arith.constant 48 : index
    %swap3A_1367 = tpu.vector_load %arg9[%swap3A_1365, %swap3A_1366] {strides = array<i32>} : memref<128x128xf32, #tpu.memory_space<vmem>>, vector<1x16xf32>,
    %swap3A_1368 = vector.shape_cast %swap3A_1367 : vector<1x16xf32> to vector<16xf32>
    %swap3A_1369 = vector.shape_cast %broadcast_in_dim3A_146 : vector<16xf32> to vector<1x16xf32>
    tpu.vector_store %arg9[%swap3A_1365, %swap3A_1366], %swap3A_1369 {strides = array<i32>} : memref<128x128xf32, #tpu.memory_space<vmem>>, vector<1x16xf32>,
    %swap3A_1370 = arith.constant 121 : i32
    %swap3A_1371 = arith.index_cast %swap3A_1370 : i32 to index
    %swap3A_1372 = arith.constant 64 : index
    %swap3A_1373 = tpu.vector_load %arg9[%swap3A_1371, %swap3A_1372] {strides = array<i32>} : memref<128x128xf32, #tpu.memory_space<vmem>>, vector<1x16xf32>,
    %swap3A_1374 = vector.shape_cast %swap3A_1373 : vector<1x16xf32> to vector<16xf32>
    %swap3A_1375 = vector.shape_cast %broadcast_in_dim3A_146 : vector<16xf32> to vector<1x16xf32>
    tpu.vector_store %arg9[%swap3A_1371, %swap3A_1372], %swap3A_1375 {strides = array<i32>} : memref<128x128xf32, #tpu.memory_space<vmem>>, vector<1x16xf32>,
    %swap3A_1376 = arith.constant 121 : i32
    %swap3A_1377 = arith.index_cast %swap3A_1376 : i32 to index
    %swap3A_1378 = arith.constant 80 : index
    %swap3A_1379 = tpu.vector_load %arg9[%swap3A_1377, %swap3A_1378] {strides = array<i32>} : memref<128x128xf32, #tpu.memory_space<vmem>>, vector<1x16xf32>,
    %swap3A_1380 = vector.shape_cast %swap3A_1379 : vector<1x16xf32> to vector<16xf32>
    %swap3A_1381 = vector.shape_cast %broadcast_in_dim3A_146 : vector<16xf32> to vector<1x16xf32>
    tpu.vector_store %arg9[%swap3A_1377, %swap3A_1378], %swap3A_1381 {strides = array<i32>} : memref<128x128xf32, #tpu.memory_space<vmem>>, vector<1x16xf32>,
    %swap3A_1382 = arith.constant 121 : i32
    %swap3A_1383 = arith.index_cast %swap3A_1382 : i32 to index
    %swap3A_1384 = arith.constant 96 : index
    %swap3A_1385 = tpu.vector_load %arg9[%swap3A_1383, %swap3A_1384] {strides = array<i32>} : memref<128x128xf32, #tpu.memory_space<vmem>>, vector<1x16xf32>,
    %swap3A_1386 = vector.shape_cast %swap3A_1385 : vector<1x16xf32> to vector<16xf32>
    %swap3A_1387 = vector.shape_cast %broadcast_in_dim3A_146 : vector<16xf32> to vector<1x16xf32>
    tpu.vector_store %arg9[%swap3A_1383, %swap3A_1384], %swap3A_1387 {strides = array<i32>} : memref<128x128xf32, #tpu.memory_space<vmem>>, vector<1x16xf32>,
    %swap3A_1388 = arith.constant 121 : i32
    %swap3A_1389 = arith.index_cast %swap3A_1388 : i32 to index
    %swap3A_1390 = arith.constant 112 : index
    %swap3A_1391 = tpu.vector_load %arg9[%swap3A_1389, %swap3A_1390] {strides = array<i32>} : memref<128x128xf32, #tpu.memory_space<vmem>>, vector<1x16xf32>,
    %swap3A_1392 = vector.shape_cast %swap3A_1391 : vector<1x16xf32> to vector<16xf32>
    %swap3A_1393 = vector.shape_cast %broadcast_in_dim3A_146 : vector<16xf32> to vector<1x16xf32>
    tpu.vector_store %arg9[%swap3A_1389, %swap3A_1390], %swap3A_1393 {strides = array<i32>} : memref<128x128xf32, #tpu.memory_space<vmem>>, vector<1x16xf32>,
    %swap3A_1394 = arith.constant 122 : i32
    %swap3A_1395 = arith.index_cast %swap3A_1394 : i32 to index
    %swap3A_1396 = arith.constant 0 : index
    %swap3A_1397 = tpu.vector_load %arg9[%swap3A_1395, %swap3A_1396] {strides = array<i32>} : memref<128x128xf32, #tpu.memory_space<vmem>>, vector<1x16xf32>,
    %swap3A_1398 = vector.shape_cast %swap3A_1397 : vector<1x16xf32> to vector<16xf32>
    %swap3A_1399 = vector.shape_cast %broadcast_in_dim3A_146 : vector<16xf32> to vector<1x16xf32>
    tpu.vector_store %arg9[%swap3A_1395, %swap3A_1396], %swap3A_1399 {strides = array<i32>} : memref<128x128xf32, #tpu.memory_space<vmem>>, vector<1x16xf32>,
    %swap3A_1400 = arith.constant 122 : i32
    %swap3A_1401 = arith.index_cast %swap3A_1400 : i32 to index
    %swap3A_1402 = arith.constant 16 : index
    %swap3A_1403 = tpu.vector_load %arg9[%swap3A_1401, %swap3A_1402] {strides = array<i32>} : memref<128x128xf32, #tpu.memory_space<vmem>>, vector<1x16xf32>,
    %swap3A_1404 = vector.shape_cast %swap3A_1403 : vector<1x16xf32> to vector<16xf32>
    %swap3A_1405 = vector.shape_cast %broadcast_in_dim3A_146 : vector<16xf32> to vector<1x16xf32>
    tpu.vector_store %arg9[%swap3A_1401, %swap3A_1402], %swap3A_1405 {strides = array<i32>} : memref<128x128xf32, #tpu.memory_space<vmem>>, vector<1x16xf32>,
    %swap3A_1406 = arith.constant 122 : i32
    %swap3A_1407 = arith.index_cast %swap3A_1406 : i32 to index
    %swap3A_1408 = arith.constant 32 : index
    %swap3A_1409 = tpu.vector_load %arg9[%swap3A_1407, %swap3A_1408] {strides = array<i32>} : memref<128x128xf32, #tpu.memory_space<vmem>>, vector<1x16xf32>,
    %swap3A_1410 = vector.shape_cast %swap3A_1409 : vector<1x16xf32> to vector<16xf32>
    %swap3A_1411 = vector.shape_cast %broadcast_in_dim3A_146 : vector<16xf32> to vector<1x16xf32>
    tpu.vector_store %arg9[%swap3A_1407, %swap3A_1408], %swap3A_1411 {strides = array<i32>} : memref<128x128xf32, #tpu.memory_space<vmem>>, vector<1x16xf32>,
    %swap3A_1412 = arith.constant 122 : i32
    %swap3A_1413 = arith.index_cast %swap3A_1412 : i32 to index
    %swap3A_1414 = arith.constant 48 : index
    %swap3A_1415 = tpu.vector_load %arg9[%swap3A_1413, %swap3A_1414] {strides = array<i32>} : memref<128x128xf32, #tpu.memory_space<vmem>>, vector<1x16xf32>,
    %swap3A_1416 = vector.shape_cast %swap3A_1415 : vector<1x16xf32> to vector<16xf32>
    %swap3A_1417 = vector.shape_cast %broadcast_in_dim3A_146 : vector<16xf32> to vector<1x16xf32>
    tpu.vector_store %arg9[%swap3A_1413, %swap3A_1414], %swap3A_1417 {strides = array<i32>} : memref<128x128xf32, #tpu.memory_space<vmem>>, vector<1x16xf32>,
    %swap3A_1418 = arith.constant 122 : i32
    %swap3A_1419 = arith.index_cast %swap3A_1418 : i32 to index
    %swap3A_1420 = arith.constant 64 : index
    %swap3A_1421 = tpu.vector_load %arg9[%swap3A_1419, %swap3A_1420] {strides = array<i32>} : memref<128x128xf32, #tpu.memory_space<vmem>>, vector<1x16xf32>,
    %swap3A_1422 = vector.shape_cast %swap3A_1421 : vector<1x16xf32> to vector<16xf32>
    %swap3A_1423 = vector.shape_cast %broadcast_in_dim3A_146 : vector<16xf32> to vector<1x16xf32>
    tpu.vector_store %arg9[%swap3A_1419, %swap3A_1420], %swap3A_1423 {strides = array<i32>} : memref<128x128xf32, #tpu.memory_space<vmem>>, vector<1x16xf32>,
    %swap3A_1424 = arith.constant 122 : i32
    %swap3A_1425 = arith.index_cast %swap3A_1424 : i32 to index
    %swap3A_1426 = arith.constant 80 : index
    %swap3A_1427 = tpu.vector_load %arg9[%swap3A_1425, %swap3A_1426] {strides = array<i32>} : memref<128x128xf32, #tpu.memory_space<vmem>>, vector<1x16xf32>,
    %swap3A_1428 = vector.shape_cast %swap3A_1427 : vector<1x16xf32> to vector<16xf32>
    %swap3A_1429 = vector.shape_cast %broadcast_in_dim3A_146 : vector<16xf32> to vector<1x16xf32>
    tpu.vector_store %arg9[%swap3A_1425, %swap3A_1426], %swap3A_1429 {strides = array<i32>} : memref<128x128xf32, #tpu.memory_space<vmem>>, vector<1x16xf32>,
    %swap3A_1430 = arith.constant 122 : i32
    %swap3A_1431 = arith.index_cast %swap3A_1430 : i32 to index
    %swap3A_1432 = arith.constant 96 : index
    %swap3A_1433 = tpu.vector_load %arg9[%swap3A_1431, %swap3A_1432] {strides = array<i32>} : memref<128x128xf32, #tpu.memory_space<vmem>>, vector<1x16xf32>,
    %swap3A_1434 = vector.shape_cast %swap3A_1433 : vector<1x16xf32> to vector<16xf32>
    %swap3A_1435 = vector.shape_cast %broadcast_in_dim3A_146 : vector<16xf32> to vector<1x16xf32>
    tpu.vector_store %arg9[%swap3A_1431, %swap3A_1432], %swap3A_1435 {strides = array<i32>} : memref<128x128xf32, #tpu.memory_space<vmem>>, vector<1x16xf32>,
    %swap3A_1436 = arith.constant 122 : i32
    %swap3A_1437 = arith.index_cast %swap3A_1436 : i32 to index
    %swap3A_1438 = arith.constant 112 : index
    %swap3A_1439 = tpu.vector_load %arg9[%swap3A_1437, %swap3A_1438] {strides = array<i32>} : memref<128x128xf32, #tpu.memory_space<vmem>>, vector<1x16xf32>,
    %swap3A_1440 = vector.shape_cast %swap3A_1439 : vector<1x16xf32> to vector<16xf32>
    %swap3A_1441 = vector.shape_cast %broadcast_in_dim3A_146 : vector<16xf32> to vector<1x16xf32>
    tpu.vector_store %arg9[%swap3A_1437, %swap3A_1438], %swap3A_1441 {strides = array<i32>} : memref<128x128xf32, #tpu.memory_space<vmem>>, vector<1x16xf32>,
    %swap3A_1442 = arith.constant 123 : i32
    %swap3A_1443 = arith.index_cast %swap3A_1442 : i32 to index
    %swap3A_1444 = arith.constant 0 : index
    %swap3A_1445 = tpu.vector_load %arg9[%swap3A_1443, %swap3A_1444] {strides = array<i32>} : memref<128x128xf32, #tpu.memory_space<vmem>>, vector<1x16xf32>,
    %swap3A_1446 = vector.shape_cast %swap3A_1445 : vector<1x16xf32> to vector<16xf32>
    %swap3A_1447 = vector.shape_cast %broadcast_in_dim3A_146 : vector<16xf32> to vector<1x16xf32>
    tpu.vector_store %arg9[%swap3A_1443, %swap3A_1444], %swap3A_1447 {strides = array<i32>} : memref<128x128xf32, #tpu.memory_space<vmem>>, vector<1x16xf32>,
    %swap3A_1448 = arith.constant 123 : i32
    %swap3A_1449 = arith.index_cast %swap3A_1448 : i32 to index
    %swap3A_1450 = arith.constant 16 : index
    %swap3A_1451 = tpu.vector_load %arg9[%swap3A_1449, %swap3A_1450] {strides = array<i32>} : memref<128x128xf32, #tpu.memory_space<vmem>>, vector<1x16xf32>,
    %swap3A_1452 = vector.shape_cast %swap3A_1451 : vector<1x16xf32> to vector<16xf32>
    %swap3A_1453 = vector.shape_cast %broadcast_in_dim3A_146 : vector<16xf32> to vector<1x16xf32>
    tpu.vector_store %arg9[%swap3A_1449, %swap3A_1450], %swap3A_1453 {strides = array<i32>} : memref<128x128xf32, #tpu.memory_space<vmem>>, vector<1x16xf32>,
    %swap3A_1454 = arith.constant 123 : i32
    %swap3A_1455 = arith.index_cast %swap3A_1454 : i32 to index
    %swap3A_1456 = arith.constant 32 : index
    %swap3A_1457 = tpu.vector_load %arg9[%swap3A_1455, %swap3A_1456] {strides = array<i32>} : memref<128x128xf32, #tpu.memory_space<vmem>>, vector<1x16xf32>,
    %swap3A_1458 = vector.shape_cast %swap3A_1457 : vector<1x16xf32> to vector<16xf32>
    %swap3A_1459 = vector.shape_cast %broadcast_in_dim3A_146 : vector<16xf32> to vector<1x16xf32>
    tpu.vector_store %arg9[%swap3A_1455, %swap3A_1456], %swap3A_1459 {strides = array<i32>} : memref<128x128xf32, #tpu.memory_space<vmem>>, vector<1x16xf32>,
    %swap3A_1460 = arith.constant 123 : i32
    %swap3A_1461 = arith.index_cast %swap3A_1460 : i32 to index
    %swap3A_1462 = arith.constant 48 : index
    %swap3A_1463 = tpu.vector_load %arg9[%swap3A_1461, %swap3A_1462] {strides = array<i32>} : memref<128x128xf32, #tpu.memory_space<vmem>>, vector<1x16xf32>,
    %swap3A_1464 = vector.shape_cast %swap3A_1463 : vector<1x16xf32> to vector<16xf32>
    %swap3A_1465 = vector.shape_cast %broadcast_in_dim3A_146 : vector<16xf32> to vector<1x16xf32>
    tpu.vector_store %arg9[%swap3A_1461, %swap3A_1462], %swap3A_1465 {strides = array<i32>} : memref<128x128xf32, #tpu.memory_space<vmem>>, vector<1x16xf32>,
    %swap3A_1466 = arith.constant 123 : i32
    %swap3A_1467 = arith.index_cast %swap3A_1466 : i32 to index
    %swap3A_1468 = arith.constant 64 : index
    %swap3A_1469 = tpu.vector_load %arg9[%swap3A_1467, %swap3A_1468] {strides = array<i32>} : memref<128x128xf32, #tpu.memory_space<vmem>>, vector<1x16xf32>,
    %swap3A_1470 = vector.shape_cast %swap3A_1469 : vector<1x16xf32> to vector<16xf32>
    %swap3A_1471 = vector.shape_cast %broadcast_in_dim3A_146 : vector<16xf32> to vector<1x16xf32>
    tpu.vector_store %arg9[%swap3A_1467, %swap3A_1468], %swap3A_1471 {strides = array<i32>} : memref<128x128xf32, #tpu.memory_space<vmem>>, vector<1x16xf32>,
    %swap3A_1472 = arith.constant 123 : i32
    %swap3A_1473 = arith.index_cast %swap3A_1472 : i32 to index
    %swap3A_1474 = arith.constant 80 : index
    %swap3A_1475 = tpu.vector_load %arg9[%swap3A_1473, %swap3A_1474] {strides = array<i32>} : memref<128x128xf32, #tpu.memory_space<vmem>>, vector<1x16xf32>,
    %swap3A_1476 = vector.shape_cast %swap3A_1475 : vector<1x16xf32> to vector<16xf32>
    %swap3A_1477 = vector.shape_cast %broadcast_in_dim3A_146 : vector<16xf32> to vector<1x16xf32>
    tpu.vector_store %arg9[%swap3A_1473, %swap3A_1474], %swap3A_1477 {strides = array<i32>} : memref<128x128xf32, #tpu.memory_space<vmem>>, vector<1x16xf32>,
    %swap3A_1478 = arith.constant 123 : i32
    %swap3A_1479 = arith.index_cast %swap3A_1478 : i32 to index
    %swap3A_1480 = arith.constant 96 : index
    %swap3A_1481 = tpu.vector_load %arg9[%swap3A_1479, %swap3A_1480] {strides = array<i32>} : memref<128x128xf32, #tpu.memory_space<vmem>>, vector<1x16xf32>,
    %swap3A_1482 = vector.shape_cast %swap3A_1481 : vector<1x16xf32> to vector<16xf32>
    %swap3A_1483 = vector.shape_cast %broadcast_in_dim3A_146 : vector<16xf32> to vector<1x16xf32>
    tpu.vector_store %arg9[%swap3A_1479, %swap3A_1480], %swap3A_1483 {strides = array<i32>} : memref<128x128xf32, #tpu.memory_space<vmem>>, vector<1x16xf32>,
    %swap3A_1484 = arith.constant 123 : i32
    %swap3A_1485 = arith.index_cast %swap3A_1484 : i32 to index
    %swap3A_1486 = arith.constant 112 : index
    %swap3A_1487 = tpu.vector_load %arg9[%swap3A_1485, %swap3A_1486] {strides = array<i32>} : memref<128x128xf32, #tpu.memory_space<vmem>>, vector<1x16xf32>,
    %swap3A_1488 = vector.shape_cast %swap3A_1487 : vector<1x16xf32> to vector<16xf32>
    %swap3A_1489 = vector.shape_cast %broadcast_in_dim3A_146 : vector<16xf32> to vector<1x16xf32>
    tpu.vector_store %arg9[%swap3A_1485, %swap3A_1486], %swap3A_1489 {strides = array<i32>} : memref<128x128xf32, #tpu.memory_space<vmem>>, vector<1x16xf32>,
    %swap3A_1490 = arith.constant 124 : i32
    %swap3A_1491 = arith.index_cast %swap3A_1490 : i32 to index
    %swap3A_1492 = arith.constant 0 : index
    %swap3A_1493 = tpu.vector_load %arg9[%swap3A_1491, %swap3A_1492] {strides = array<i32>} : memref<128x128xf32, #tpu.memory_space<vmem>>, vector<1x16xf32>,
    %swap3A_1494 = vector.shape_cast %swap3A_1493 : vector<1x16xf32> to vector<16xf32>
    %swap3A_1495 = vector.shape_cast %broadcast_in_dim3A_146 : vector<16xf32> to vector<1x16xf32>
    tpu.vector_store %arg9[%swap3A_1491, %swap3A_1492], %swap3A_1495 {strides = array<i32>} : memref<128x128xf32, #tpu.memory_space<vmem>>, vector<1x16xf32>,
    %swap3A_1496 = arith.constant 124 : i32
    %swap3A_1497 = arith.index_cast %swap3A_1496 : i32 to index
    %swap3A_1498 = arith.constant 16 : index
    %swap3A_1499 = tpu.vector_load %arg9[%swap3A_1497, %swap3A_1498] {strides = array<i32>} : memref<128x128xf32, #tpu.memory_space<vmem>>, vector<1x16xf32>,
    %swap3A_1500 = vector.shape_cast %swap3A_1499 : vector<1x16xf32> to vector<16xf32>
    %swap3A_1501 = vector.shape_cast %broadcast_in_dim3A_146 : vector<16xf32> to vector<1x16xf32>
    tpu.vector_store %arg9[%swap3A_1497, %swap3A_1498], %swap3A_1501 {strides = array<i32>} : memref<128x128xf32, #tpu.memory_space<vmem>>, vector<1x16xf32>,
    %swap3A_1502 = arith.constant 124 : i32
    %swap3A_1503 = arith.index_cast %swap3A_1502 : i32 to index
    %swap3A_1504 = arith.constant 32 : index
    %swap3A_1505 = tpu.vector_load %arg9[%swap3A_1503, %swap3A_1504] {strides = array<i32>} : memref<128x128xf32, #tpu.memory_space<vmem>>, vector<1x16xf32>,
    %swap3A_1506 = vector.shape_cast %swap3A_1505 : vector<1x16xf32> to vector<16xf32>
    %swap3A_1507 = vector.shape_cast %broadcast_in_dim3A_146 : vector<16xf32> to vector<1x16xf32>
    tpu.vector_store %arg9[%swap3A_1503, %swap3A_1504], %swap3A_1507 {strides = array<i32>} : memref<128x128xf32, #tpu.memory_space<vmem>>, vector<1x16xf32>,
    %swap3A_1508 = arith.constant 124 : i32
    %swap3A_1509 = arith.index_cast %swap3A_1508 : i32 to index
    %swap3A_1510 = arith.constant 48 : index
    %swap3A_1511 = tpu.vector_load %arg9[%swap3A_1509, %swap3A_1510] {strides = array<i32>} : memref<128x128xf32, #tpu.memory_space<vmem>>, vector<1x16xf32>,
    %swap3A_1512 = vector.shape_cast %swap3A_1511 : vector<1x16xf32> to vector<16xf32>
    %swap3A_1513 = vector.shape_cast %broadcast_in_dim3A_146 : vector<16xf32> to vector<1x16xf32>
    tpu.vector_store %arg9[%swap3A_1509, %swap3A_1510], %swap3A_1513 {strides = array<i32>} : memref<128x128xf32, #tpu.memory_space<vmem>>, vector<1x16xf32>,
    %swap3A_1514 = arith.constant 124 : i32
    %swap3A_1515 = arith.index_cast %swap3A_1514 : i32 to index
    %swap3A_1516 = arith.constant 64 : index
    %swap3A_1517 = tpu.vector_load %arg9[%swap3A_1515, %swap3A_1516] {strides = array<i32>} : memref<128x128xf32, #tpu.memory_space<vmem>>, vector<1x16xf32>,
    %swap3A_1518 = vector.shape_cast %swap3A_1517 : vector<1x16xf32> to vector<16xf32>
    %swap3A_1519 = vector.shape_cast %broadcast_in_dim3A_146 : vector<16xf32> to vector<1x16xf32>
    tpu.vector_store %arg9[%swap3A_1515, %swap3A_1516], %swap3A_1519 {strides = array<i32>} : memref<128x128xf32, #tpu.memory_space<vmem>>, vector<1x16xf32>,
    %swap3A_1520 = arith.constant 124 : i32
    %swap3A_1521 = arith.index_cast %swap3A_1520 : i32 to index
    %swap3A_1522 = arith.constant 80 : index
    %swap3A_1523 = tpu.vector_load %arg9[%swap3A_1521, %swap3A_1522] {strides = array<i32>} : memref<128x128xf32, #tpu.memory_space<vmem>>, vector<1x16xf32>,
    %swap3A_1524 = vector.shape_cast %swap3A_1523 : vector<1x16xf32> to vector<16xf32>
    %swap3A_1525 = vector.shape_cast %broadcast_in_dim3A_146 : vector<16xf32> to vector<1x16xf32>
    tpu.vector_store %arg9[%swap3A_1521, %swap3A_1522], %swap3A_1525 {strides = array<i32>} : memref<128x128xf32, #tpu.memory_space<vmem>>, vector<1x16xf32>,
    %swap3A_1526 = arith.constant 124 : i32
    %swap3A_1527 = arith.index_cast %swap3A_1526 : i32 to index
    %swap3A_1528 = arith.constant 96 : index
    %swap3A_1529 = tpu.vector_load %arg9[%swap3A_1527, %swap3A_1528] {strides = array<i32>} : memref<128x128xf32, #tpu.memory_space<vmem>>, vector<1x16xf32>,
    %swap3A_1530 = vector.shape_cast %swap3A_1529 : vector<1x16xf32> to vector<16xf32>
    %swap3A_1531 = vector.shape_cast %broadcast_in_dim3A_146 : vector<16xf32> to vector<1x16xf32>
    tpu.vector_store %arg9[%swap3A_1527, %swap3A_1528], %swap3A_1531 {strides = array<i32>} : memref<128x128xf32, #tpu.memory_space<vmem>>, vector<1x16xf32>,
    %swap3A_1532 = arith.constant 124 : i32
    %swap3A_1533 = arith.index_cast %swap3A_1532 : i32 to index
    %swap3A_1534 = arith.constant 112 : index
    %swap3A_1535 = tpu.vector_load %arg9[%swap3A_1533, %swap3A_1534] {strides = array<i32>} : memref<128x128xf32, #tpu.memory_space<vmem>>, vector<1x16xf32>,
    %swap3A_1536 = vector.shape_cast %swap3A_1535 : vector<1x16xf32> to vector<16xf32>
    %swap3A_1537 = vector.shape_cast %broadcast_in_dim3A_146 : vector<16xf32> to vector<1x16xf32>
    tpu.vector_store %arg9[%swap3A_1533, %swap3A_1534], %swap3A_1537 {strides = array<i32>} : memref<128x128xf32, #tpu.memory_space<vmem>>, vector<1x16xf32>,
    %swap3A_1538 = arith.constant 125 : i32
    %swap3A_1539 = arith.index_cast %swap3A_1538 : i32 to index
    %swap3A_1540 = arith.constant 0 : index
    %swap3A_1541 = tpu.vector_load %arg9[%swap3A_1539, %swap3A_1540] {strides = array<i32>} : memref<128x128xf32, #tpu.memory_space<vmem>>, vector<1x16xf32>,
    %swap3A_1542 = vector.shape_cast %swap3A_1541 : vector<1x16xf32> to vector<16xf32>
    %swap3A_1543 = vector.shape_cast %broadcast_in_dim3A_146 : vector<16xf32> to vector<1x16xf32>
    tpu.vector_store %arg9[%swap3A_1539, %swap3A_1540], %swap3A_1543 {strides = array<i32>} : memref<128x128xf32, #tpu.memory_space<vmem>>, vector<1x16xf32>,
    %swap3A_1544 = arith.constant 125 : i32
    %swap3A_1545 = arith.index_cast %swap3A_1544 : i32 to index
    %swap3A_1546 = arith.constant 16 : index
    %swap3A_1547 = tpu.vector_load %arg9[%swap3A_1545, %swap3A_1546] {strides = array<i32>} : memref<128x128xf32, #tpu.memory_space<vmem>>, vector<1x16xf32>,
    %swap3A_1548 = vector.shape_cast %swap3A_1547 : vector<1x16xf32> to vector<16xf32>
    %swap3A_1549 = vector.shape_cast %broadcast_in_dim3A_146 : vector<16xf32> to vector<1x16xf32>
    tpu.vector_store %arg9[%swap3A_1545, %swap3A_1546], %swap3A_1549 {strides = array<i32>} : memref<128x128xf32, #tpu.memory_space<vmem>>, vector<1x16xf32>,
    %swap3A_1550 = arith.constant 125 : i32
    %swap3A_1551 = arith.index_cast %swap3A_1550 : i32 to index
    %swap3A_1552 = arith.constant 32 : index
    %swap3A_1553 = tpu.vector_load %arg9[%swap3A_1551, %swap3A_1552] {strides = array<i32>} : memref<128x128xf32, #tpu.memory_space<vmem>>, vector<1x16xf32>,
    %swap3A_1554 = vector.shape_cast %swap3A_1553 : vector<1x16xf32> to vector<16xf32>
    %swap3A_1555 = vector.shape_cast %broadcast_in_dim3A_146 : vector<16xf32> to vector<1x16xf32>
    tpu.vector_store %arg9[%swap3A_1551, %swap3A_1552], %swap3A_1555 {strides = array<i32>} : memref<128x128xf32, #tpu.memory_space<vmem>>, vector<1x16xf32>,
    %swap3A_1556 = arith.constant 125 : i32
    %swap3A_1557 = arith.index_cast %swap3A_1556 : i32 to index
    %swap3A_1558 = arith.constant 48 : index
    %swap3A_1559 = tpu.vector_load %arg9[%swap3A_1557, %swap3A_1558] {strides = array<i32>} : memref<128x128xf32, #tpu.memory_space<vmem>>, vector<1x16xf32>,
    %swap3A_1560 = vector.shape_cast %swap3A_1559 : vector<1x16xf32> to vector<16xf32>
    %swap3A_1561 = vector.shape_cast %broadcast_in_dim3A_146 : vector<16xf32> to vector<1x16xf32>
    tpu.vector_store %arg9[%swap3A_1557, %swap3A_1558], %swap3A_1561 {strides = array<i32>} : memref<128x128xf32, #tpu.memory_space<vmem>>, vector<1x16xf32>,
    %swap3A_1562 = arith.constant 125 : i32
    %swap3A_1563 = arith.index_cast %swap3A_1562 : i32 to index
    %swap3A_1564 = arith.constant 64 : index
    %swap3A_1565 = tpu.vector_load %arg9[%swap3A_1563, %swap3A_1564] {strides = array<i32>} : memref<128x128xf32, #tpu.memory_space<vmem>>, vector<1x16xf32>,
    %swap3A_1566 = vector.shape_cast %swap3A_1565 : vector<1x16xf32> to vector<16xf32>
    %swap3A_1567 = vector.shape_cast %broadcast_in_dim3A_146 : vector<16xf32> to vector<1x16xf32>
    tpu.vector_store %arg9[%swap3A_1563, %swap3A_1564], %swap3A_1567 {strides = array<i32>} : memref<128x128xf32, #tpu.memory_space<vmem>>, vector<1x16xf32>,
    %swap3A_1568 = arith.constant 125 : i32
    %swap3A_1569 = arith.index_cast %swap3A_1568 : i32 to index
    %swap3A_1570 = arith.constant 80 : index
    %swap3A_1571 = tpu.vector_load %arg9[%swap3A_1569, %swap3A_1570] {strides = array<i32>} : memref<128x128xf32, #tpu.memory_space<vmem>>, vector<1x16xf32>,
    %swap3A_1572 = vector.shape_cast %swap3A_1571 : vector<1x16xf32> to vector<16xf32>
    %swap3A_1573 = vector.shape_cast %broadcast_in_dim3A_146 : vector<16xf32> to vector<1x16xf32>
    tpu.vector_store %arg9[%swap3A_1569, %swap3A_1570], %swap3A_1573 {strides = array<i32>} : memref<128x128xf32, #tpu.memory_space<vmem>>, vector<1x16xf32>,
    %swap3A_1574 = arith.constant 125 : i32
    %swap3A_1575 = arith.index_cast %swap3A_1574 : i32 to index
    %swap3A_1576 = arith.constant 96 : index
    %swap3A_1577 = tpu.vector_load %arg9[%swap3A_1575, %swap3A_1576] {strides = array<i32>} : memref<128x128xf32, #tpu.memory_space<vmem>>, vector<1x16xf32>,
    %swap3A_1578 = vector.shape_cast %swap3A_1577 : vector<1x16xf32> to vector<16xf32>
    %swap3A_1579 = vector.shape_cast %broadcast_in_dim3A_146 : vector<16xf32> to vector<1x16xf32>
    tpu.vector_store %arg9[%swap3A_1575, %swap3A_1576], %swap3A_1579 {strides = array<i32>} : memref<128x128xf32, #tpu.memory_space<vmem>>, vector<1x16xf32>,
    %swap3A_1580 = arith.constant 125 : i32
    %swap3A_1581 = arith.index_cast %swap3A_1580 : i32 to index
    %swap3A_1582 = arith.constant 112 : index
    %swap3A_1583 = tpu.vector_load %arg9[%swap3A_1581, %swap3A_1582] {strides = array<i32>} : memref<128x128xf32, #tpu.memory_space<vmem>>, vector<1x16xf32>,
    %swap3A_1584 = vector.shape_cast %swap3A_1583 : vector<1x16xf32> to vector<16xf32>
    %swap3A_1585 = vector.shape_cast %broadcast_in_dim3A_146 : vector<16xf32> to vector<1x16xf32>
    tpu.vector_store %arg9[%swap3A_1581, %swap3A_1582], %swap3A_1585 {strides = array<i32>} : memref<128x128xf32, #tpu.memory_space<vmem>>, vector<1x16xf32>,
    %swap3A_1586 = arith.constant 126 : i32
    %swap3A_1587 = arith.index_cast %swap3A_1586 : i32 to index
    %swap3A_1588 = arith.constant 0 : index
    %swap3A_1589 = tpu.vector_load %arg9[%swap3A_1587, %swap3A_1588] {strides = array<i32>} : memref<128x128xf32, #tpu.memory_space<vmem>>, vector<1x16xf32>,
    %swap3A_1590 = vector.shape_cast %swap3A_1589 : vector<1x16xf32> to vector<16xf32>
    %swap3A_1591 = vector.shape_cast %broadcast_in_dim3A_146 : vector<16xf32> to vector<1x16xf32>
    tpu.vector_store %arg9[%swap3A_1587, %swap3A_1588], %swap3A_1591 {strides = array<i32>} : memref<128x128xf32, #tpu.memory_space<vmem>>, vector<1x16xf32>,
    %swap3A_1592 = arith.constant 126 : i32
    %swap3A_1593 = arith.index_cast %swap3A_1592 : i32 to index
    %swap3A_1594 = arith.constant 16 : index
    %swap3A_1595 = tpu.vector_load %arg9[%swap3A_1593, %swap3A_1594] {strides = array<i32>} : memref<128x128xf32, #tpu.memory_space<vmem>>, vector<1x16xf32>,
    %swap3A_1596 = vector.shape_cast %swap3A_1595 : vector<1x16xf32> to vector<16xf32>
    %swap3A_1597 = vector.shape_cast %broadcast_in_dim3A_146 : vector<16xf32> to vector<1x16xf32>
    tpu.vector_store %arg9[%swap3A_1593, %swap3A_1594], %swap3A_1597 {strides = array<i32>} : memref<128x128xf32, #tpu.memory_space<vmem>>, vector<1x16xf32>,
    %swap3A_1598 = arith.constant 126 : i32
    %swap3A_1599 = arith.index_cast %swap3A_1598 : i32 to index
    %swap3A_1600 = arith.constant 32 : index
    %swap3A_1601 = tpu.vector_load %arg9[%swap3A_1599, %swap3A_1600] {strides = array<i32>} : memref<128x128xf32, #tpu.memory_space<vmem>>, vector<1x16xf32>,
    %swap3A_1602 = vector.shape_cast %swap3A_1601 : vector<1x16xf32> to vector<16xf32>
    %swap3A_1603 = vector.shape_cast %broadcast_in_dim3A_146 : vector<16xf32> to vector<1x16xf32>
    tpu.vector_store %arg9[%swap3A_1599, %swap3A_1600], %swap3A_1603 {strides = array<i32>} : memref<128x128xf32, #tpu.memory_space<vmem>>, vector<1x16xf32>,
    %swap3A_1604 = arith.constant 126 : i32
    %swap3A_1605 = arith.index_cast %swap3A_1604 : i32 to index
    %swap3A_1606 = arith.constant 48 : index
    %swap3A_1607 = tpu.vector_load %arg9[%swap3A_1605, %swap3A_1606] {strides = array<i32>} : memref<128x128xf32, #tpu.memory_space<vmem>>, vector<1x16xf32>,
    %swap3A_1608 = vector.shape_cast %swap3A_1607 : vector<1x16xf32> to vector<16xf32>
    %swap3A_1609 = vector.shape_cast %broadcast_in_dim3A_146 : vector<16xf32> to vector<1x16xf32>
    tpu.vector_store %arg9[%swap3A_1605, %swap3A_1606], %swap3A_1609 {strides = array<i32>} : memref<128x128xf32, #tpu.memory_space<vmem>>, vector<1x16xf32>,
    %swap3A_1610 = arith.constant 126 : i32
    %swap3A_1611 = arith.index_cast %swap3A_1610 : i32 to index
    %swap3A_1612 = arith.constant 64 : index
    %swap3A_1613 = tpu.vector_load %arg9[%swap3A_1611, %swap3A_1612] {strides = array<i32>} : memref<128x128xf32, #tpu.memory_space<vmem>>, vector<1x16xf32>,
    %swap3A_1614 = vector.shape_cast %swap3A_1613 : vector<1x16xf32> to vector<16xf32>
    %swap3A_1615 = vector.shape_cast %broadcast_in_dim3A_146 : vector<16xf32> to vector<1x16xf32>
    tpu.vector_store %arg9[%swap3A_1611, %swap3A_1612], %swap3A_1615 {strides = array<i32>} : memref<128x128xf32, #tpu.memory_space<vmem>>, vector<1x16xf32>,
    %swap3A_1616 = arith.constant 126 : i32
    %swap3A_1617 = arith.index_cast %swap3A_1616 : i32 to index
    %swap3A_1618 = arith.constant 80 : index
    %swap3A_1619 = tpu.vector_load %arg9[%swap3A_1617, %swap3A_1618] {strides = array<i32>} : memref<128x128xf32, #tpu.memory_space<vmem>>, vector<1x16xf32>,
    %swap3A_1620 = vector.shape_cast %swap3A_1619 : vector<1x16xf32> to vector<16xf32>
    %swap3A_1621 = vector.shape_cast %broadcast_in_dim3A_146 : vector<16xf32> to vector<1x16xf32>
    tpu.vector_store %arg9[%swap3A_1617, %swap3A_1618], %swap3A_1621 {strides = array<i32>} : memref<128x128xf32, #tpu.memory_space<vmem>>, vector<1x16xf32>,
    %swap3A_1622 = arith.constant 126 : i32
    %swap3A_1623 = arith.index_cast %swap3A_1622 : i32 to index
    %swap3A_1624 = arith.constant 96 : index
    %swap3A_1625 = tpu.vector_load %arg9[%swap3A_1623, %swap3A_1624] {strides = array<i32>} : memref<128x128xf32, #tpu.memory_space<vmem>>, vector<1x16xf32>,
    %swap3A_1626 = vector.shape_cast %swap3A_1625 : vector<1x16xf32> to vector<16xf32>
    %swap3A_1627 = vector.shape_cast %broadcast_in_dim3A_146 : vector<16xf32> to vector<1x16xf32>
    tpu.vector_store %arg9[%swap3A_1623, %swap3A_1624], %swap3A_1627 {strides = array<i32>} : memref<128x128xf32, #tpu.memory_space<vmem>>, vector<1x16xf32>,
    %swap3A_1628 = arith.constant 126 : i32
    %swap3A_1629 = arith.index_cast %swap3A_1628 : i32 to index
    %swap3A_1630 = arith.constant 112 : index
    %swap3A_1631 = tpu.vector_load %arg9[%swap3A_1629, %swap3A_1630] {strides = array<i32>} : memref<128x128xf32, #tpu.memory_space<vmem>>, vector<1x16xf32>,
    %swap3A_1632 = vector.shape_cast %swap3A_1631 : vector<1x16xf32> to vector<16xf32>
    %swap3A_1633 = vector.shape_cast %broadcast_in_dim3A_146 : vector<16xf32> to vector<1x16xf32>
    tpu.vector_store %arg9[%swap3A_1629, %swap3A_1630], %swap3A_1633 {strides = array<i32>} : memref<128x128xf32, #tpu.memory_space<vmem>>, vector<1x16xf32>,
    %swap3A_1634 = arith.constant 127 : i32
    %swap3A_1635 = arith.index_cast %swap3A_1634 : i32 to index
    %swap3A_1636 = arith.constant 0 : index
    %swap3A_1637 = tpu.vector_load %arg9[%swap3A_1635, %swap3A_1636] {strides = array<i32>} : memref<128x128xf32, #tpu.memory_space<vmem>>, vector<1x16xf32>,
    %swap3A_1638 = vector.shape_cast %swap3A_1637 : vector<1x16xf32> to vector<16xf32>
    %swap3A_1639 = vector.shape_cast %broadcast_in_dim3A_146 : vector<16xf32> to vector<1x16xf32>
    tpu.vector_store %arg9[%swap3A_1635, %swap3A_1636], %swap3A_1639 {strides = array<i32>} : memref<128x128xf32, #tpu.memory_space<vmem>>, vector<1x16xf32>,
    %swap3A_1640 = arith.constant 127 : i32
    %swap3A_1641 = arith.index_cast %swap3A_1640 : i32 to index
    %swap3A_1642 = arith.constant 16 : index
    %swap3A_1643 = tpu.vector_load %arg9[%swap3A_1641, %swap3A_1642] {strides = array<i32>} : memref<128x128xf32, #tpu.memory_space<vmem>>, vector<1x16xf32>,
    %swap3A_1644 = vector.shape_cast %swap3A_1643 : vector<1x16xf32> to vector<16xf32>
    %swap3A_1645 = vector.shape_cast %broadcast_in_dim3A_146 : vector<16xf32> to vector<1x16xf32>
    tpu.vector_store %arg9[%swap3A_1641, %swap3A_1642], %swap3A_1645 {strides = array<i32>} : memref<128x128xf32, #tpu.memory_space<vmem>>, vector<1x16xf32>,
    %swap3A_1646 = arith.constant 127 : i32
    %swap3A_1647 = arith.index_cast %swap3A_1646 : i32 to index
    %swap3A_1648 = arith.constant 32 : index
    %swap3A_1649 = tpu.vector_load %arg9[%swap3A_1647, %swap3A_1648] {strides = array<i32>} : memref<128x128xf32, #tpu.memory_space<vmem>>, vector<1x16xf32>,
    %swap3A_1650 = vector.shape_cast %swap3A_1649 : vector<1x16xf32> to vector<16xf32>
    %swap3A_1651 = vector.shape_cast %broadcast_in_dim3A_146 : vector<16xf32> to vector<1x16xf32>
    tpu.vector_store %arg9[%swap3A_1647, %swap3A_1648], %swap3A_1651 {strides = array<i32>} : memref<128x128xf32, #tpu.memory_space<vmem>>, vector<1x16xf32>,
    %swap3A_1652 = arith.constant 127 : i32
    %swap3A_1653 = arith.index_cast %swap3A_1652 : i32 to index
    %swap3A_1654 = arith.constant 48 : index
    %swap3A_1655 = tpu.vector_load %arg9[%swap3A_1653, %swap3A_1654] {strides = array<i32>} : memref<128x128xf32, #tpu.memory_space<vmem>>, vector<1x16xf32>,
    %swap3A_1656 = vector.shape_cast %swap3A_1655 : vector<1x16xf32> to vector<16xf32>
    %swap3A_1657 = vector.shape_cast %broadcast_in_dim3A_146 : vector<16xf32> to vector<1x16xf32>
    tpu.vector_store %arg9[%swap3A_1653, %swap3A_1654], %swap3A_1657 {strides = array<i32>} : memref<128x128xf32, #tpu.memory_space<vmem>>, vector<1x16xf32>,
    %swap3A_1658 = arith.constant 127 : i32
    %swap3A_1659 = arith.index_cast %swap3A_1658 : i32 to index
    %swap3A_1660 = arith.constant 64 : index
    %swap3A_1661 = tpu.vector_load %arg9[%swap3A_1659, %swap3A_1660] {strides = array<i32>} : memref<128x128xf32, #tpu.memory_space<vmem>>, vector<1x16xf32>,
    %swap3A_1662 = vector.shape_cast %swap3A_1661 : vector<1x16xf32> to vector<16xf32>
    %swap3A_1663 = vector.shape_cast %broadcast_in_dim3A_146 : vector<16xf32> to vector<1x16xf32>
    tpu.vector_store %arg9[%swap3A_1659, %swap3A_1660], %swap3A_1663 {strides = array<i32>} : memref<128x128xf32, #tpu.memory_space<vmem>>, vector<1x16xf32>,
    %swap3A_1664 = arith.constant 127 : i32
    %swap3A_1665 = arith.index_cast %swap3A_1664 : i32 to index
    %swap3A_1666 = arith.constant 80 : index
    %swap3A_1667 = tpu.vector_load %arg9[%swap3A_1665, %swap3A_1666] {strides = array<i32>} : memref<128x128xf32, #tpu.memory_space<vmem>>, vector<1x16xf32>,
    %swap3A_1668 = vector.shape_cast %swap3A_1667 : vector<1x16xf32> to vector<16xf32>
    %swap3A_1669 = vector.shape_cast %broadcast_in_dim3A_146 : vector<16xf32> to vector<1x16xf32>
    tpu.vector_store %arg9[%swap3A_1665, %swap3A_1666], %swap3A_1669 {strides = array<i32>} : memref<128x128xf32, #tpu.memory_space<vmem>>, vector<1x16xf32>,
    %swap3A_1670 = arith.constant 127 : i32
    %swap3A_1671 = arith.index_cast %swap3A_1670 : i32 to index
    %swap3A_1672 = arith.constant 96 : index
    %swap3A_1673 = tpu.vector_load %arg9[%swap3A_1671, %swap3A_1672] {strides = array<i32>} : memref<128x128xf32, #tpu.memory_space<vmem>>, vector<1x16xf32>,
    %swap3A_1674 = vector.shape_cast %swap3A_1673 : vector<1x16xf32> to vector<16xf32>
    %swap3A_1675 = vector.shape_cast %broadcast_in_dim3A_146 : vector<16xf32> to vector<1x16xf32>
    tpu.vector_store %arg9[%swap3A_1671, %swap3A_1672], %swap3A_1675 {strides = array<i32>} : memref<128x128xf32, #tpu.memory_space<vmem>>, vector<1x16xf32>,
    %swap3A_1676 = arith.constant 127 : i32
    %swap3A_1677 = arith.index_cast %swap3A_1676 : i32 to index
    %swap3A_1678 = arith.constant 112 : index
    %swap3A_1679 = tpu.vector_load %arg9[%swap3A_1677, %swap3A_1678] {strides = array<i32>} : memref<128x128xf32, #tpu.memory_space<vmem>>, vector<1x16xf32>,
    %swap3A_1680 = vector.shape_cast %swap3A_1679 : vector<1x16xf32> to vector<16xf32>
    %swap3A_1681 = vector.shape_cast %broadcast_in_dim3A_146 : vector<16xf32> to vector<1x16xf32>
    tpu.vector_store %arg9[%swap3A_1677, %swap3A_1678], %swap3A_1681 {strides = array<i32>} : memref<128x128xf32, #tpu.memory_space<vmem>>, vector<1x16xf32>,
    %mul3A_1682 = arith.constant 32 : i32
    %mul3A_1683 = arith.muli %arg1, %mul3A_1682 : i32
    "tpu.region"() ({
      %run_scoped3A_1698 = tpu.sem_alloc : memref<!tpu.dma_semaphore, #tpu.memory_space<semaphore_mem>>
      %dma_start3A_1699 = arith.constant 96 : i32
      %dma_start3A_1700 = arith.constant 0 : i32
      %dma_start3A_1701 = tpu.memref_slice %arg9[%dma_start3A_1699, %dma_start3A_1700] : memref<128x128xf32, #tpu.memory_space<vmem>> -> memref<32x128xf32, #tpu.memory_space<vmem>>
      %dma_start3A_1702 = arith.constant 0 : i32
      %dma_start3A_1703 = tpu.memref_slice %arg10[%mul3A_1683, %dma_start3A_1702] : memref<512x128xf32, #tpu.memory_space<vmem_shared>> -> memref<32x128xf32, #tpu.memory_space<vmem_shared>>
      %dma_start3A_1704 = arith.constant 0 : i32
      %dma_start3A_1705 = tpu.memref_slice %arg10[%mul3A_1683, %dma_start3A_1704] : memref<512x128xf32, #tpu.memory_space<vmem_shared>> -> memref<32x128xf32, #tpu.memory_space<vmem_shared>>
      %dma_start3A_1706 = arith.constant 96 : i32
      %dma_start3A_1707 = arith.constant 0 : i32
      %dma_start3A_1708 = tpu.memref_slice %arg9[%dma_start3A_1706, %dma_start3A_1707] : memref<128x128xf32, #tpu.memory_space<vmem>> -> memref<32x128xf32, #tpu.memory_space<vmem>>
      tpu.enqueue_dma source(%dma_start3A_1708 : memref<32x128xf32, #tpu.memory_space<vmem>>) target(%dma_start3A_1705 : memref<32x128xf32, #tpu.memory_space<vmem_shared>>) target_semaphore(%run_scoped3A_1698 : memref<!tpu.dma_semaphore, #tpu.memory_space<semaphore_mem>>)
      %dma_wait3A = arith.constant 96 : i32
      %dma_wait3A_1709 = arith.constant 0 : i32
      %dma_wait3A_1710 = tpu.memref_slice %arg9[%dma_wait3A, %dma_wait3A_1709] : memref<128x128xf32, #tpu.memory_space<vmem>> -> memref<32x128xf32, #tpu.memory_space<vmem>>
      %dma_wait3A_1711 = arith.constant 0 : i32
      %dma_wait3A_1712 = tpu.memref_slice %arg10[%mul3A_1683, %dma_wait3A_1711] : memref<512x128xf32, #tpu.memory_space<vmem_shared>> -> memref<32x128xf32, #tpu.memory_space<vmem_shared>>
      %dma_wait3A_1713 = arith.constant 0 : i32
      %dma_wait3A_1714 = tpu.memref_slice %arg10[%mul3A_1683, %dma_wait3A_1713] : memref<512x128xf32, #tpu.memory_space<vmem_shared>> -> memref<32x128xf32, #tpu.memory_space<vmem_shared>>
      %dma_wait3A_1715 = arith.constant 96 : i32
      %dma_wait3A_1716 = arith.constant 0 : i32
      %dma_wait3A_1717 = tpu.memref_slice %arg9[%dma_wait3A_1715, %dma_wait3A_1716] : memref<128x128xf32, #tpu.memory_space<vmem>> -> memref<32x128xf32, #tpu.memory_space<vmem>>
      tpu.wait_dma2 semaphore(%run_scoped3A_1698 : memref<!tpu.dma_semaphore, #tpu.memory_space<semaphore_mem>>) src(%dma_wait3A_1717 : memref<32x128xf32, #tpu.memory_space<vmem>>) dst(%dma_wait3A_1714 : memref<32x128xf32, #tpu.memory_space<vmem_shared>>)
      tpu.yield
    }) : () -> ()
    %mul3A_1684 = arith.constant 128 : i32
    %mul3A_1685 = arith.muli %add3A, %mul3A_1684 : i32
    "tpu.region"() ({
      %run_scoped3A_1698 = tpu.sem_alloc : memref<!tpu.dma_semaphore, #tpu.memory_space<semaphore_mem>>
      %dma_start3A_1699 = arith.constant 0 : i32
      %dma_start3A_1700 = tpu.memref_slice %arg3[%mul3A_1685, %dma_start3A_1699] : memref<4096x80xi32, #tpu.memory_space<hbm>> -> memref<128x80xi32, #tpu.memory_space<hbm>>
      %dma_start3A_1701 = arith.constant 0 : i32
      %dma_start3A_1702 = tpu.memref_slice %arg3[%mul3A_1685, %dma_start3A_1701] : memref<4096x80xi32, #tpu.memory_space<hbm>> -> memref<128x80xi32, #tpu.memory_space<hbm>>
      tpu.enqueue_dma source(%dma_start3A_1702 : memref<128x80xi32, #tpu.memory_space<hbm>>) target(%arg7 : memref<128x80xi32, #tpu.memory_space<vmem>>) target_semaphore(%run_scoped3A_1698 : memref<!tpu.dma_semaphore, #tpu.memory_space<semaphore_mem>>)
      %dma_wait3A = arith.constant 0 : i32
      %dma_wait3A_1703 = tpu.memref_slice %arg3[%mul3A_1685, %dma_wait3A] : memref<4096x80xi32, #tpu.memory_space<hbm>> -> memref<128x80xi32, #tpu.memory_space<hbm>>
      %dma_wait3A_1704 = arith.constant 0 : i32
      %dma_wait3A_1705 = tpu.memref_slice %arg3[%mul3A_1685, %dma_wait3A_1704] : memref<4096x80xi32, #tpu.memory_space<hbm>> -> memref<128x80xi32, #tpu.memory_space<hbm>>
      tpu.wait_dma2 semaphore(%run_scoped3A_1698 : memref<!tpu.dma_semaphore, #tpu.memory_space<semaphore_mem>>) src(%dma_wait3A_1705 : memref<128x80xi32, #tpu.memory_space<hbm>>) dst(%arg7 : memref<128x80xi32, #tpu.memory_space<vmem>>)
      tpu.yield
    }) : () -> ()
    %mul3A_1686 = arith.constant 8 : i32
    %mul3A_1687 = arith.muli %add3A, %mul3A_1686 : i32
    "tpu.region"() ({
      %run_scoped3A_1698 = tpu.sem_alloc : memref<!tpu.dma_semaphore, #tpu.memory_space<semaphore_mem>>
      %dma_start3A_1699 = arith.constant 0 : i32
      %dma_start3A_1700 = tpu.memref_slice %arg4[%mul3A_1687, %dma_start3A_1699] : memref<256x128xi32, #tpu.memory_space<hbm>> -> memref<8x128xi32, #tpu.memory_space<hbm>>
      %dma_start3A_1701 = arith.constant 0 : i32
      %dma_start3A_1702 = tpu.memref_slice %arg4[%mul3A_1687, %dma_start3A_1701] : memref<256x128xi32, #tpu.memory_space<hbm>> -> memref<8x128xi32, #tpu.memory_space<hbm>>
      tpu.enqueue_dma source(%dma_start3A_1702 : memref<8x128xi32, #tpu.memory_space<hbm>>) target(%arg8 : memref<8x128xi32, #tpu.memory_space<vmem>>) target_semaphore(%run_scoped3A_1698 : memref<!tpu.dma_semaphore, #tpu.memory_space<semaphore_mem>>)
      %dma_wait3A = arith.constant 0 : i32
      %dma_wait3A_1703 = tpu.memref_slice %arg4[%mul3A_1687, %dma_wait3A] : memref<256x128xi32, #tpu.memory_space<hbm>> -> memref<8x128xi32, #tpu.memory_space<hbm>>
      %dma_wait3A_1704 = arith.constant 0 : i32
      %dma_wait3A_1705 = tpu.memref_slice %arg4[%mul3A_1687, %dma_wait3A_1704] : memref<256x128xi32, #tpu.memory_space<hbm>> -> memref<8x128xi32, #tpu.memory_space<hbm>>
      tpu.wait_dma2 semaphore(%run_scoped3A_1698 : memref<!tpu.dma_semaphore, #tpu.memory_space<semaphore_mem>>) src(%dma_wait3A_1705 : memref<8x128xi32, #tpu.memory_space<hbm>>) dst(%arg8 : memref<8x128xi32, #tpu.memory_space<vmem>>)
      tpu.yield
    }) : () -> ()
    %barrier3A = arith.constant 0 : index
    tpu.barrier barrier_id(%barrier3A)
    %scan3A = arith.constant 0 : i32
    %scan3A_1688 = arith.constant 0 : i32
    %scan3A_1689 = arith.constant 125 : i32
    %scan3A_1690 = arith.addi %scan3A_1688, %scan3A_1689 : i32
    %scan3A_1691 = arith.constant 1 : i32
    scf.for %scan3A_1698 = %scan3A_1688 to %scan3A_1690 step %scan3A_1691  : i32 {
      %and3A = arith.constant 7 : i32
      %and3A_1699 = arith.andi %scan3A_1698, %and3A : i32
      %mul3A_1700 = arith.constant 80 : i32
      %mul3A_1701 = arith.muli %scan3A_1698, %mul3A_1700 : i32
      %add3A_1702 = arith.addi %mul3A_2, %mul3A_1701 : i32
      %dma_wait3A = arith.constant 0 : i32
      %dma_wait3A_1703 = arith.constant 0 : i32
      %dma_wait3A_1704 = tpu.memref_slice %arg6[%and3A_1699, %dma_wait3A, %dma_wait3A_1703] : memref<8x80x128xf32, #tpu.memory_space<vmem>> -> memref<1x80x128xf32, #tpu.memory_space<vmem>>
      %dma_wait3A_1705 = tpu.memref_squeeze %dma_wait3A_1704 : memref<1x80x128xf32, #tpu.memory_space<vmem>> -> memref<80x128xf32, #tpu.memory_space<vmem>>
      %dma_wait3A_1706 = arith.constant 0 : i32
      %dma_wait3A_1707 = tpu.memref_slice %arg2[%add3A_1702, %dma_wait3A_1706] : memref<320000x128xf32, #tpu.memory_space<hbm>> -> memref<80x128xf32, #tpu.memory_space<hbm>>
      %dma_wait3A_1708 = tpu.memref_slice %arg11[%and3A_1699] : memref<8x!tpu.dma_semaphore, #tpu.memory_space<semaphore_mem>> -> memref<1x!tpu.dma_semaphore, #tpu.memory_space<semaphore_mem>>
      %dma_wait3A_1709 = tpu.memref_squeeze %dma_wait3A_1708 : memref<1x!tpu.dma_semaphore, #tpu.memory_space<semaphore_mem>> -> memref<!tpu.dma_semaphore, #tpu.memory_space<semaphore_mem>>
      %dma_wait3A_1710 = arith.constant 0 : i32
      %dma_wait3A_1711 = arith.constant 0 : i32
      %dma_wait3A_1712 = tpu.memref_slice %arg6[%and3A_1699, %dma_wait3A_1710, %dma_wait3A_1711] : memref<8x80x128xf32, #tpu.memory_space<vmem>> -> memref<1x80x128xf32, #tpu.memory_space<vmem>>
      %dma_wait3A_1713 = tpu.memref_squeeze %dma_wait3A_1712 : memref<1x80x128xf32, #tpu.memory_space<vmem>> -> memref<80x128xf32, #tpu.memory_space<vmem>>
      %dma_wait3A_1714 = arith.constant 0 : i32
      %dma_wait3A_1715 = tpu.memref_slice %arg2[%add3A_1702, %dma_wait3A_1714] : memref<320000x128xf32, #tpu.memory_space<hbm>> -> memref<80x128xf32, #tpu.memory_space<hbm>>
      tpu.wait_dma2 semaphore(%dma_wait3A_1709 : memref<!tpu.dma_semaphore, #tpu.memory_space<semaphore_mem>>) src(%dma_wait3A_1715 : memref<80x128xf32, #tpu.memory_space<hbm>>) dst(%dma_wait3A_1713 : memref<80x128xf32, #tpu.memory_space<vmem>>)
      %get3A = arith.index_cast %scan3A_1698 : i32 to index
      %get3A_1716 = arith.constant 0 : index
      %get3A_1717 = tpu.vector_load %arg7[%get3A, %get3A_1716] {strides = array<i32>} : memref<128x80xi32, #tpu.memory_space<vmem>>, vector<1x16xi32>,
      %get3A_1718 = vector.shape_cast %get3A_1717 : vector<1x16xi32> to vector<16xi32>
      %get3A_1719 = arith.index_cast %scan3A_1698 : i32 to index
      %get3A_1720 = arith.constant 64 : index
      %get3A_1721 = tpu.vector_load %arg7[%get3A_1719, %get3A_1720] {strides = array<i32>} : memref<128x80xi32, #tpu.memory_space<vmem>>, vector<1x16xi32>,
      %get3A_1722 = vector.shape_cast %get3A_1721 : vector<1x16xi32> to vector<16xi32>
      %slice3A = vector.extract_strided_slice %get3A_1718 {offsets = [0], sizes = [1], strides = [1]} : vector<16xi32> to vector<1xi32>
      %squeeze3A = vector.extract %slice3A[0] : i32 from vector<1xi32>
      %slice3A_1723 = vector.extract_strided_slice %get3A_1722 {offsets = [15], sizes = [1], strides = [1]} : vector<16xi32> to vector<1xi32>
      %squeeze3A_1724 = vector.extract %slice3A_1723[0] : i32 from vector<1xi32>
      %eq3A = arith.cmpi eq, %squeeze3A, %squeeze3A_1724 : i32
      %convert_element_type3A = arith.extui %eq3A : i1 to i32
      %cond3A = arith.constant 0 : i32
      %cond3A_1725 = arith.cmpi ne, %convert_element_type3A, %cond3A : i32
      scf.if %cond3A_1725 {
        %broadcast_in_dim3A_1734 = arith.constant 0.000000e+00 : f32
        %broadcast_in_dim3A_1735 = vector.broadcast %broadcast_in_dim3A_1734 : f32 to vector<16xf32>
        %broadcast_in_dim3A_1736 = arith.constant 0.000000e+00 : f32
        %broadcast_in_dim3A_1737 = vector.broadcast %broadcast_in_dim3A_1736 : f32 to vector<16xf32>
        %broadcast_in_dim3A_1738 = arith.constant 0.000000e+00 : f32
        %broadcast_in_dim3A_1739 = vector.broadcast %broadcast_in_dim3A_1738 : f32 to vector<16xf32>
        %broadcast_in_dim3A_1740 = arith.constant 0.000000e+00 : f32
        %broadcast_in_dim3A_1741 = vector.broadcast %broadcast_in_dim3A_1740 : f32 to vector<16xf32>
        %broadcast_in_dim3A_1742 = arith.constant 0.000000e+00 : f32
        %broadcast_in_dim3A_1743 = vector.broadcast %broadcast_in_dim3A_1742 : f32 to vector<16xf32>
        %broadcast_in_dim3A_1744 = arith.constant 0.000000e+00 : f32
        %broadcast_in_dim3A_1745 = vector.broadcast %broadcast_in_dim3A_1744 : f32 to vector<16xf32>
        %broadcast_in_dim3A_1746 = arith.constant 0.000000e+00 : f32
        %broadcast_in_dim3A_1747 = vector.broadcast %broadcast_in_dim3A_1746 : f32 to vector<16xf32>
        %broadcast_in_dim3A_1748 = arith.constant 0.000000e+00 : f32
        %broadcast_in_dim3A_1749 = vector.broadcast %broadcast_in_dim3A_1748 : f32 to vector<16xf32>
        %scan3A_1750 = arith.constant 0 : i32
        %scan3A_1751 = arith.constant 20 : i32
        %scan3A_1752 = arith.addi %scan3A_1750, %scan3A_1751 : i32
        %scan3A_1753 = arith.constant 1 : i32
        %scan3A_1754:8 = scf.for %scan3A_1796 = %scan3A_1750 to %scan3A_1752 step %scan3A_1753 iter_args(%scan3A_1797 = %broadcast_in_dim3A_1735, %scan3A_1798 = %broadcast_in_dim3A_1737, %scan3A_1799 = %broadcast_in_dim3A_1739, %scan3A_1800 = %broadcast_in_dim3A_1741, %scan3A_1801 = %broadcast_in_dim3A_1743, %scan3A_1802 = %broadcast_in_dim3A_1745, %scan3A_1803 = %broadcast_in_dim3A_1747, %scan3A_1804 = %broadcast_in_dim3A_1749) -> (vector<16xf32>, vector<16xf32>, vector<16xf32>, vector<16xf32>, vector<16xf32>, vector<16xf32>, vector<16xf32>, vector<16xf32>)  : i32 {
          %mul3A_1805 = arith.constant 4 : i32
          %mul3A_1806 = arith.muli %scan3A_1796, %mul3A_1805 : i32
          %add3A_1807 = arith.constant 0 : i32
          %add3A_1808 = arith.addi %mul3A_1806, %add3A_1807 : i32
          %get3A_1809 = arith.index_cast %and3A_1699 : i32 to index
          %get3A_1810 = arith.index_cast %add3A_1808 : i32 to index
          %get3A_1811 = arith.constant 0 : index
          %get3A_1812 = tpu.vector_load %arg6[%get3A_1809, %get3A_1810, %get3A_1811] {strides = array<i32>} : memref<8x80x128xf32, #tpu.memory_space<vmem>>, vector<1x1x16xf32>,
          %get3A_1813 = vector.shape_cast %get3A_1812 : vector<1x1x16xf32> to vector<16xf32>
          %add3A_1814 = arith.addf %scan3A_1797, %get3A_1813 : vector<16xf32>
          %mul3A_1815 = arith.constant 4 : i32
          %mul3A_1816 = arith.muli %scan3A_1796, %mul3A_1815 : i32
          %add3A_1817 = arith.constant 0 : i32
          %add3A_1818 = arith.addi %mul3A_1816, %add3A_1817 : i32
          %get3A_1819 = arith.index_cast %and3A_1699 : i32 to index
          %get3A_1820 = arith.index_cast %add3A_1818 : i32 to index
          %get3A_1821 = arith.constant 16 : index
          %get3A_1822 = tpu.vector_load %arg6[%get3A_1819, %get3A_1820, %get3A_1821] {strides = array<i32>} : memref<8x80x128xf32, #tpu.memory_space<vmem>>, vector<1x1x16xf32>,
          %get3A_1823 = vector.shape_cast %get3A_1822 : vector<1x1x16xf32> to vector<16xf32>
          %add3A_1824 = arith.addf %scan3A_1798, %get3A_1823 : vector<16xf32>
          %mul3A_1825 = arith.constant 4 : i32
          %mul3A_1826 = arith.muli %scan3A_1796, %mul3A_1825 : i32
          %add3A_1827 = arith.constant 0 : i32
          %add3A_1828 = arith.addi %mul3A_1826, %add3A_1827 : i32
          %get3A_1829 = arith.index_cast %and3A_1699 : i32 to index
          %get3A_1830 = arith.index_cast %add3A_1828 : i32 to index
          %get3A_1831 = arith.constant 32 : index
          %get3A_1832 = tpu.vector_load %arg6[%get3A_1829, %get3A_1830, %get3A_1831] {strides = array<i32>} : memref<8x80x128xf32, #tpu.memory_space<vmem>>, vector<1x1x16xf32>,
          %get3A_1833 = vector.shape_cast %get3A_1832 : vector<1x1x16xf32> to vector<16xf32>
          %add3A_1834 = arith.addf %scan3A_1799, %get3A_1833 : vector<16xf32>
          %mul3A_1835 = arith.constant 4 : i32
          %mul3A_1836 = arith.muli %scan3A_1796, %mul3A_1835 : i32
          %add3A_1837 = arith.constant 0 : i32
          %add3A_1838 = arith.addi %mul3A_1836, %add3A_1837 : i32
          %get3A_1839 = arith.index_cast %and3A_1699 : i32 to index
          %get3A_1840 = arith.index_cast %add3A_1838 : i32 to index
          %get3A_1841 = arith.constant 48 : index
          %get3A_1842 = tpu.vector_load %arg6[%get3A_1839, %get3A_1840, %get3A_1841] {strides = array<i32>} : memref<8x80x128xf32, #tpu.memory_space<vmem>>, vector<1x1x16xf32>,
          %get3A_1843 = vector.shape_cast %get3A_1842 : vector<1x1x16xf32> to vector<16xf32>
          %add3A_1844 = arith.addf %scan3A_1800, %get3A_1843 : vector<16xf32>
          %mul3A_1845 = arith.constant 4 : i32
          %mul3A_1846 = arith.muli %scan3A_1796, %mul3A_1845 : i32
          %add3A_1847 = arith.constant 0 : i32
          %add3A_1848 = arith.addi %mul3A_1846, %add3A_1847 : i32
          %get3A_1849 = arith.index_cast %and3A_1699 : i32 to index
          %get3A_1850 = arith.index_cast %add3A_1848 : i32 to index
          %get3A_1851 = arith.constant 64 : index
          %get3A_1852 = tpu.vector_load %arg6[%get3A_1849, %get3A_1850, %get3A_1851] {strides = array<i32>} : memref<8x80x128xf32, #tpu.memory_space<vmem>>, vector<1x1x16xf32>,
          %get3A_1853 = vector.shape_cast %get3A_1852 : vector<1x1x16xf32> to vector<16xf32>
          %add3A_1854 = arith.addf %scan3A_1801, %get3A_1853 : vector<16xf32>
          %mul3A_1855 = arith.constant 4 : i32
          %mul3A_1856 = arith.muli %scan3A_1796, %mul3A_1855 : i32
          %add3A_1857 = arith.constant 0 : i32
          %add3A_1858 = arith.addi %mul3A_1856, %add3A_1857 : i32
          %get3A_1859 = arith.index_cast %and3A_1699 : i32 to index
          %get3A_1860 = arith.index_cast %add3A_1858 : i32 to index
          %get3A_1861 = arith.constant 80 : index
          %get3A_1862 = tpu.vector_load %arg6[%get3A_1859, %get3A_1860, %get3A_1861] {strides = array<i32>} : memref<8x80x128xf32, #tpu.memory_space<vmem>>, vector<1x1x16xf32>,
          %get3A_1863 = vector.shape_cast %get3A_1862 : vector<1x1x16xf32> to vector<16xf32>
          %add3A_1864 = arith.addf %scan3A_1802, %get3A_1863 : vector<16xf32>
          %mul3A_1865 = arith.constant 4 : i32
          %mul3A_1866 = arith.muli %scan3A_1796, %mul3A_1865 : i32
          %add3A_1867 = arith.constant 0 : i32
          %add3A_1868 = arith.addi %mul3A_1866, %add3A_1867 : i32
          %get3A_1869 = arith.index_cast %and3A_1699 : i32 to index
          %get3A_1870 = arith.index_cast %add3A_1868 : i32 to index
          %get3A_1871 = arith.constant 96 : index
          %get3A_1872 = tpu.vector_load %arg6[%get3A_1869, %get3A_1870, %get3A_1871] {strides = array<i32>} : memref<8x80x128xf32, #tpu.memory_space<vmem>>, vector<1x1x16xf32>,
          %get3A_1873 = vector.shape_cast %get3A_1872 : vector<1x1x16xf32> to vector<16xf32>
          %add3A_1874 = arith.addf %scan3A_1803, %get3A_1873 : vector<16xf32>
          %mul3A_1875 = arith.constant 4 : i32
          %mul3A_1876 = arith.muli %scan3A_1796, %mul3A_1875 : i32
          %add3A_1877 = arith.constant 0 : i32
          %add3A_1878 = arith.addi %mul3A_1876, %add3A_1877 : i32
          %get3A_1879 = arith.index_cast %and3A_1699 : i32 to index
          %get3A_1880 = arith.index_cast %add3A_1878 : i32 to index
          %get3A_1881 = arith.constant 112 : index
          %get3A_1882 = tpu.vector_load %arg6[%get3A_1879, %get3A_1880, %get3A_1881] {strides = array<i32>} : memref<8x80x128xf32, #tpu.memory_space<vmem>>, vector<1x1x16xf32>,
          %get3A_1883 = vector.shape_cast %get3A_1882 : vector<1x1x16xf32> to vector<16xf32>
          %add3A_1884 = arith.addf %scan3A_1804, %get3A_1883 : vector<16xf32>
          %mul3A_1885 = arith.constant 4 : i32
          %mul3A_1886 = arith.muli %scan3A_1796, %mul3A_1885 : i32
          %add3A_1887 = arith.constant 1 : i32
          %add3A_1888 = arith.addi %mul3A_1886, %add3A_1887 : i32
          %get3A_1889 = arith.index_cast %and3A_1699 : i32 to index
          %get3A_1890 = arith.index_cast %add3A_1888 : i32 to index
          %get3A_1891 = arith.constant 0 : index
          %get3A_1892 = tpu.vector_load %arg6[%get3A_1889, %get3A_1890, %get3A_1891] {strides = array<i32>} : memref<8x80x128xf32, #tpu.memory_space<vmem>>, vector<1x1x16xf32>,
          %get3A_1893 = vector.shape_cast %get3A_1892 : vector<1x1x16xf32> to vector<16xf32>
          %add3A_1894 = arith.addf %add3A_1814, %get3A_1893 : vector<16xf32>
          %mul3A_1895 = arith.constant 4 : i32
          %mul3A_1896 = arith.muli %scan3A_1796, %mul3A_1895 : i32
          %add3A_1897 = arith.constant 1 : i32
          %add3A_1898 = arith.addi %mul3A_1896, %add3A_1897 : i32
          %get3A_1899 = arith.index_cast %and3A_1699 : i32 to index
          %get3A_1900 = arith.index_cast %add3A_1898 : i32 to index
          %get3A_1901 = arith.constant 16 : index
          %get3A_1902 = tpu.vector_load %arg6[%get3A_1899, %get3A_1900, %get3A_1901] {strides = array<i32>} : memref<8x80x128xf32, #tpu.memory_space<vmem>>, vector<1x1x16xf32>,
          %get3A_1903 = vector.shape_cast %get3A_1902 : vector<1x1x16xf32> to vector<16xf32>
          %add3A_1904 = arith.addf %add3A_1824, %get3A_1903 : vector<16xf32>
          %mul3A_1905 = arith.constant 4 : i32
          %mul3A_1906 = arith.muli %scan3A_1796, %mul3A_1905 : i32
          %add3A_1907 = arith.constant 1 : i32
          %add3A_1908 = arith.addi %mul3A_1906, %add3A_1907 : i32
          %get3A_1909 = arith.index_cast %and3A_1699 : i32 to index
          %get3A_1910 = arith.index_cast %add3A_1908 : i32 to index
          %get3A_1911 = arith.constant 32 : index
          %get3A_1912 = tpu.vector_load %arg6[%get3A_1909, %get3A_1910, %get3A_1911] {strides = array<i32>} : memref<8x80x128xf32, #tpu.memory_space<vmem>>, vector<1x1x16xf32>,
          %get3A_1913 = vector.shape_cast %get3A_1912 : vector<1x1x16xf32> to vector<16xf32>
          %add3A_1914 = arith.addf %add3A_1834, %get3A_1913 : vector<16xf32>
          %mul3A_1915 = arith.constant 4 : i32
          %mul3A_1916 = arith.muli %scan3A_1796, %mul3A_1915 : i32
          %add3A_1917 = arith.constant 1 : i32
          %add3A_1918 = arith.addi %mul3A_1916, %add3A_1917 : i32
          %get3A_1919 = arith.index_cast %and3A_1699 : i32 to index
          %get3A_1920 = arith.index_cast %add3A_1918 : i32 to index
          %get3A_1921 = arith.constant 48 : index
          %get3A_1922 = tpu.vector_load %arg6[%get3A_1919, %get3A_1920, %get3A_1921] {strides = array<i32>} : memref<8x80x128xf32, #tpu.memory_space<vmem>>, vector<1x1x16xf32>,
          %get3A_1923 = vector.shape_cast %get3A_1922 : vector<1x1x16xf32> to vector<16xf32>
          %add3A_1924 = arith.addf %add3A_1844, %get3A_1923 : vector<16xf32>
          %mul3A_1925 = arith.constant 4 : i32
          %mul3A_1926 = arith.muli %scan3A_1796, %mul3A_1925 : i32
          %add3A_1927 = arith.constant 1 : i32
          %add3A_1928 = arith.addi %mul3A_1926, %add3A_1927 : i32
          %get3A_1929 = arith.index_cast %and3A_1699 : i32 to index
          %get3A_1930 = arith.index_cast %add3A_1928 : i32 to index
          %get3A_1931 = arith.constant 64 : index
          %get3A_1932 = tpu.vector_load %arg6[%get3A_1929, %get3A_1930, %get3A_1931] {strides = array<i32>} : memref<8x80x128xf32, #tpu.memory_space<vmem>>, vector<1x1x16xf32>,
          %get3A_1933 = vector.shape_cast %get3A_1932 : vector<1x1x16xf32> to vector<16xf32>
          %add3A_1934 = arith.addf %add3A_1854, %get3A_1933 : vector<16xf32>
          %mul3A_1935 = arith.constant 4 : i32
          %mul3A_1936 = arith.muli %scan3A_1796, %mul3A_1935 : i32
          %add3A_1937 = arith.constant 1 : i32
          %add3A_1938 = arith.addi %mul3A_1936, %add3A_1937 : i32
          %get3A_1939 = arith.index_cast %and3A_1699 : i32 to index
          %get3A_1940 = arith.index_cast %add3A_1938 : i32 to index
          %get3A_1941 = arith.constant 80 : index
          %get3A_1942 = tpu.vector_load %arg6[%get3A_1939, %get3A_1940, %get3A_1941] {strides = array<i32>} : memref<8x80x128xf32, #tpu.memory_space<vmem>>, vector<1x1x16xf32>,
          %get3A_1943 = vector.shape_cast %get3A_1942 : vector<1x1x16xf32> to vector<16xf32>
          %add3A_1944 = arith.addf %add3A_1864, %get3A_1943 : vector<16xf32>
          %mul3A_1945 = arith.constant 4 : i32
          %mul3A_1946 = arith.muli %scan3A_1796, %mul3A_1945 : i32
          %add3A_1947 = arith.constant 1 : i32
          %add3A_1948 = arith.addi %mul3A_1946, %add3A_1947 : i32
          %get3A_1949 = arith.index_cast %and3A_1699 : i32 to index
          %get3A_1950 = arith.index_cast %add3A_1948 : i32 to index
          %get3A_1951 = arith.constant 96 : index
          %get3A_1952 = tpu.vector_load %arg6[%get3A_1949, %get3A_1950, %get3A_1951] {strides = array<i32>} : memref<8x80x128xf32, #tpu.memory_space<vmem>>, vector<1x1x16xf32>,
          %get3A_1953 = vector.shape_cast %get3A_1952 : vector<1x1x16xf32> to vector<16xf32>
          %add3A_1954 = arith.addf %add3A_1874, %get3A_1953 : vector<16xf32>
          %mul3A_1955 = arith.constant 4 : i32
          %mul3A_1956 = arith.muli %scan3A_1796, %mul3A_1955 : i32
          %add3A_1957 = arith.constant 1 : i32
          %add3A_1958 = arith.addi %mul3A_1956, %add3A_1957 : i32
          %get3A_1959 = arith.index_cast %and3A_1699 : i32 to index
          %get3A_1960 = arith.index_cast %add3A_1958 : i32 to index
          %get3A_1961 = arith.constant 112 : index
          %get3A_1962 = tpu.vector_load %arg6[%get3A_1959, %get3A_1960, %get3A_1961] {strides = array<i32>} : memref<8x80x128xf32, #tpu.memory_space<vmem>>, vector<1x1x16xf32>,
          %get3A_1963 = vector.shape_cast %get3A_1962 : vector<1x1x16xf32> to vector<16xf32>
          %add3A_1964 = arith.addf %add3A_1884, %get3A_1963 : vector<16xf32>
          %mul3A_1965 = arith.constant 4 : i32
          %mul3A_1966 = arith.muli %scan3A_1796, %mul3A_1965 : i32
          %add3A_1967 = arith.constant 2 : i32
          %add3A_1968 = arith.addi %mul3A_1966, %add3A_1967 : i32
          %get3A_1969 = arith.index_cast %and3A_1699 : i32 to index
          %get3A_1970 = arith.index_cast %add3A_1968 : i32 to index
          %get3A_1971 = arith.constant 0 : index
          %get3A_1972 = tpu.vector_load %arg6[%get3A_1969, %get3A_1970, %get3A_1971] {strides = array<i32>} : memref<8x80x128xf32, #tpu.memory_space<vmem>>, vector<1x1x16xf32>,
          %get3A_1973 = vector.shape_cast %get3A_1972 : vector<1x1x16xf32> to vector<16xf32>
          %add3A_1974 = arith.addf %add3A_1894, %get3A_1973 : vector<16xf32>
          %mul3A_1975 = arith.constant 4 : i32
          %mul3A_1976 = arith.muli %scan3A_1796, %mul3A_1975 : i32
          %add3A_1977 = arith.constant 2 : i32
          %add3A_1978 = arith.addi %mul3A_1976, %add3A_1977 : i32
          %get3A_1979 = arith.index_cast %and3A_1699 : i32 to index
          %get3A_1980 = arith.index_cast %add3A_1978 : i32 to index
          %get3A_1981 = arith.constant 16 : index
          %get3A_1982 = tpu.vector_load %arg6[%get3A_1979, %get3A_1980, %get3A_1981] {strides = array<i32>} : memref<8x80x128xf32, #tpu.memory_space<vmem>>, vector<1x1x16xf32>,
          %get3A_1983 = vector.shape_cast %get3A_1982 : vector<1x1x16xf32> to vector<16xf32>
          %add3A_1984 = arith.addf %add3A_1904, %get3A_1983 : vector<16xf32>
          %mul3A_1985 = arith.constant 4 : i32
          %mul3A_1986 = arith.muli %scan3A_1796, %mul3A_1985 : i32
          %add3A_1987 = arith.constant 2 : i32
          %add3A_1988 = arith.addi %mul3A_1986, %add3A_1987 : i32
          %get3A_1989 = arith.index_cast %and3A_1699 : i32 to index
          %get3A_1990 = arith.index_cast %add3A_1988 : i32 to index
          %get3A_1991 = arith.constant 32 : index
          %get3A_1992 = tpu.vector_load %arg6[%get3A_1989, %get3A_1990, %get3A_1991] {strides = array<i32>} : memref<8x80x128xf32, #tpu.memory_space<vmem>>, vector<1x1x16xf32>,
          %get3A_1993 = vector.shape_cast %get3A_1992 : vector<1x1x16xf32> to vector<16xf32>
          %add3A_1994 = arith.addf %add3A_1914, %get3A_1993 : vector<16xf32>
          %mul3A_1995 = arith.constant 4 : i32
          %mul3A_1996 = arith.muli %scan3A_1796, %mul3A_1995 : i32
          %add3A_1997 = arith.constant 2 : i32
          %add3A_1998 = arith.addi %mul3A_1996, %add3A_1997 : i32
          %get3A_1999 = arith.index_cast %and3A_1699 : i32 to index
          %get3A_2000 = arith.index_cast %add3A_1998 : i32 to index
          %get3A_2001 = arith.constant 48 : index
          %get3A_2002 = tpu.vector_load %arg6[%get3A_1999, %get3A_2000, %get3A_2001] {strides = array<i32>} : memref<8x80x128xf32, #tpu.memory_space<vmem>>, vector<1x1x16xf32>,
          %get3A_2003 = vector.shape_cast %get3A_2002 : vector<1x1x16xf32> to vector<16xf32>
          %add3A_2004 = arith.addf %add3A_1924, %get3A_2003 : vector<16xf32>
          %mul3A_2005 = arith.constant 4 : i32
          %mul3A_2006 = arith.muli %scan3A_1796, %mul3A_2005 : i32
          %add3A_2007 = arith.constant 2 : i32
          %add3A_2008 = arith.addi %mul3A_2006, %add3A_2007 : i32
          %get3A_2009 = arith.index_cast %and3A_1699 : i32 to index
          %get3A_2010 = arith.index_cast %add3A_2008 : i32 to index
          %get3A_2011 = arith.constant 64 : index
          %get3A_2012 = tpu.vector_load %arg6[%get3A_2009, %get3A_2010, %get3A_2011] {strides = array<i32>} : memref<8x80x128xf32, #tpu.memory_space<vmem>>, vector<1x1x16xf32>,
          %get3A_2013 = vector.shape_cast %get3A_2012 : vector<1x1x16xf32> to vector<16xf32>
          %add3A_2014 = arith.addf %add3A_1934, %get3A_2013 : vector<16xf32>
          %mul3A_2015 = arith.constant 4 : i32
          %mul3A_2016 = arith.muli %scan3A_1796, %mul3A_2015 : i32
          %add3A_2017 = arith.constant 2 : i32
          %add3A_2018 = arith.addi %mul3A_2016, %add3A_2017 : i32
          %get3A_2019 = arith.index_cast %and3A_1699 : i32 to index
          %get3A_2020 = arith.index_cast %add3A_2018 : i32 to index
          %get3A_2021 = arith.constant 80 : index
          %get3A_2022 = tpu.vector_load %arg6[%get3A_2019, %get3A_2020, %get3A_2021] {strides = array<i32>} : memref<8x80x128xf32, #tpu.memory_space<vmem>>, vector<1x1x16xf32>,
          %get3A_2023 = vector.shape_cast %get3A_2022 : vector<1x1x16xf32> to vector<16xf32>
          %add3A_2024 = arith.addf %add3A_1944, %get3A_2023 : vector<16xf32>
          %mul3A_2025 = arith.constant 4 : i32
          %mul3A_2026 = arith.muli %scan3A_1796, %mul3A_2025 : i32
          %add3A_2027 = arith.constant 2 : i32
          %add3A_2028 = arith.addi %mul3A_2026, %add3A_2027 : i32
          %get3A_2029 = arith.index_cast %and3A_1699 : i32 to index
          %get3A_2030 = arith.index_cast %add3A_2028 : i32 to index
          %get3A_2031 = arith.constant 96 : index
          %get3A_2032 = tpu.vector_load %arg6[%get3A_2029, %get3A_2030, %get3A_2031] {strides = array<i32>} : memref<8x80x128xf32, #tpu.memory_space<vmem>>, vector<1x1x16xf32>,
          %get3A_2033 = vector.shape_cast %get3A_2032 : vector<1x1x16xf32> to vector<16xf32>
          %add3A_2034 = arith.addf %add3A_1954, %get3A_2033 : vector<16xf32>
          %mul3A_2035 = arith.constant 4 : i32
          %mul3A_2036 = arith.muli %scan3A_1796, %mul3A_2035 : i32
          %add3A_2037 = arith.constant 2 : i32
          %add3A_2038 = arith.addi %mul3A_2036, %add3A_2037 : i32
          %get3A_2039 = arith.index_cast %and3A_1699 : i32 to index
          %get3A_2040 = arith.index_cast %add3A_2038 : i32 to index
          %get3A_2041 = arith.constant 112 : index
          %get3A_2042 = tpu.vector_load %arg6[%get3A_2039, %get3A_2040, %get3A_2041] {strides = array<i32>} : memref<8x80x128xf32, #tpu.memory_space<vmem>>, vector<1x1x16xf32>,
          %get3A_2043 = vector.shape_cast %get3A_2042 : vector<1x1x16xf32> to vector<16xf32>
          %add3A_2044 = arith.addf %add3A_1964, %get3A_2043 : vector<16xf32>
          %mul3A_2045 = arith.constant 4 : i32
          %mul3A_2046 = arith.muli %scan3A_1796, %mul3A_2045 : i32
          %add3A_2047 = arith.constant 3 : i32
          %add3A_2048 = arith.addi %mul3A_2046, %add3A_2047 : i32
          %get3A_2049 = arith.index_cast %and3A_1699 : i32 to index
          %get3A_2050 = arith.index_cast %add3A_2048 : i32 to index
          %get3A_2051 = arith.constant 0 : index
          %get3A_2052 = tpu.vector_load %arg6[%get3A_2049, %get3A_2050, %get3A_2051] {strides = array<i32>} : memref<8x80x128xf32, #tpu.memory_space<vmem>>, vector<1x1x16xf32>,
          %get3A_2053 = vector.shape_cast %get3A_2052 : vector<1x1x16xf32> to vector<16xf32>
          %add3A_2054 = arith.addf %add3A_1974, %get3A_2053 : vector<16xf32>
          %mul3A_2055 = arith.constant 4 : i32
          %mul3A_2056 = arith.muli %scan3A_1796, %mul3A_2055 : i32
          %add3A_2057 = arith.constant 3 : i32
          %add3A_2058 = arith.addi %mul3A_2056, %add3A_2057 : i32
          %get3A_2059 = arith.index_cast %and3A_1699 : i32 to index
          %get3A_2060 = arith.index_cast %add3A_2058 : i32 to index
          %get3A_2061 = arith.constant 16 : index
          %get3A_2062 = tpu.vector_load %arg6[%get3A_2059, %get3A_2060, %get3A_2061] {strides = array<i32>} : memref<8x80x128xf32, #tpu.memory_space<vmem>>, vector<1x1x16xf32>,
          %get3A_2063 = vector.shape_cast %get3A_2062 : vector<1x1x16xf32> to vector<16xf32>
          %add3A_2064 = arith.addf %add3A_1984, %get3A_2063 : vector<16xf32>
          %mul3A_2065 = arith.constant 4 : i32
          %mul3A_2066 = arith.muli %scan3A_1796, %mul3A_2065 : i32
          %add3A_2067 = arith.constant 3 : i32
          %add3A_2068 = arith.addi %mul3A_2066, %add3A_2067 : i32
          %get3A_2069 = arith.index_cast %and3A_1699 : i32 to index
          %get3A_2070 = arith.index_cast %add3A_2068 : i32 to index
          %get3A_2071 = arith.constant 32 : index
          %get3A_2072 = tpu.vector_load %arg6[%get3A_2069, %get3A_2070, %get3A_2071] {strides = array<i32>} : memref<8x80x128xf32, #tpu.memory_space<vmem>>, vector<1x1x16xf32>,
          %get3A_2073 = vector.shape_cast %get3A_2072 : vector<1x1x16xf32> to vector<16xf32>
          %add3A_2074 = arith.addf %add3A_1994, %get3A_2073 : vector<16xf32>
          %mul3A_2075 = arith.constant 4 : i32
          %mul3A_2076 = arith.muli %scan3A_1796, %mul3A_2075 : i32
          %add3A_2077 = arith.constant 3 : i32
          %add3A_2078 = arith.addi %mul3A_2076, %add3A_2077 : i32
          %get3A_2079 = arith.index_cast %and3A_1699 : i32 to index
          %get3A_2080 = arith.index_cast %add3A_2078 : i32 to index
          %get3A_2081 = arith.constant 48 : index
          %get3A_2082 = tpu.vector_load %arg6[%get3A_2079, %get3A_2080, %get3A_2081] {strides = array<i32>} : memref<8x80x128xf32, #tpu.memory_space<vmem>>, vector<1x1x16xf32>,
          %get3A_2083 = vector.shape_cast %get3A_2082 : vector<1x1x16xf32> to vector<16xf32>
          %add3A_2084 = arith.addf %add3A_2004, %get3A_2083 : vector<16xf32>
          %mul3A_2085 = arith.constant 4 : i32
          %mul3A_2086 = arith.muli %scan3A_1796, %mul3A_2085 : i32
          %add3A_2087 = arith.constant 3 : i32
          %add3A_2088 = arith.addi %mul3A_2086, %add3A_2087 : i32
          %get3A_2089 = arith.index_cast %and3A_1699 : i32 to index
          %get3A_2090 = arith.index_cast %add3A_2088 : i32 to index
          %get3A_2091 = arith.constant 64 : index
          %get3A_2092 = tpu.vector_load %arg6[%get3A_2089, %get3A_2090, %get3A_2091] {strides = array<i32>} : memref<8x80x128xf32, #tpu.memory_space<vmem>>, vector<1x1x16xf32>,
          %get3A_2093 = vector.shape_cast %get3A_2092 : vector<1x1x16xf32> to vector<16xf32>
          %add3A_2094 = arith.addf %add3A_2014, %get3A_2093 : vector<16xf32>
          %mul3A_2095 = arith.constant 4 : i32
          %mul3A_2096 = arith.muli %scan3A_1796, %mul3A_2095 : i32
          %add3A_2097 = arith.constant 3 : i32
          %add3A_2098 = arith.addi %mul3A_2096, %add3A_2097 : i32
          %get3A_2099 = arith.index_cast %and3A_1699 : i32 to index
          %get3A_2100 = arith.index_cast %add3A_2098 : i32 to index
          %get3A_2101 = arith.constant 80 : index
          %get3A_2102 = tpu.vector_load %arg6[%get3A_2099, %get3A_2100, %get3A_2101] {strides = array<i32>} : memref<8x80x128xf32, #tpu.memory_space<vmem>>, vector<1x1x16xf32>,
          %get3A_2103 = vector.shape_cast %get3A_2102 : vector<1x1x16xf32> to vector<16xf32>
          %add3A_2104 = arith.addf %add3A_2024, %get3A_2103 : vector<16xf32>
          %mul3A_2105 = arith.constant 4 : i32
          %mul3A_2106 = arith.muli %scan3A_1796, %mul3A_2105 : i32
          %add3A_2107 = arith.constant 3 : i32
          %add3A_2108 = arith.addi %mul3A_2106, %add3A_2107 : i32
          %get3A_2109 = arith.index_cast %and3A_1699 : i32 to index
          %get3A_2110 = arith.index_cast %add3A_2108 : i32 to index
          %get3A_2111 = arith.constant 96 : index
          %get3A_2112 = tpu.vector_load %arg6[%get3A_2109, %get3A_2110, %get3A_2111] {strides = array<i32>} : memref<8x80x128xf32, #tpu.memory_space<vmem>>, vector<1x1x16xf32>,
          %get3A_2113 = vector.shape_cast %get3A_2112 : vector<1x1x16xf32> to vector<16xf32>
          %add3A_2114 = arith.addf %add3A_2034, %get3A_2113 : vector<16xf32>
          %mul3A_2115 = arith.constant 4 : i32
          %mul3A_2116 = arith.muli %scan3A_1796, %mul3A_2115 : i32
          %add3A_2117 = arith.constant 3 : i32
          %add3A_2118 = arith.addi %mul3A_2116, %add3A_2117 : i32
          %get3A_2119 = arith.index_cast %and3A_1699 : i32 to index
          %get3A_2120 = arith.index_cast %add3A_2118 : i32 to index
          %get3A_2121 = arith.constant 112 : index
          %get3A_2122 = tpu.vector_load %arg6[%get3A_2119, %get3A_2120, %get3A_2121] {strides = array<i32>} : memref<8x80x128xf32, #tpu.memory_space<vmem>>, vector<1x1x16xf32>,
          %get3A_2123 = vector.shape_cast %get3A_2122 : vector<1x1x16xf32> to vector<16xf32>
          %add3A_2124 = arith.addf %add3A_2044, %get3A_2123 : vector<16xf32>
          scf.yield %add3A_2054, %add3A_2064, %add3A_2074, %add3A_2084, %add3A_2094, %add3A_2104, %add3A_2114, %add3A_2124 : vector<16xf32>, vector<16xf32>, vector<16xf32>, vector<16xf32>, vector<16xf32>, vector<16xf32>, vector<16xf32>, vector<16xf32>
        }
        %scan3A_1755 = arith.constant 20 : i32
        %swap3A_1756 = arith.index_cast %scan3A_1698 : i32 to index
        %swap3A_1757 = arith.constant 0 : index
        %swap3A_1758 = tpu.vector_load %arg9[%swap3A_1756, %swap3A_1757] {strides = array<i32>} : memref<128x128xf32, #tpu.memory_space<vmem>>, vector<1x16xf32>,
        %swap3A_1759 = vector.shape_cast %swap3A_1758 : vector<1x16xf32> to vector<16xf32>
        %swap3A_1760 = vector.shape_cast %scan3A_1754#0 : vector<16xf32> to vector<1x16xf32>
        tpu.vector_store %arg9[%swap3A_1756, %swap3A_1757], %swap3A_1760 {strides = array<i32>} : memref<128x128xf32, #tpu.memory_space<vmem>>, vector<1x16xf32>,
        %swap3A_1761 = arith.index_cast %scan3A_1698 : i32 to index
        %swap3A_1762 = arith.constant 16 : index
        %swap3A_1763 = tpu.vector_load %arg9[%swap3A_1761, %swap3A_1762] {strides = array<i32>} : memref<128x128xf32, #tpu.memory_space<vmem>>, vector<1x16xf32>,
        %swap3A_1764 = vector.shape_cast %swap3A_1763 : vector<1x16xf32> to vector<16xf32>
        %swap3A_1765 = vector.shape_cast %scan3A_1754#1 : vector<16xf32> to vector<1x16xf32>
        tpu.vector_store %arg9[%swap3A_1761, %swap3A_1762], %swap3A_1765 {strides = array<i32>} : memref<128x128xf32, #tpu.memory_space<vmem>>, vector<1x16xf32>,
        %swap3A_1766 = arith.index_cast %scan3A_1698 : i32 to index
        %swap3A_1767 = arith.constant 32 : index
        %swap3A_1768 = tpu.vector_load %arg9[%swap3A_1766, %swap3A_1767] {strides = array<i32>} : memref<128x128xf32, #tpu.memory_space<vmem>>, vector<1x16xf32>,
        %swap3A_1769 = vector.shape_cast %swap3A_1768 : vector<1x16xf32> to vector<16xf32>
        %swap3A_1770 = vector.shape_cast %scan3A_1754#2 : vector<16xf32> to vector<1x16xf32>
        tpu.vector_store %arg9[%swap3A_1766, %swap3A_1767], %swap3A_1770 {strides = array<i32>} : memref<128x128xf32, #tpu.memory_space<vmem>>, vector<1x16xf32>,
        %swap3A_1771 = arith.index_cast %scan3A_1698 : i32 to index
        %swap3A_1772 = arith.constant 48 : index
        %swap3A_1773 = tpu.vector_load %arg9[%swap3A_1771, %swap3A_1772] {strides = array<i32>} : memref<128x128xf32, #tpu.memory_space<vmem>>, vector<1x16xf32>,
        %swap3A_1774 = vector.shape_cast %swap3A_1773 : vector<1x16xf32> to vector<16xf32>
        %swap3A_1775 = vector.shape_cast %scan3A_1754#3 : vector<16xf32> to vector<1x16xf32>
        tpu.vector_store %arg9[%swap3A_1771, %swap3A_1772], %swap3A_1775 {strides = array<i32>} : memref<128x128xf32, #tpu.memory_space<vmem>>, vector<1x16xf32>,
        %swap3A_1776 = arith.index_cast %scan3A_1698 : i32 to index
        %swap3A_1777 = arith.constant 64 : index
        %swap3A_1778 = tpu.vector_load %arg9[%swap3A_1776, %swap3A_1777] {strides = array<i32>} : memref<128x128xf32, #tpu.memory_space<vmem>>, vector<1x16xf32>,
        %swap3A_1779 = vector.shape_cast %swap3A_1778 : vector<1x16xf32> to vector<16xf32>
        %swap3A_1780 = vector.shape_cast %scan3A_1754#4 : vector<16xf32> to vector<1x16xf32>
        tpu.vector_store %arg9[%swap3A_1776, %swap3A_1777], %swap3A_1780 {strides = array<i32>} : memref<128x128xf32, #tpu.memory_space<vmem>>, vector<1x16xf32>,
        %swap3A_1781 = arith.index_cast %scan3A_1698 : i32 to index
        %swap3A_1782 = arith.constant 80 : index
        %swap3A_1783 = tpu.vector_load %arg9[%swap3A_1781, %swap3A_1782] {strides = array<i32>} : memref<128x128xf32, #tpu.memory_space<vmem>>, vector<1x16xf32>,
        %swap3A_1784 = vector.shape_cast %swap3A_1783 : vector<1x16xf32> to vector<16xf32>
        %swap3A_1785 = vector.shape_cast %scan3A_1754#5 : vector<16xf32> to vector<1x16xf32>
        tpu.vector_store %arg9[%swap3A_1781, %swap3A_1782], %swap3A_1785 {strides = array<i32>} : memref<128x128xf32, #tpu.memory_space<vmem>>, vector<1x16xf32>,
        %swap3A_1786 = arith.index_cast %scan3A_1698 : i32 to index
        %swap3A_1787 = arith.constant 96 : index
        %swap3A_1788 = tpu.vector_load %arg9[%swap3A_1786, %swap3A_1787] {strides = array<i32>} : memref<128x128xf32, #tpu.memory_space<vmem>>, vector<1x16xf32>,
        %swap3A_1789 = vector.shape_cast %swap3A_1788 : vector<1x16xf32> to vector<16xf32>
        %swap3A_1790 = vector.shape_cast %scan3A_1754#6 : vector<16xf32> to vector<1x16xf32>
        tpu.vector_store %arg9[%swap3A_1786, %swap3A_1787], %swap3A_1790 {strides = array<i32>} : memref<128x128xf32, #tpu.memory_space<vmem>>, vector<1x16xf32>,
        %swap3A_1791 = arith.index_cast %scan3A_1698 : i32 to index
        %swap3A_1792 = arith.constant 112 : index
        %swap3A_1793 = tpu.vector_load %arg9[%swap3A_1791, %swap3A_1792] {strides = array<i32>} : memref<128x128xf32, #tpu.memory_space<vmem>>, vector<1x16xf32>,
        %swap3A_1794 = vector.shape_cast %swap3A_1793 : vector<1x16xf32> to vector<16xf32>
        %swap3A_1795 = vector.shape_cast %scan3A_1754#7 : vector<16xf32> to vector<1x16xf32>
        tpu.vector_store %arg9[%swap3A_1791, %swap3A_1792], %swap3A_1795 {strides = array<i32>} : memref<128x128xf32, #tpu.memory_space<vmem>>, vector<1x16xf32>,
      } else {
      }
      %not3A = arith.constant true
      %not3A_1726 = arith.xori %eq3A, %not3A : i1
      %convert_element_type3A_1727 = arith.extui %not3A_1726 : i1 to i32
      %cond3A_1728 = arith.constant 0 : i32
      %cond3A_1729 = arith.cmpi ne, %convert_element_type3A_1727, %cond3A_1728 : i32
      scf.if %cond3A_1729 {
        %swap3A_1734 = arith.index_cast %scan3A_1698 : i32 to index
        %swap3A_1735 = arith.constant 0 : index
        %swap3A_1736 = tpu.vector_load %arg9[%swap3A_1734, %swap3A_1735] {strides = array<i32>} : memref<128x128xf32, #tpu.memory_space<vmem>>, vector<1x16xf32>,
        %swap3A_1737 = vector.shape_cast %swap3A_1736 : vector<1x16xf32> to vector<16xf32>
        %swap3A_1738 = vector.shape_cast %broadcast_in_dim3A_146 : vector<16xf32> to vector<1x16xf32>
        tpu.vector_store %arg9[%swap3A_1734, %swap3A_1735], %swap3A_1738 {strides = array<i32>} : memref<128x128xf32, #tpu.memory_space<vmem>>, vector<1x16xf32>,
        %swap3A_1739 = arith.index_cast %scan3A_1698 : i32 to index
        %swap3A_1740 = arith.constant 16 : index
        %swap3A_1741 = tpu.vector_load %arg9[%swap3A_1739, %swap3A_1740] {strides = array<i32>} : memref<128x128xf32, #tpu.memory_space<vmem>>, vector<1x16xf32>,
        %swap3A_1742 = vector.shape_cast %swap3A_1741 : vector<1x16xf32> to vector<16xf32>
        %swap3A_1743 = vector.shape_cast %broadcast_in_dim3A_146 : vector<16xf32> to vector<1x16xf32>
        tpu.vector_store %arg9[%swap3A_1739, %swap3A_1740], %swap3A_1743 {strides = array<i32>} : memref<128x128xf32, #tpu.memory_space<vmem>>, vector<1x16xf32>,
        %swap3A_1744 = arith.index_cast %scan3A_1698 : i32 to index
        %swap3A_1745 = arith.constant 32 : index
        %swap3A_1746 = tpu.vector_load %arg9[%swap3A_1744, %swap3A_1745] {strides = array<i32>} : memref<128x128xf32, #tpu.memory_space<vmem>>, vector<1x16xf32>,
        %swap3A_1747 = vector.shape_cast %swap3A_1746 : vector<1x16xf32> to vector<16xf32>
        %swap3A_1748 = vector.shape_cast %broadcast_in_dim3A_146 : vector<16xf32> to vector<1x16xf32>
        tpu.vector_store %arg9[%swap3A_1744, %swap3A_1745], %swap3A_1748 {strides = array<i32>} : memref<128x128xf32, #tpu.memory_space<vmem>>, vector<1x16xf32>,
        %swap3A_1749 = arith.index_cast %scan3A_1698 : i32 to index
        %swap3A_1750 = arith.constant 48 : index
        %swap3A_1751 = tpu.vector_load %arg9[%swap3A_1749, %swap3A_1750] {strides = array<i32>} : memref<128x128xf32, #tpu.memory_space<vmem>>, vector<1x16xf32>,
        %swap3A_1752 = vector.shape_cast %swap3A_1751 : vector<1x16xf32> to vector<16xf32>
        %swap3A_1753 = vector.shape_cast %broadcast_in_dim3A_146 : vector<16xf32> to vector<1x16xf32>
        tpu.vector_store %arg9[%swap3A_1749, %swap3A_1750], %swap3A_1753 {strides = array<i32>} : memref<128x128xf32, #tpu.memory_space<vmem>>, vector<1x16xf32>,
        %swap3A_1754 = arith.index_cast %scan3A_1698 : i32 to index
        %swap3A_1755 = arith.constant 64 : index
        %swap3A_1756 = tpu.vector_load %arg9[%swap3A_1754, %swap3A_1755] {strides = array<i32>} : memref<128x128xf32, #tpu.memory_space<vmem>>, vector<1x16xf32>,
        %swap3A_1757 = vector.shape_cast %swap3A_1756 : vector<1x16xf32> to vector<16xf32>
        %swap3A_1758 = vector.shape_cast %broadcast_in_dim3A_146 : vector<16xf32> to vector<1x16xf32>
        tpu.vector_store %arg9[%swap3A_1754, %swap3A_1755], %swap3A_1758 {strides = array<i32>} : memref<128x128xf32, #tpu.memory_space<vmem>>, vector<1x16xf32>,
        %swap3A_1759 = arith.index_cast %scan3A_1698 : i32 to index
        %swap3A_1760 = arith.constant 80 : index
        %swap3A_1761 = tpu.vector_load %arg9[%swap3A_1759, %swap3A_1760] {strides = array<i32>} : memref<128x128xf32, #tpu.memory_space<vmem>>, vector<1x16xf32>,
        %swap3A_1762 = vector.shape_cast %swap3A_1761 : vector<1x16xf32> to vector<16xf32>
        %swap3A_1763 = vector.shape_cast %broadcast_in_dim3A_146 : vector<16xf32> to vector<1x16xf32>
        tpu.vector_store %arg9[%swap3A_1759, %swap3A_1760], %swap3A_1763 {strides = array<i32>} : memref<128x128xf32, #tpu.memory_space<vmem>>, vector<1x16xf32>,
        %swap3A_1764 = arith.index_cast %scan3A_1698 : i32 to index
        %swap3A_1765 = arith.constant 96 : index
        %swap3A_1766 = tpu.vector_load %arg9[%swap3A_1764, %swap3A_1765] {strides = array<i32>} : memref<128x128xf32, #tpu.memory_space<vmem>>, vector<1x16xf32>,
        %swap3A_1767 = vector.shape_cast %swap3A_1766 : vector<1x16xf32> to vector<16xf32>
        %swap3A_1768 = vector.shape_cast %broadcast_in_dim3A_146 : vector<16xf32> to vector<1x16xf32>
        tpu.vector_store %arg9[%swap3A_1764, %swap3A_1765], %swap3A_1768 {strides = array<i32>} : memref<128x128xf32, #tpu.memory_space<vmem>>, vector<1x16xf32>,
        %swap3A_1769 = arith.index_cast %scan3A_1698 : i32 to index
        %swap3A_1770 = arith.constant 112 : index
        %swap3A_1771 = tpu.vector_load %arg9[%swap3A_1769, %swap3A_1770] {strides = array<i32>} : memref<128x128xf32, #tpu.memory_space<vmem>>, vector<1x16xf32>,
        %swap3A_1772 = vector.shape_cast %swap3A_1771 : vector<1x16xf32> to vector<16xf32>
        %swap3A_1773 = vector.shape_cast %broadcast_in_dim3A_146 : vector<16xf32> to vector<1x16xf32>
        tpu.vector_store %arg9[%swap3A_1769, %swap3A_1770], %swap3A_1773 {strides = array<i32>} : memref<128x128xf32, #tpu.memory_space<vmem>>, vector<1x16xf32>,
        %dma_start3A_1774 = arith.constant 0 : i32
        %dma_start3A_1775 = arith.constant 0 : i32
        %dma_start3A_1776 = tpu.memref_slice %arg6[%and3A_1699, %dma_start3A_1774, %dma_start3A_1775] : memref<8x80x128xf32, #tpu.memory_space<vmem>> -> memref<1x80x128xf32, #tpu.memory_space<vmem>>
        %dma_start3A_1777 = tpu.memref_squeeze %dma_start3A_1776 : memref<1x80x128xf32, #tpu.memory_space<vmem>> -> memref<80x128xf32, #tpu.memory_space<vmem>>
        %dma_start3A_1778 = arith.constant 0 : i32
        %dma_start3A_1779 = tpu.memref_slice %arg7[%scan3A_1698, %dma_start3A_1778] : memref<128x80xi32, #tpu.memory_space<vmem>> -> memref<1x80xi32, #tpu.memory_space<vmem>>
        %dma_start3A_1780 = tpu.memref_squeeze %dma_start3A_1779 : memref<1x80xi32, #tpu.memory_space<vmem>> -> memref<80xi32, #tpu.memory_space<vmem>>
        %dma_start3A_1781 = arith.constant 0 : i32
        %dma_start3A_1782 = arith.constant 0 : i32
        %dma_start3A_1783 = tpu.memref_slice %arg10[%dma_start3A_1781, %dma_start3A_1782] : memref<512x128xf32, #tpu.memory_space<vmem_shared>> -> memref<512x128xf32, #tpu.memory_space<vmem_shared>>
        %dma_start3A_1784 = tpu.memref_slice %arg12[%and3A_1699] : memref<8x!tpu.dma_semaphore, #tpu.memory_space<semaphore_mem>> -> memref<1x!tpu.dma_semaphore, #tpu.memory_space<semaphore_mem>>
        %dma_start3A_1785 = tpu.memref_squeeze %dma_start3A_1784 : memref<1x!tpu.dma_semaphore, #tpu.memory_space<semaphore_mem>> -> memref<!tpu.dma_semaphore, #tpu.memory_space<semaphore_mem>>
        tpu.enqueue_indirect_dma source(%dma_start3A_1777 : memref<80x128xf32, #tpu.memory_space<vmem>>) target(%dma_start3A_1783 : memref<512x128xf32, #tpu.memory_space<vmem_shared>>) offsets(%dma_start3A_1780 : memref<80xi32, #tpu.memory_space<vmem>>) semaphore(%dma_start3A_1785 : memref<!tpu.dma_semaphore, #tpu.memory_space<semaphore_mem>>) {add = true}
        %dma_wait3A_1786 = arith.constant 0 : i32
        %dma_wait3A_1787 = arith.constant 0 : i32
        %dma_wait3A_1788 = tpu.memref_slice %arg6[%and3A_1699, %dma_wait3A_1786, %dma_wait3A_1787] : memref<8x80x128xf32, #tpu.memory_space<vmem>> -> memref<1x80x128xf32, #tpu.memory_space<vmem>>
        %dma_wait3A_1789 = tpu.memref_squeeze %dma_wait3A_1788 : memref<1x80x128xf32, #tpu.memory_space<vmem>> -> memref<80x128xf32, #tpu.memory_space<vmem>>
        %dma_wait3A_1790 = arith.constant 0 : i32
        %dma_wait3A_1791 = tpu.memref_slice %arg7[%scan3A_1698, %dma_wait3A_1790] : memref<128x80xi32, #tpu.memory_space<vmem>> -> memref<1x80xi32, #tpu.memory_space<vmem>>
        %dma_wait3A_1792 = tpu.memref_squeeze %dma_wait3A_1791 : memref<1x80xi32, #tpu.memory_space<vmem>> -> memref<80xi32, #tpu.memory_space<vmem>>
        %dma_wait3A_1793 = arith.constant 0 : i32
        %dma_wait3A_1794 = arith.constant 0 : i32
        %dma_wait3A_1795 = tpu.memref_slice %arg10[%dma_wait3A_1793, %dma_wait3A_1794] : memref<512x128xf32, #tpu.memory_space<vmem_shared>> -> memref<512x128xf32, #tpu.memory_space<vmem_shared>>
        %dma_wait3A_1796 = tpu.memref_slice %arg12[%and3A_1699] : memref<8x!tpu.dma_semaphore, #tpu.memory_space<semaphore_mem>> -> memref<1x!tpu.dma_semaphore, #tpu.memory_space<semaphore_mem>>
        %dma_wait3A_1797 = tpu.memref_squeeze %dma_wait3A_1796 : memref<1x!tpu.dma_semaphore, #tpu.memory_space<semaphore_mem>> -> memref<!tpu.dma_semaphore, #tpu.memory_space<semaphore_mem>>
        tpu.wait_indirect_dma semaphore(%dma_wait3A_1797 : memref<!tpu.dma_semaphore, #tpu.memory_space<semaphore_mem>>) src(%dma_wait3A_1789 : memref<80x128xf32, #tpu.memory_space<vmem>>) dst(%dma_wait3A_1795 : memref<512x128xf32, #tpu.memory_space<vmem_shared>>)
      } else {
      }
      %lt3A = arith.constant 117 : i32
      %lt3A_1730 = arith.cmpi slt, %scan3A_1698, %lt3A : i32
      %convert_element_type3A_1731 = arith.extui %lt3A_1730 : i1 to i32
      %cond3A_1732 = arith.constant 0 : i32
      %cond3A_1733 = arith.cmpi ne, %convert_element_type3A_1731, %cond3A_1732 : i32
      scf.if %cond3A_1733 {
        %add3A_1734 = arith.constant 8 : i32
        %add3A_1735 = arith.addi %scan3A_1698, %add3A_1734 : i32
        %mul3A_1736 = arith.constant 80 : i32
        %mul3A_1737 = arith.muli %add3A_1735, %mul3A_1736 : i32
        %add3A_1738 = arith.addi %mul3A_2, %mul3A_1737 : i32
        %dma_start3A_1739 = arith.constant 0 : i32
        %dma_start3A_1740 = arith.constant 0 : i32
        %dma_start3A_1741 = tpu.memref_slice %arg6[%and3A_1699, %dma_start3A_1739, %dma_start3A_1740] : memref<8x80x128xf32, #tpu.memory_space<vmem>> -> memref<1x80x128xf32, #tpu.memory_space<vmem>>
        %dma_start3A_1742 = tpu.memref_squeeze %dma_start3A_1741 : memref<1x80x128xf32, #tpu.memory_space<vmem>> -> memref<80x128xf32, #tpu.memory_space<vmem>>
        %dma_start3A_1743 = arith.constant 0 : i32
        %dma_start3A_1744 = tpu.memref_slice %arg2[%add3A_1738, %dma_start3A_1743] : memref<320000x128xf32, #tpu.memory_space<hbm>> -> memref<80x128xf32, #tpu.memory_space<hbm>>
        %dma_start3A_1745 = tpu.memref_slice %arg11[%and3A_1699] : memref<8x!tpu.dma_semaphore, #tpu.memory_space<semaphore_mem>> -> memref<1x!tpu.dma_semaphore, #tpu.memory_space<semaphore_mem>>
        %dma_start3A_1746 = tpu.memref_squeeze %dma_start3A_1745 : memref<1x!tpu.dma_semaphore, #tpu.memory_space<semaphore_mem>> -> memref<!tpu.dma_semaphore, #tpu.memory_space<semaphore_mem>>
        %dma_start3A_1747 = arith.constant 0 : i32
        %dma_start3A_1748 = arith.constant 0 : i32
        %dma_start3A_1749 = tpu.memref_slice %arg6[%and3A_1699, %dma_start3A_1747, %dma_start3A_1748] : memref<8x80x128xf32, #tpu.memory_space<vmem>> -> memref<1x80x128xf32, #tpu.memory_space<vmem>>
        %dma_start3A_1750 = tpu.memref_squeeze %dma_start3A_1749 : memref<1x80x128xf32, #tpu.memory_space<vmem>> -> memref<80x128xf32, #tpu.memory_space<vmem>>
        %dma_start3A_1751 = arith.constant 0 : i32
        %dma_start3A_1752 = tpu.memref_slice %arg2[%add3A_1738, %dma_start3A_1751] : memref<320000x128xf32, #tpu.memory_space<hbm>> -> memref<80x128xf32, #tpu.memory_space<hbm>>
        tpu.enqueue_dma source(%dma_start3A_1752 : memref<80x128xf32, #tpu.memory_space<hbm>>) target(%dma_start3A_1750 : memref<80x128xf32, #tpu.memory_space<vmem>>) target_semaphore(%dma_start3A_1746 : memref<!tpu.dma_semaphore, #tpu.memory_space<semaphore_mem>>)
      } else {
      }
    }
    %scan3A_1692 = arith.constant 125 : i32
    %run_scoped3A = arith.constant 0 : i32
    "tpu.region"() ({
      %run_scoped3A_1698 = tpu.sem_alloc : memref<!tpu.dma_semaphore, #tpu.memory_space<semaphore_mem>>
      %dma_start3A_1699 = arith.constant 0 : i32
      %dma_start3A_1700 = tpu.memref_slice %arg8[%run_scoped3A, %dma_start3A_1699] : memref<8x128xi32, #tpu.memory_space<vmem>> -> memref<1x128xi32, #tpu.memory_space<vmem>>
      %dma_start3A_1701 = tpu.memref_squeeze %dma_start3A_1700 : memref<1x128xi32, #tpu.memory_space<vmem>> -> memref<128xi32, #tpu.memory_space<vmem>>
      %dma_start3A_1702 = arith.constant 0 : i32
      %dma_start3A_1703 = arith.constant 0 : i32
      %dma_start3A_1704 = tpu.memref_slice %arg10[%dma_start3A_1702, %dma_start3A_1703] : memref<512x128xf32, #tpu.memory_space<vmem_shared>> -> memref<512x128xf32, #tpu.memory_space<vmem_shared>>
      tpu.enqueue_indirect_dma source(%arg9 : memref<128x128xf32, #tpu.memory_space<vmem>>) target(%dma_start3A_1704 : memref<512x128xf32, #tpu.memory_space<vmem_shared>>) offsets(%dma_start3A_1701 : memref<128xi32, #tpu.memory_space<vmem>>) semaphore(%run_scoped3A_1698 : memref<!tpu.dma_semaphore, #tpu.memory_space<semaphore_mem>>) {add = true}
      %dma_wait3A = arith.constant 0 : i32
      %dma_wait3A_1705 = tpu.memref_slice %arg8[%run_scoped3A, %dma_wait3A] : memref<8x128xi32, #tpu.memory_space<vmem>> -> memref<1x128xi32, #tpu.memory_space<vmem>>
      %dma_wait3A_1706 = tpu.memref_squeeze %dma_wait3A_1705 : memref<1x128xi32, #tpu.memory_space<vmem>> -> memref<128xi32, #tpu.memory_space<vmem>>
      %dma_wait3A_1707 = arith.constant 0 : i32
      %dma_wait3A_1708 = arith.constant 0 : i32
      %dma_wait3A_1709 = tpu.memref_slice %arg10[%dma_wait3A_1707, %dma_wait3A_1708] : memref<512x128xf32, #tpu.memory_space<vmem_shared>> -> memref<512x128xf32, #tpu.memory_space<vmem_shared>>
      tpu.wait_indirect_dma semaphore(%run_scoped3A_1698 : memref<!tpu.dma_semaphore, #tpu.memory_space<semaphore_mem>>) src(%arg9 : memref<128x128xf32, #tpu.memory_space<vmem>>) dst(%dma_wait3A_1709 : memref<512x128xf32, #tpu.memory_space<vmem_shared>>)
      tpu.yield
    }) : () -> ()
    %barrier3A_1693 = arith.constant 0 : index
    tpu.barrier barrier_id(%barrier3A_1693)
    %mul3A_1694 = arith.constant 32 : i32
    %mul3A_1695 = arith.muli %arg1, %mul3A_1694 : i32
    %mul3A_1696 = arith.constant 32 : i32
    %mul3A_1697 = arith.muli %arg1, %mul3A_1696 : i32
    "tpu.region"() ({
      %run_scoped3A_1698 = tpu.sem_alloc : memref<!tpu.dma_semaphore, #tpu.memory_space<semaphore_mem>>
      %dma_start3A_1699 = arith.constant 0 : i32
      %dma_start3A_1700 = tpu.memref_slice %arg5[%arg0, %mul3A_1697, %dma_start3A_1699] : memref<2x512x128xf32, #tpu.memory_space<hbm>> -> memref<1x32x128xf32, #tpu.memory_space<hbm>>
      %dma_start3A_1701 = tpu.memref_squeeze %dma_start3A_1700 : memref<1x32x128xf32, #tpu.memory_space<hbm>> -> memref<32x128xf32, #tpu.memory_space<hbm>>
      %dma_start3A_1702 = arith.constant 0 : i32
      %dma_start3A_1703 = tpu.memref_slice %arg10[%mul3A_1695, %dma_start3A_1702] : memref<512x128xf32, #tpu.memory_space<vmem_shared>> -> memref<32x128xf32, #tpu.memory_space<vmem_shared>>
      tpu.enqueue_dma source(%dma_start3A_1703 : memref<32x128xf32, #tpu.memory_space<vmem_shared>>) target(%dma_start3A_1701 : memref<32x128xf32, #tpu.memory_space<hbm>>) target_semaphore(%run_scoped3A_1698 : memref<!tpu.dma_semaphore, #tpu.memory_space<semaphore_mem>>)
      %dma_wait3A = arith.constant 0 : i32
      %dma_wait3A_1704 = tpu.memref_slice %arg5[%arg0, %mul3A_1697, %dma_wait3A] : memref<2x512x128xf32, #tpu.memory_space<hbm>> -> memref<1x32x128xf32, #tpu.memory_space<hbm>>
      %dma_wait3A_1705 = tpu.memref_squeeze %dma_wait3A_1704 : memref<1x32x128xf32, #tpu.memory_space<hbm>> -> memref<32x128xf32, #tpu.memory_space<hbm>>
      %dma_wait3A_1706 = arith.constant 0 : i32
      %dma_wait3A_1707 = tpu.memref_slice %arg10[%mul3A_1695, %dma_wait3A_1706] : memref<512x128xf32, #tpu.memory_space<vmem_shared>> -> memref<32x128xf32, #tpu.memory_space<vmem_shared>>
      tpu.wait_dma2 semaphore(%run_scoped3A_1698 : memref<!tpu.dma_semaphore, #tpu.memory_space<semaphore_mem>>) src(%dma_wait3A_1707 : memref<32x128xf32, #tpu.memory_space<vmem_shared>>) dst(%dma_wait3A_1705 : memref<32x128xf32, #tpu.memory_space<hbm>>)
      tpu.yield
    }) : () -> ()
    return
  }
}

module attributes {stable_mosaic.version = 14 : i64} {
  func.func @_merge_body(%arg0: memref<2x512x128xf32, #tpu.memory_space<vmem>>, %arg1: memref<512x128xf32, #tpu.memory_space<vmem>>) attributes {dimension_semantics = [], scalar_prefetch = 0 : i64, scratch_operands = 0 : i64, tpu.core_type = #tpu.core_type<tc>} {
    %get3A = arith.constant 0 : index
    %get3A_0 = arith.constant 0 : index
    %get3A_1 = arith.constant 0 : index
    %get3A_2 = vector.load %arg0[%get3A, %get3A_0, %get3A_1] : memref<2x512x128xf32, #tpu.memory_space<vmem>>, vector<1x512x128xf32>
    %get3A_3 = vector.shape_cast %get3A_2 : vector<1x512x128xf32> to vector<512x128xf32>
    %get3A_4 = arith.constant 1 : index
    %get3A_5 = arith.constant 0 : index
    %get3A_6 = arith.constant 0 : index
    %get3A_7 = vector.load %arg0[%get3A_4, %get3A_5, %get3A_6] : memref<2x512x128xf32, #tpu.memory_space<vmem>>, vector<1x512x128xf32>
    %get3A_8 = vector.shape_cast %get3A_7 : vector<1x512x128xf32> to vector<512x128xf32>
    %add3A = arith.addf %get3A_3, %get3A_8 : vector<512x128xf32>
    %swap3A = arith.constant 0 : index
    %swap3A_9 = arith.constant 0 : index
    %swap3A_10 = vector.load %arg1[%swap3A, %swap3A_9] : memref<512x128xf32, #tpu.memory_space<vmem>>, vector<512x128xf32>
    tpu.vector_store %arg1[%swap3A, %swap3A_9], %add3A {strides = array<i32>} : memref<512x128xf32, #tpu.memory_space<vmem>>, vector<512x128xf32>,
    return
  }
}

</mosaic_0001>

<sc_bundles>
// kernel: kernel.4.cloned.1.call-start
scs
__scs_entry_jumppad:
0x0: {  	(pc) =	sbr.rel $0x88, $3  }
0x1: {  	(tag) =	ssettag $0x0;
	lr =	simm.s32 $0x1  }
0x2: {  	[smem:$0x3F9F] =	sst lr;
	_ =	strace $0xD0000000  }
0x3: {  	_ = 	snop  }
0x4: {  	_ = 	snop  }
0x5: {  	_ = 	snop  }
0x6: {  	_ = 	snop  }
0x7: {  	_ = 	snop  }
__scs_overlays_trampoline_lowered:
0x8: {  	[smem:$0x3FAE] =	sst s0  }
0x9: {  	[smem:$0x3FAF] =	sst s1  }
0xa: {  	[smem:$0x3FB0] =	sst s2  }
0xb: {  	[smem:$0x3FB1] =	sst s3  }
0xc: {  	[smem:$0x3FB2] =	sst s4  }
0xd: {  	[smem:$0x3FB3] =	sst s5  }
0xe: {  	[smem:$0x3FB4] =	sst s6  }
0xf: {  	[smem:$0x3FB5] =	sst s7  }
0x10: {  	[smem:$0x3FB6] =	sst s8  }
0x11: {  	[smem:$0x3FB7] =	sst s9;
	s0 =	simm.s32 @!p0 $0x0  }
0x12: {  	s1 =	sld [smem:$0x3F9D];
	s0 =	simm.s32 @p0 $0x1  }
0x13: {  	[smem:$0x3FB8] =	sst s0;
	s0 =	simm.s32 @!p1 $0x0  }
0x14: {  	s2 =	sld [smem:$0x3F9C];
	s0 =	simm.s32 @p1 $0x1  }
0x15: {  	[smem:$0x3FB9] =	sst s0;
	s0 =	simm.s32 @!p2 $0x0  }
0x16: {  	s3 =	sld [smem:$0x3FDB];
	s0 =	simm.s32 @p2 $0x1  }
0x17: {  	s4 =	simm.s32 $0x1BF5;
	[smem:$0x3FBB] =	sst s0  }
0x18: {  	s0 =	sld [smem:$0x3F9E];
	_ =	swait.ge [sflag:s4], $0x0  }
0x19: {  	s7 =	sld [smem:$0x3F9F]  }
0x1a: {  	s8 =	sadd.s32 $0xFFFFE003, lr  }
0x1b: {  	s9 =	sadd.s32 $0xFFFFFEF7, lr;
	s5 =	simm.s32 $0xFFFFFFFF;
	p2 =	slt.u32 s8, $0xFFFFF086  }
0x1c: {  	p1 =	slt.u32 s9, $0xF7A;
	s5 =	simm.s32 @!p2 $0x0  }
0x1d: {  	s5 =	simm.s32 @p1 $0x1;
	p0 =	seq.s32 s7, s2  }
0x1e: {  	s7 =	smul.u32 @!p0 $0xF7A, s2;
	p2 =	seq.s32 @!p0 s5, $0x0  }
0x1f: {  	s9 =	smul.u32 $0xF7A, s1;
	s8 =	simm.s32 @!p0 $0x1BF5;
	p2 =	por !p2, p0  }
0x20: {  	[sflag:s8] =	ssyncset.s32 @!p0 $0xFFFFF086;
	s6 =	sadd.s32 @!p0 s3, s7;
	s7 =	simm.s32 @!p0 $0x108  }
0x21: {  	s3 =	sadd.s32 s3, s9;
	s6 =	sadd.s32 @!p0 $0x88, s6;
	s7 =	simm.s32 @p2 $0x1082  }
0x22: {  	[simem:s7], [sflag:s8] =	dma.local @!p0 [hbm:s6], $0xF7A  }
0x23: {  	s9 =	sor.u32 $0xD0000000, s2;
	s6 =	simm.s32 $0x108;
	_ =	swait.ge @!p0 [sflag:s8], $0x0  }
0x24: {  	s3 =	sadd.s32 $0x88, s3;
	s6 =	simm.s32 @!p1 $0x1082;
	[sflag:s4] =	ssyncset.s32 $0xFFFFF086  }
0x25: {  	[simem:s6], [sflag:s4] =	dma.local [hbm:s3], $0xF7A  }
0x26: {  	[smem:$0x3F9F] =	sst s1;
	(tag) =	ssettag s2;
	_ =	strace s9  }
0x27: {  	s1 =	sld [smem:$0x3FAF]  }
0x28: {  	s2 =	sld [smem:$0x3FB0]  }
0x29: {  	s4 =	sld [smem:$0x3FB2]  }
0x2a: {  	p0 =	seq.s32 s5, $0x0;
	s5 =	sld [smem:$0x3FB3]  }
0x2b: {  	s6 =	sld [smem:$0x3FB4]  }
0x2c: {  	s7 =	sld [smem:$0x3FB5]  }
0x2d: {  	s3 =	simm.s32 $0x108;
	s8 =	sld [smem:$0x3FB6]  }
0x2e: {  	s3 =	simm.s32 @!p0 $0x1082;
	s9 =	sld [smem:$0x3FB7]  }
0x2f: {  	lr =	sadd.s32 s0, s3;
	s0 =	sld [smem:$0x3FAE]  }
0x30: {  	s3 =	sld [smem:$0x3FB1]  }
0x31: {  	[smem:$0x3FBA] =	sst s10  }
0x32: {  	s10 =	sld [smem:$0x3FB8];
	_ =	sdelay $0x3  }
0x33: {  	p0 =	seq.s32 s10, $0x1;
	s10 =	sld [smem:$0x3FBA];
	_ =	sdelay $0x3  }
0x34: {  	[smem:$0x3FBA] =	sst s10  }
0x35: {  	s10 =	sld [smem:$0x3FB9];
	_ =	sdelay $0x3  }
0x36: {  	p1 =	seq.s32 s10, $0x1;
	s10 =	sld [smem:$0x3FBA];
	_ =	sdelay $0x3  }
0x37: {  	[smem:$0x3FBA] =	sst s10  }
0x38: {  	s10 =	sld [smem:$0x3FBB]  }
0x39: {  	_ = 	snop;
	(pc) =	sbr.ind lr, $3  }
0x3a: {  	_ = 	snop  }
0x3b: {  	_ = 	snop  }
0x3c: {  	p2 =	seq.s32 s10, $0x1;
	s10 =	sld [smem:$0x3FBA]  }
0x3d: {  	_ =	shalt  }
0x3e: {  	_ =	shalt  }
0x3f: {  	_ =	shalt  }
0x40: {  	_ =	shalt  }
0x41: {  	_ =	shalt  }
0x42: {  	_ =	shalt  }
0x43: {  	_ =	shalt  }
0x44: {  	_ =	shalt  }
0x45: {  	_ =	shalt  }
0x46: {  	_ =	shalt  }
0x47: {  	_ =	shalt  }
0x48: {  	_ =	shalt  }
0x49: {  	_ =	shalt  }
0x4a: {  	_ =	shalt  }
0x4b: {  	_ =	shalt  }
0x4c: {  	_ =	shalt  }
0x4d: {  	_ =	shalt  }
0x4e: {  	_ =	shalt  }
0x4f: {  	_ =	shalt  }
0x50: {  	_ =	shalt  }
0x51: {  	_ =	shalt  }
0x52: {  	_ =	shalt  }
0x53: {  	_ =	shalt  }
0x54: {  	_ =	shalt  }
0x55: {  	_ =	shalt  }
0x56: {  	_ =	shalt  }
0x57: {  	_ =	shalt  }
0x58: {  	_ =	shalt  }
0x59: {  	_ =	shalt  }
0x5a: {  	_ =	shalt  }
0x5b: {  	_ =	shalt  }
0x5c: {  	_ =	shalt  }
0x5d: {  	_ =	shalt  }
0x5e: {  	_ =	shalt  }
0x5f: {  	_ =	shalt  }
0x60: {  	_ =	shalt  }
0x61: {  	_ =	shalt  }
0x62: {  	_ =	shalt  }
0x63: {  	_ =	shalt  }
0x64: {  	_ =	shalt  }
0x65: {  	_ =	shalt  }
0x66: {  	_ =	shalt  }
0x67: {  	_ =	shalt  }
0x68: {  	_ =	shalt  }
0x69: {  	_ =	shalt  }
0x6a: {  	_ =	shalt  }
0x6b: {  	_ =	shalt  }
0x6c: {  	_ =	shalt  }
0x6d: {  	_ =	shalt  }
0x6e: {  	_ =	shalt  }
0x6f: {  	_ =	shalt  }
0x70: {  	_ =	shalt  }
0x71: {  	_ =	shalt  }
0x72: {  	_ =	shalt  }
0x73: {  	_ =	shalt  }
0x74: {  	_ =	shalt  }
0x75: {  	_ =	shalt  }
0x76: {  	_ =	shalt  }
0x77: {  	_ =	shalt  }
0x78: {  	_ =	shalt  }
0x79: {  	_ =	shalt  }
0x7a: {  	_ =	shalt  }
0x7b: {  	_ =	shalt  }
0x7c: {  	_ =	shalt  }
0x7d: {  	_ =	shalt  }
0x7e: {  	_ =	shalt  }
0x7f: {  	_ =	shalt  }
0x80: {  	_ =	shalt  }
0x81: {  	_ =	shalt  }
0x82: {  	_ =	shalt  }
0x83: {  	_ =	shalt  }
0x84: {  	_ =	shalt  }
0x85: {  	_ =	shalt  }
0x86: {  	_ =	shalt  }
0x87: {  	_ =	shalt  }
.Lfunc_end0:
.L_simem_size_0:
called_computation_lowered:
.L_overlay_start_0:
0x88: {  	s2 =	sld [smem:$0x3FD9]  }
0x89: {  	s3 =	sld [smem:$0x3FFE];
	_ =	sdelay $0x1  }
0x8a: {  	s1 =	srdreg.scid  }
0x8b: {  	s0 =	sand.u32 $0x1, s1  }
0x8c: {  	s17 =	sshll.u32 s0, $0xA;
	s2 =	sadd.s32 s3, s2  }
0x8d: {  	s2 =	sadd.s32 s2, s17  }
0x8e: {  	[smem:$0x3FC6] =	sst s2  }
0x8f: {  	_ = 	snop  }
0x90: {  	s2 =	sld [smem:$0x3FC9]  }
0x91: {  	s18 =	sld [smem:$0x3FD0];
	(tm) =	ssettm $0x1  }
0x92: {  	s4 =	sld [smem:$0x3FFB];
	_ =	sdelay $0x3  }
0x93: {  	_ =	strace s4  }
0x94: {  	s4 =	sld [smem:$0x3FFC];
	_ =	sdelay $0x3  }
0x95: {  	_ =	strace s4  }
0x96: {  	s4 =	sld [smem:$0x3FFD];
	_ =	sdelay $0x3  }
0x97: {  	_ =	strace s4  }
0x98: {  	_ =	strace $0x8FFFFFFF  }
0x99: {  	s19 =	sld [smem:$0x3FDB];
	_ =	sdelay $0x1  }
0x9a: {  	s5 =	simm.s32 $_scs_section_size  }
0x9b: {  	s6 =	simm.s32 $_size__tile_overlayer_lowered;
	s7 =	simm.s32 $_tile_overlayer_lowered  }
0x9c: {  	s22 =	simm.s32 $0x1BFF;
	s21 =	sshll.u32 s7, $0x1;
	s4 =	sadd.s32 s5, s19  }
0x9d: {  	s8 =	simm.s32 $0x0;
	s20 =	sshll.u32 s6, $0x1;
	s6 =	sadd.s32 s21, s4  }
0x9e: {  	[timem:s8], [sflag:s22] =	dma.local [hbm:s6], s20  }
0x9f: {  	_ =	swait.ge [sflag:s22], s20  }
0xa0: {  	s5 =	ssub.s32 $0x0, s20;
	[sflag:s22] =	ssyncset.done $0x0  }
0xa1: {  	[sflag:s22] =	ssyncadd.s32 s5;
	_ =	sdelay $0x1  }
0xa2: {  	s23 =	simm.s32 $0x1B8B  }
0xa3: {  	_ =	swait.ge [sflag:s23], $0x1  }
0xa4: {  	[sflag:s23] =	ssyncset.done $0x0  }
0xa5: {  	s25 =	simm.s32 $0x1B8E;
	s24 =	sld [smem:$0x3FFE];
	[sflag:s23] =	ssyncadd.s32 $0xFFFFFFFF  }
0xa6: {  	s26 =	simm.s32 $execute0_lowered;
	[smem:$0x3FD2] =	sst s25  }
0xa7: {  	s6 =	sshll.u32 s26, $0x1;
	_ =	strace $0x80000046;
	[dreg:$0x1] =	wrdreg $0xFFFFFFFF  }
0xa8: {  	s28 =	simm.s32 $_size_execute0_lowered;
	s4 =	sadd.s32 s4, s6;
	[dreg:$0x0] =	wrdreg $0x0  }
0xa9: {  	s6 =	sshll.u32 s28, $0x1;
	[dreg:$0x2] =	wrdreg s4  }
0xaa: {  	[dreg:$0x3] =	wrdreg s6  }
0xab: {  	[dreg:$0x4] =	wrdreg $0xC0  }
0xac: {  	_ =	task [dreg:s8], $0x5FFFF  }
0xad: {  	[dreg:$0x1] =	wrdreg $0xFFFFFFFF  }
0xae: {  	[dreg:$0x0] =	wrdreg $0x60  }
0xaf: {  	[dreg:$0x2] =	wrdreg s2  }
0xb0: {  	[dreg:$0x3] =	wrdreg s24  }
0xb1: {  	[dreg:$0x4] =	wrdreg s18  }
0xb2: {  	[dreg:$0x5] =	wrdreg $0x1C4000  }
0xb3: {  	[dreg:$0x6] =	wrdreg $0x9  }
0xb4: {  	_ =	task.clear_ibuf [dreg:s8], $0x7FFFF;
	_ =	strace $0x90000046  }
0xb5: {  	s29 =	simm.s32 $0x9;
	_ =	strace $0x80000048  }
0xb6: {  	_ =	swait.ge [sflag:s29], $0x1  }
0xb7: {  	[sflag:s29] =	ssyncadd.s32 $0xFFFFFFFF  }
0xb8: {  	_ =	strace $0x90000048  }
0xb9: {  	_ =	sfence  }
0xba: {  	s30 =	sld [smem:$0x0];
	_ =	sdelay $0x2  }
0xbb: {  	s31 =	sshll.u32 s1, $0xD;
	s1 =	sshrl.u32 s1, $0x2  }
0xbc: {  	s3 =	sand.u32 $0x4000, s31;
	s1 =	sadd.s32 s1, s30  }
0xbd: {  	s0 =	sor.u32 s3, s0;
	s1 =	sshll.u32 s1, $0x11  }
0xbe: {  	s0 =	sor.u32 s1, s0  }
0xbf: {  	s0 =	sadd.s32 $0x8F2B, s0  }
0xc0: {  	[sflag:s0] =	ssyncadd.remote.s32 $0x1  }
0xc1: {  	_ =	sfence.sel $0xFFFF  }
0xc2: {  	[dreg:$0x0] =	wrdreg $0xFFFFFFFF;
	(pc) =	sbr.abs _section_cstart, $3  }
0xc3: {  	[dreg:$0x1] =	wrdreg $0xFFFFFFFF  }
0xc4: {  	_ =	task.clear_ibuf [dreg:s8], $0x2FFFF;
	_ =	strace $0x9FFFFFFF  }
0xc5: {  	(tm) =	ssettm $0x7FFFFFFF  }
tec
execute0_lowered:
.L_overlay_start_1:
0x0: {  	(tag) =	ssettag $0x1  }
0x1: {  	s1 =	rddreg [dreg:$0x0]  }
0x2: {  	s0 =	rddreg [dreg:$0x1]  }
0x3: {  	s15 =	rddreg [dreg:$0x2]  }
0x4: {  	s2 =	rddreg [dreg:$0x3];
	s3 =	srdreg.scid;
	s4 =	simm.s32 $0x0  }
0x5: {  	s28 =	simm.s32 $0x11;
	s30 =	simm.s32 $0x18000;
	s14 =	sand.u32 $0x1, s3  }
0x6: {  	[smem:$0x7FF] =	sst s4;
	s3 =	stileid.u32;
	s5 =	sshll.u32 s14, $0x4  }
0x7: {  	_ =	strace $0x80000047;
	s6 =	sshll.u32 s3, $0x9;
	s29 =	ssub.s32 $0x2, s14  }
0x8: {  	s13 =	sshll.u32 s3, $0xC;
	s20 =	sshll.u32 s14, $0xD;
	s16 =	sor.u32 s3, s5  }
0x9: {  	s31 =	sshrl.u32 s29, $0x1;
	s13 =	sadd.s32 s13, s2;
	s7 =	smul.u32 $0x138800, s16  }
0xa: {  	s5 =	sshll.u32 s16, $0xB;
	s8 =	smul.u32 $0x27100, s16;
	s18 =	ssub.s32 s29, s31  }
0xb: {  	s19 =	smul.u32 $0x2710, s16;
	s16 =	sshll.u32 s16, $0x7;
	s17 =	sadd.s32 s5, s0  }
0xc: {  	s0 =	sadd.s32 s6, s0;
	s15 =	sadd.s32 s15, s16;
	s18 =	smax.u32 s18, $0x1  }
0xd: {  	s7 =	sshrl.u32 s7, $0x3;
	s5 =	sadd.s32 s1, s8;
	s14 =	sadd.s32 $0x600, s17  }
.Ltmp0:
0xe: {  	s0 =	sadd.s32 s20, s0;
	s16 =	sadd.s32 $0x280, s19;
	(pc) =	sbr.rel .LBB2_1-.Ltmp0, $4  }
0xf: {  	s19 =	simm.s32 $0x50;
	s20 =	simm.s32 $0x0;
	s12 =	sadd.s32 s1, s7  }
0x10: {  	s17 =	sadd.s32 $0x10600, s0;
	s0 =	simm.s32 $0x18400;
	s6 =	sadd.s32 $0x500, s12  }
0x11: {  	s7 =	sadd.s32 $0xA00, s12;
	s8 =	sadd.s32 $0xF00, s12;
	s9 =	sadd.s32 $0x1400, s12  }
0x12: {  	v0 =	vimm.f32 $0.0e+00;
	s10 =	sadd.s32 $0x1900, s12;
	s11 =	sadd.s32 $0x1E00, s12;
	s12 =	sadd.s32 $0x2300, s12  }
.LBB2_8:
0x13: {  	s21 =	simm.s32 $0x80  }
0x14: {  	[spmem:s2] =	stream.indirect.scatter.add.f32 [tilespmem:s0], [sflag:$0x11], $0x80, s30, s21, $0xb8;
	[tilespmem:$0x1D400] =	vst v63  }
0x15: {  	_ =	swait.ge [sflag:s28], $0x4000  }
0x16: {  	s31 =	sshll.u32 s3, $0x6;
	s20 =	sadd.s32 $0x1, s20;
	[sflag:s28] =	ssyncset.done $0x0  }
0x17: {  	s22 =	sshrl.u32 s13, $0x3;
	p0 =	sne.s32 s20, s18;
	[sflag:s28] =	ssyncadd.s32 $0xFFFFC000  }
.Ltmp1:
0x18: {  	s21 =	sor.u32 $0x1C11, s31;
	[bflag:$0x0] =	sbarrier.arrive $0xFFFF;
	(pc) =	sbr.rel @!p0 .LBB2_9-.Ltmp1, $4  }
0x19: {  	[hbm:s17], [sflag:s21] =	dma.local [spmem:s22], $0x200  }
0x1a: {  	_ =	swait.ge [sflag:s28], $0x200  }
0x1b: {  	[sflag:s28] =	ssyncset.done $0x0  }
0x1c: {  	[sflag:s28] =	ssyncadd.s32 $0xFFFFFE00  }
.LBB2_1:
0x1d: {  	[tilespmem:s4], [sflag:$0x1] =	stream.linear.gather [hbm4b:s5+s4], $0x2800, $0x38;
	[tilespmem:$0x1D400] =	vst v63  }
0x1e: {  	s21 =	simm.s32 $0x2800  }
0x1f: {  	[tilespmem:s21], [sflag:$0x2] =	stream.linear.gather [hbm4b:s6+s4], $0x2800, $0x38;
	[tilespmem:$0x1D400] =	vst v63  }
0x20: {  	s31 =	simm.s32 $0x5000  }
0x21: {  	[tilespmem:s31], [sflag:$0x3] =	stream.linear.gather [hbm4b:s7+s4], $0x2800, $0x38;
	[tilespmem:$0x1D400] =	vst v63  }
0x22: {  	s22 =	simm.s32 $0x7800  }
0x23: {  	[tilespmem:s22], [sflag:$0x4] =	stream.linear.gather [hbm4b:s8+s4], $0x2800, $0x38;
	[tilespmem:$0x1D400] =	vst v63  }
0x24: {  	s23 =	simm.s32 $0xA000  }
0x25: {  	[tilespmem:s23], [sflag:$0x5] =	stream.linear.gather [hbm4b:s9+s4], $0x2800, $0x38;
	[tilespmem:$0x1D400] =	vst v63  }
0x26: {  	s24 =	simm.s32 $0xC800  }
0x27: {  	[tilespmem:s24], [sflag:$0x6] =	stream.linear.gather [hbm4b:s10+s4], $0x2800, $0x38;
	[tilespmem:$0x1D400] =	vst v63  }
0x28: {  	s25 =	simm.s32 $0xF000  }
0x29: {  	[tilespmem:s25], [sflag:$0x7] =	stream.linear.gather [hbm4b:s11+s4], $0x2800, $0x38;
	[tilespmem:$0x1D400] =	vst v63  }
0x2a: {  	s26 =	simm.s32 $0x11800  }
0x2b: {  	[tilespmem:s26], [sflag:$0x8] =	stream.linear.gather [hbm4b:s12+s4], $0x2800, $0x38;
	[tilespmem:$0x1D400] =	vst v63  }
0x2c: {  	[tilespmem:$0x1B400] =	vst v0  }
0x2d: {  	[tilespmem:$0x1B410] =	vst v0  }
0x2e: {  	[tilespmem:$0x1B420] =	vst v0  }
0x2f: {  	[tilespmem:$0x1B430] =	vst v0  }
0x30: {  	[tilespmem:$0x1B440] =	vst v0  }
0x31: {  	[tilespmem:$0x1B450] =	vst v0  }
0x32: {  	[tilespmem:$0x1B460] =	vst v0  }
0x33: {  	[tilespmem:$0x1B470] =	vst v0  }
0x34: {  	[tilespmem:$0x1B480] =	vst v0  }
0x35: {  	[tilespmem:$0x1B490] =	vst v0  }
0x36: {  	[tilespmem:$0x1B4A0] =	vst v0  }
0x37: {  	[tilespmem:$0x1B4B0] =	vst v0  }
0x38: {  	[tilespmem:$0x1B4C0] =	vst v0  }
0x39: {  	[tilespmem:$0x1B4D0] =	vst v0  }
0x3a: {  	[tilespmem:$0x1B4E0] =	vst v0  }
0x3b: {  	[tilespmem:$0x1B4F0] =	vst v0  }
0x3c: {  	[tilespmem:$0x1B500] =	vst v0  }
0x3d: {  	[tilespmem:$0x1B510] =	vst v0  }
0x3e: {  	[tilespmem:$0x1B520] =	vst v0  }
0x3f: {  	[tilespmem:$0x1B530] =	vst v0  }
0x40: {  	[tilespmem:$0x1B540] =	vst v0  }
0x41: {  	[tilespmem:$0x1B550] =	vst v0  }
0x42: {  	[tilespmem:$0x1B560] =	vst v0  }
0x43: {  	[tilespmem:$0x1B570] =	vst v0  }
0x44: {  	[tilespmem:$0x1B580] =	vst v0  }
0x45: {  	[tilespmem:$0x1B590] =	vst v0  }
0x46: {  	[tilespmem:$0x1B5A0] =	vst v0  }
0x47: {  	[tilespmem:$0x1B5B0] =	vst v0  }
0x48: {  	[tilespmem:$0x1B5C0] =	vst v0  }
0x49: {  	[tilespmem:$0x1B5D0] =	vst v0  }
0x4a: {  	[tilespmem:$0x1B5E0] =	vst v0  }
0x4b: {  	[tilespmem:$0x1B5F0] =	vst v0  }
0x4c: {  	[tilespmem:$0x1B600] =	vst v0  }
0x4d: {  	[tilespmem:$0x1B610] =	vst v0  }
0x4e: {  	[tilespmem:$0x1B620] =	vst v0  }
0x4f: {  	[tilespmem:$0x1B630] =	vst v0  }
0x50: {  	[tilespmem:$0x1B640] =	vst v0  }
0x51: {  	[tilespmem:$0x1B650] =	vst v0  }
0x52: {  	[tilespmem:$0x1B660] =	vst v0  }
0x53: {  	[tilespmem:$0x1B670] =	vst v0  }
0x54: {  	[tilespmem:$0x1B680] =	vst v0  }
0x55: {  	[tilespmem:$0x1B690] =	vst v0  }
0x56: {  	[tilespmem:$0x1B6A0] =	vst v0  }
0x57: {  	[tilespmem:$0x1B6B0] =	vst v0  }
0x58: {  	[tilespmem:$0x1B6C0] =	vst v0  }
0x59: {  	[tilespmem:$0x1B6D0] =	vst v0  }
0x5a: {  	[tilespmem:$0x1B6E0] =	vst v0  }
0x5b: {  	[tilespmem:$0x1B6F0] =	vst v0  }
0x5c: {  	[tilespmem:$0x1B700] =	vst v0  }
0x5d: {  	[tilespmem:$0x1B710] =	vst v0  }
0x5e: {  	[tilespmem:$0x1B720] =	vst v0  }
0x5f: {  	[tilespmem:$0x1B730] =	vst v0  }
0x60: {  	[tilespmem:$0x1B740] =	vst v0  }
0x61: {  	[tilespmem:$0x1B750] =	vst v0  }
0x62: {  	[tilespmem:$0x1B760] =	vst v0  }
0x63: {  	[tilespmem:$0x1B770] =	vst v0  }
0x64: {  	[tilespmem:$0x1B780] =	vst v0  }
0x65: {  	[tilespmem:$0x1B790] =	vst v0  }
0x66: {  	[tilespmem:$0x1B7A0] =	vst v0  }
0x67: {  	[tilespmem:$0x1B7B0] =	vst v0  }
0x68: {  	[tilespmem:$0x1B7C0] =	vst v0  }
0x69: {  	[tilespmem:$0x1B7D0] =	vst v0  }
0x6a: {  	[tilespmem:$0x1B7E0] =	vst v0  }
0x6b: {  	[tilespmem:$0x1B7F0] =	vst v0  }
0x6c: {  	[tilespmem:$0x1B800] =	vst v0  }
0x6d: {  	[tilespmem:$0x1B810] =	vst v0  }
0x6e: {  	[tilespmem:$0x1B820] =	vst v0  }
0x6f: {  	[tilespmem:$0x1B830] =	vst v0  }
0x70: {  	[tilespmem:$0x1B840] =	vst v0  }
0x71: {  	[tilespmem:$0x1B850] =	vst v0  }
0x72: {  	[tilespmem:$0x1B860] =	vst v0  }
0x73: {  	[tilespmem:$0x1B870] =	vst v0  }
0x74: {  	[tilespmem:$0x1B880] =	vst v0  }
0x75: {  	[tilespmem:$0x1B890] =	vst v0  }
0x76: {  	[tilespmem:$0x1B8A0] =	vst v0  }
0x77: {  	[tilespmem:$0x1B8B0] =	vst v0  }
0x78: {  	[tilespmem:$0x1B8C0] =	vst v0  }
0x79: {  	[tilespmem:$0x1B8D0] =	vst v0  }
0x7a: {  	[tilespmem:$0x1B8E0] =	vst v0  }
0x7b: {  	[tilespmem:$0x1B8F0] =	vst v0  }
0x7c: {  	[tilespmem:$0x1B900] =	vst v0  }
0x7d: {  	[tilespmem:$0x1B910] =	vst v0  }
0x7e: {  	[tilespmem:$0x1B920] =	vst v0  }
0x7f: {  	[tilespmem:$0x1B930] =	vst v0  }
0x80: {  	[tilespmem:$0x1B940] =	vst v0  }
0x81: {  	[tilespmem:$0x1B950] =	vst v0  }
0x82: {  	[tilespmem:$0x1B960] =	vst v0  }
0x83: {  	[tilespmem:$0x1B970] =	vst v0  }
0x84: {  	[tilespmem:$0x1B980] =	vst v0  }
0x85: {  	[tilespmem:$0x1B990] =	vst v0  }
0x86: {  	[tilespmem:$0x1B9A0] =	vst v0  }
0x87: {  	[tilespmem:$0x1B9B0] =	vst v0  }
0x88: {  	[tilespmem:$0x1B9C0] =	vst v0  }
0x89: {  	[tilespmem:$0x1B9D0] =	vst v0  }
0x8a: {  	[tilespmem:$0x1B9E0] =	vst v0  }
0x8b: {  	[tilespmem:$0x1B9F0] =	vst v0  }
0x8c: {  	[tilespmem:$0x1BA00] =	vst v0  }
0x8d: {  	[tilespmem:$0x1BA10] =	vst v0  }
0x8e: {  	[tilespmem:$0x1BA20] =	vst v0  }
0x8f: {  	[tilespmem:$0x1BA30] =	vst v0  }
0x90: {  	[tilespmem:$0x1BA40] =	vst v0  }
0x91: {  	[tilespmem:$0x1BA50] =	vst v0  }
0x92: {  	[tilespmem:$0x1BA60] =	vst v0  }
0x93: {  	[tilespmem:$0x1BA70] =	vst v0  }
0x94: {  	[tilespmem:$0x1BA80] =	vst v0  }
0x95: {  	[tilespmem:$0x1BA90] =	vst v0  }
0x96: {  	[tilespmem:$0x1BAA0] =	vst v0  }
0x97: {  	[tilespmem:$0x1BAB0] =	vst v0  }
0x98: {  	[tilespmem:$0x1BAC0] =	vst v0  }
0x99: {  	[tilespmem:$0x1BAD0] =	vst v0  }
0x9a: {  	[tilespmem:$0x1BAE0] =	vst v0  }
0x9b: {  	[tilespmem:$0x1BAF0] =	vst v0  }
0x9c: {  	[tilespmem:$0x1BB00] =	vst v0  }
0x9d: {  	[tilespmem:$0x1BB10] =	vst v0  }
0x9e: {  	[tilespmem:$0x1BB20] =	vst v0  }
0x9f: {  	[tilespmem:$0x1BB30] =	vst v0  }
0xa0: {  	[tilespmem:$0x1BB40] =	vst v0  }
0xa1: {  	[tilespmem:$0x1BB50] =	vst v0  }
0xa2: {  	[tilespmem:$0x1BB60] =	vst v0  }
0xa3: {  	[tilespmem:$0x1BB70] =	vst v0  }
0xa4: {  	[tilespmem:$0x1BB80] =	vst v0  }
0xa5: {  	[tilespmem:$0x1BB90] =	vst v0  }
0xa6: {  	[tilespmem:$0x1BBA0] =	vst v0  }
0xa7: {  	[tilespmem:$0x1BBB0] =	vst v0  }
0xa8: {  	[tilespmem:$0x1BBC0] =	vst v0  }
0xa9: {  	[tilespmem:$0x1BBD0] =	vst v0  }
0xaa: {  	[tilespmem:$0x1BBE0] =	vst v0  }
0xab: {  	[tilespmem:$0x1BBF0] =	vst v0  }
0xac: {  	[tilespmem:$0x1BC00] =	vst v0  }
0xad: {  	[tilespmem:$0x1BC10] =	vst v0  }
0xae: {  	[tilespmem:$0x1BC20] =	vst v0  }
0xaf: {  	[tilespmem:$0x1BC30] =	vst v0  }
0xb0: {  	[tilespmem:$0x1BC40] =	vst v0  }
0xb1: {  	[tilespmem:$0x1BC50] =	vst v0  }
0xb2: {  	[tilespmem:$0x1BC60] =	vst v0  }
0xb3: {  	[tilespmem:$0x1BC70] =	vst v0  }
0xb4: {  	[tilespmem:$0x1BC80] =	vst v0  }
0xb5: {  	[tilespmem:$0x1BC90] =	vst v0  }
0xb6: {  	[tilespmem:$0x1BCA0] =	vst v0  }
0xb7: {  	[tilespmem:$0x1BCB0] =	vst v0  }
0xb8: {  	[tilespmem:$0x1BCC0] =	vst v0  }
0xb9: {  	[tilespmem:$0x1BCD0] =	vst v0  }
0xba: {  	[tilespmem:$0x1BCE0] =	vst v0  }
0xbb: {  	[tilespmem:$0x1BCF0] =	vst v0  }
0xbc: {  	[tilespmem:$0x1BD00] =	vst v0  }
0xbd: {  	[tilespmem:$0x1BD10] =	vst v0  }
0xbe: {  	[tilespmem:$0x1BD20] =	vst v0  }
0xbf: {  	[tilespmem:$0x1BD30] =	vst v0  }
0xc0: {  	[tilespmem:$0x1BD40] =	vst v0  }
0xc1: {  	[tilespmem:$0x1BD50] =	vst v0  }
0xc2: {  	[tilespmem:$0x1BD60] =	vst v0  }
0xc3: {  	[tilespmem:$0x1BD70] =	vst v0  }
0xc4: {  	[tilespmem:$0x1BD80] =	vst v0  }
0xc5: {  	[tilespmem:$0x1BD90] =	vst v0  }
0xc6: {  	[tilespmem:$0x1BDA0] =	vst v0  }
0xc7: {  	[tilespmem:$0x1BDB0] =	vst v0  }
0xc8: {  	[tilespmem:$0x1BDC0] =	vst v0  }
0xc9: {  	[tilespmem:$0x1BDD0] =	vst v0  }
0xca: {  	[tilespmem:$0x1BDE0] =	vst v0  }
0xcb: {  	[tilespmem:$0x1BDF0] =	vst v0  }
0xcc: {  	[tilespmem:$0x1BE00] =	vst v0  }
0xcd: {  	[tilespmem:$0x1BE10] =	vst v0  }
0xce: {  	[tilespmem:$0x1BE20] =	vst v0  }
0xcf: {  	[tilespmem:$0x1BE30] =	vst v0  }
0xd0: {  	[tilespmem:$0x1BE40] =	vst v0  }
0xd1: {  	[tilespmem:$0x1BE50] =	vst v0  }
0xd2: {  	[tilespmem:$0x1BE60] =	vst v0  }
0xd3: {  	[tilespmem:$0x1BE70] =	vst v0  }
0xd4: {  	[tilespmem:$0x1BE80] =	vst v0  }
0xd5: {  	[tilespmem:$0x1BE90] =	vst v0  }
0xd6: {  	[tilespmem:$0x1BEA0] =	vst v0  }
0xd7: {  	[tilespmem:$0x1BEB0] =	vst v0  }
0xd8: {  	[tilespmem:$0x1BEC0] =	vst v0  }
0xd9: {  	[tilespmem:$0x1BED0] =	vst v0  }
0xda: {  	[tilespmem:$0x1BEE0] =	vst v0  }
0xdb: {  	[tilespmem:$0x1BEF0] =	vst v0  }
0xdc: {  	[tilespmem:$0x1BF00] =	vst v0  }
0xdd: {  	[tilespmem:$0x1BF10] =	vst v0  }
0xde: {  	[tilespmem:$0x1BF20] =	vst v0  }
0xdf: {  	[tilespmem:$0x1BF30] =	vst v0  }
0xe0: {  	[tilespmem:$0x1BF40] =	vst v0  }
0xe1: {  	[tilespmem:$0x1BF50] =	vst v0  }
0xe2: {  	[tilespmem:$0x1BF60] =	vst v0  }
0xe3: {  	[tilespmem:$0x1BF70] =	vst v0  }
0xe4: {  	[tilespmem:$0x1BF80] =	vst v0  }
0xe5: {  	[tilespmem:$0x1BF90] =	vst v0  }
0xe6: {  	[tilespmem:$0x1BFA0] =	vst v0  }
0xe7: {  	[tilespmem:$0x1BFB0] =	vst v0  }
0xe8: {  	[tilespmem:$0x1BFC0] =	vst v0  }
0xe9: {  	[tilespmem:$0x1BFD0] =	vst v0  }
0xea: {  	[tilespmem:$0x1BFE0] =	vst v0  }
0xeb: {  	[tilespmem:$0x1BFF0] =	vst v0  }
0xec: {  	[tilespmem:$0x1C000] =	vst v0  }
0xed: {  	[tilespmem:$0x1C010] =	vst v0  }
0xee: {  	[tilespmem:$0x1C020] =	vst v0  }
0xef: {  	[tilespmem:$0x1C030] =	vst v0  }
0xf0: {  	[tilespmem:$0x1C040] =	vst v0  }
0xf1: {  	[tilespmem:$0x1C050] =	vst v0  }
0xf2: {  	[tilespmem:$0x1C060] =	vst v0  }
0xf3: {  	[tilespmem:$0x1C070] =	vst v0  }
0xf4: {  	[tilespmem:$0x1C080] =	vst v0  }
0xf5: {  	[tilespmem:$0x1C090] =	vst v0  }
0xf6: {  	[tilespmem:$0x1C0A0] =	vst v0  }
0xf7: {  	[tilespmem:$0x1C0B0] =	vst v0  }
0xf8: {  	[tilespmem:$0x1C0C0] =	vst v0  }
0xf9: {  	[tilespmem:$0x1C0D0] =	vst v0  }
0xfa: {  	[tilespmem:$0x1C0E0] =	vst v0  }
0xfb: {  	[tilespmem:$0x1C0F0] =	vst v0  }
0xfc: {  	[tilespmem:$0x1C100] =	vst v0  }
0xfd: {  	[tilespmem:$0x1C110] =	vst v0  }
0xfe: {  	[tilespmem:$0x1C120] =	vst v0  }
0xff: {  	[tilespmem:$0x1C130] =	vst v0  }
0x100: {  	[tilespmem:$0x1C140] =	vst v0  }
0x101: {  	[tilespmem:$0x1C150] =	vst v0  }
0x102: {  	[tilespmem:$0x1C160] =	vst v0  }
0x103: {  	[tilespmem:$0x1C170] =	vst v0  }
0x104: {  	[tilespmem:$0x1C180] =	vst v0  }
0x105: {  	[tilespmem:$0x1C190] =	vst v0  }
0x106: {  	[tilespmem:$0x1C1A0] =	vst v0  }
0x107: {  	[tilespmem:$0x1C1B0] =	vst v0  }
0x108: {  	[tilespmem:$0x1C1C0] =	vst v0  }
0x109: {  	[tilespmem:$0x1C1D0] =	vst v0  }
0x10a: {  	[tilespmem:$0x1C1E0] =	vst v0  }
0x10b: {  	[tilespmem:$0x1C1F0] =	vst v0  }
0x10c: {  	[tilespmem:$0x1C200] =	vst v0  }
0x10d: {  	[tilespmem:$0x1C210] =	vst v0  }
0x10e: {  	[tilespmem:$0x1C220] =	vst v0  }
0x10f: {  	[tilespmem:$0x1C230] =	vst v0  }
0x110: {  	[tilespmem:$0x1C240] =	vst v0  }
0x111: {  	[tilespmem:$0x1C250] =	vst v0  }
0x112: {  	[tilespmem:$0x1C260] =	vst v0  }
0x113: {  	[tilespmem:$0x1C270] =	vst v0  }
0x114: {  	[tilespmem:$0x1C280] =	vst v0  }
0x115: {  	[tilespmem:$0x1C290] =	vst v0  }
0x116: {  	[tilespmem:$0x1C2A0] =	vst v0  }
0x117: {  	[tilespmem:$0x1C2B0] =	vst v0  }
0x118: {  	[tilespmem:$0x1C2C0] =	vst v0  }
0x119: {  	[tilespmem:$0x1C2D0] =	vst v0  }
0x11a: {  	[tilespmem:$0x1C2E0] =	vst v0  }
0x11b: {  	[tilespmem:$0x1C2F0] =	vst v0  }
0x11c: {  	[tilespmem:$0x1C300] =	vst v0  }
0x11d: {  	[tilespmem:$0x1C310] =	vst v0  }
0x11e: {  	[tilespmem:$0x1C320] =	vst v0  }
0x11f: {  	[tilespmem:$0x1C330] =	vst v0  }
0x120: {  	[tilespmem:$0x1C340] =	vst v0  }
0x121: {  	[tilespmem:$0x1C350] =	vst v0  }
0x122: {  	[tilespmem:$0x1C360] =	vst v0  }
0x123: {  	[tilespmem:$0x1C370] =	vst v0  }
0x124: {  	[tilespmem:$0x1C380] =	vst v0  }
0x125: {  	[tilespmem:$0x1C390] =	vst v0  }
0x126: {  	[tilespmem:$0x1C3A0] =	vst v0  }
0x127: {  	[tilespmem:$0x1C3B0] =	vst v0  }
0x128: {  	[tilespmem:$0x1C3C0] =	vst v0  }
0x129: {  	[tilespmem:$0x1C3D0] =	vst v0  }
0x12a: {  	[tilespmem:$0x1C3E0] =	vst v0  }
0x12b: {  	s29 =	simm.s32 $0x1B400;
	[tilespmem:$0x1C3F0] =	vst v0  }
0x12c: {  	[spmem:s13] =	stream.linear.scatter [tilespmem:s29], [sflag:$0x11], $0x1000, $0x38;
	[tilespmem:$0x1D400] =	vst v63  }
0x12d: {  	_ =	swait.ge [sflag:s28], $0x1000  }
0x12e: {  	[sflag:s28] =	ssyncset.done $0x0  }
0x12f: {  	s31 =	simm.s32 $0x14000;
	[sflag:s28] =	ssyncadd.s32 $0xFFFFF000  }
0x130: {  	[tilespmem:s31], [sflag:$0x11] =	stream.linear.gather [hbm4b:s14+s4], $0x4000, $0x38;
	[tilespmem:$0x1D400] =	vst v63  }
0x131: {  	_ =	swait.ge [sflag:s28], $0x4000  }
0x132: {  	[sflag:s28] =	ssyncset.done $0x0  }
0x133: {  	[sflag:s28] =	ssyncadd.s32 $0xFFFFC000  }
0x134: {  	[tilespmem:s30], [sflag:$0x11] =	stream.linear.gather [hbm4b:s15+s4], $0x400, $0x38;
	[tilespmem:$0x1D400] =	vst v63  }
.Ltmp2:
0x135: {  	_ =	swait.ge [sflag:s28], $0x400;
	(pc) =	sbr.rel .LBB2_2-.Ltmp2, $4  }
0x136: {  	[sflag:s28] =	ssyncset.done $0x0  }
0x137: {  	[sflag:s28] =	ssyncadd.s32 $0xFFFFFC00  }
0x138: {  	[bflag:$0x0] =	sbarrier.arrive $0xFFFF  }
0x139: {  	s21 =	simm.s32 $0x0;
	s22 =	simm.s32 $0x0  }
.LBB2_6:
0x13a: {  	[tilespmem:s25+$0x18400] =	vst v0  }
0x13b: {  	[tilespmem:s25+$0x18410] =	vst v0  }
0x13c: {  	[tilespmem:s25+$0x18420] =	vst v0  }
0x13d: {  	[tilespmem:s25+$0x18430] =	vst v0  }
0x13e: {  	[tilespmem:s26+$0x18400] =	vst v0  }
0x13f: {  	[tilespmem:s25+$0x18450] =	vst v0  }
0x140: {  	[tilespmem:s25+$0x18460] =	vst v0  }
0x141: {  	s31 =	sadd.s32 $0x9, s29;
	s26 =	sadd.s32 $0x14000, s25;
	[tilespmem:s25+$0x18470] =	vst v0  }
0x142: {  	[spmem:s2] =	stream.indirect.scatter.add.f32 [tilespmem:s24], [sflag:s31], $0x80, s26, s19, $0xb8;
	[tilespmem:$0x1D400] =	vst v63  }
0x143: {  	_ =	swait.ge [sflag:s31], $0x2800  }
0x144: {  	[sflag:s31] =	ssyncset.done $0x0  }
0x145: {  	[sflag:s31] =	ssyncadd.s32 $0xFFFFD800  }
.LBB2_7:
0x146: {  	p0 =	sgt.u32 s22, $0x74  }
0x147: {  	s25 =	smul.u32 @!p0 $0x50, s22;
	_ =	sdelay $0x1  }
0x148: {  	s25 =	sadd.s32 @!p0 s25, s16  }
0x149: {  	s25 =	sshll.u32 @!p0 s25, $0x4  }
0x14a: {  	s26 =	simm.s32 @!p0 $0x0;
	s22 =	sadd.s32 $0x1, s22;
	s25 =	sadd.s32 @!p0 s1, s25  }
0x14b: {  	[tilespmem:s24], [sflag:s23] =	stream.linear.gather @!p0 [hbm4b:s25+s26], $0x2800, $0x38;
	[tilespmem:$0x1D400] =	vst v63  }
0x14c: {  	p0 =	sne.s32 s22, $0x7D  }
.Ltmp3:
0x14d: {  	_ = 	snop;
	(pc) =	sbr.rel @!p0 .LBB2_8-.Ltmp3, $2  }
0x14e: {  	_ =	sdelay $0x2  }
0x14f: {  	s21 =	sadd.s32 $0x1, s21  }
.LBB2_2:
0x150: {  	s29 =	sand.u32 $0x7, s22  }
0x151: {  	s23 =	sadd.s32 $0x1, s29  }
0x152: {  	_ =	swait.ge [sflag:s23], $0x2800  }
0x153: {  	[sflag:s23] =	ssyncset.done $0x0  }
0x154: {  	s25 =	sshll.u32 s22, $0x7;
	[sflag:s23] =	ssyncadd.s32 $0xFFFFD800  }
0x155: {  	v1 =	vld [tilespmem:s25+$0x14000]  }
0x156: {  	v2 =	vld [tilespmem:s25+$0x14040];
	_ =	sdelay $0x3  }
0x157: {  	(v2sf) =	vpush v1, $0x0  }
0x158: {  	(v2sf) =	vpush v2, $0xF;
	_ =	sdelay $0xd  }
0x159: {  	s24 =	spop (v2sf)  }
0x15a: {  	s31 =	spop (v2sf)  }
0x15b: {  	p0 =	sne.s32 s24, s31  }
.Ltmp4:
0x15c: {  	_ = 	snop;
	(pc) =	sbr.rel @p0 .LBB2_6-.Ltmp4, $3  }
0x15d: {  	_ = 	snop  }
0x15e: {  	s26 =	smul.u32 $0xA000, s29;
	_ =	sdelay $0x1  }
0x15f: {  	s24 =	sshrl.u32 s26, $0x2;
	s26 =	sor.u32 $0x40, s25  }
0x160: {  	s29 =	sand.u32 $0x7, s21  }
0x161: {  	s29 =	smul.u32 $0xA000, s29;
	_ =	sdelay $0x1  }
0x162: {  	s29 =	sshrl.u32 s29, $0x2  }
0x163: {  	v3 =	vmov s29;
	_ =	sdelay $0x3  }
0x164: {  	s29 =	simm.s32 $0x0  }
0x165: {  	v4 =	vld.idx.msk [tilespmem:v3+s29+$0x180 ss:$0x1], $0xffff  }
0x166: {  	v7 =	vld.idx.msk [tilespmem:v3+s29+$0x190 ss:$0x1], $0xffff  }
0x167: {  	v8 =	vld.idx.msk [tilespmem:v3+s29+$0x1A0 ss:$0x1], $0xffff  }
0x168: {  	v9 =	vld.idx.msk [tilespmem:v3+s29+$0x1B0 ss:$0x1], $0xffff  }
0x169: {  	v2 =	vld.idx.msk [tilespmem:v3+s29+$0x1C0 ss:$0x1], $0xffff  }
0x16a: {  	v1 =	vld.idx.msk [tilespmem:v3+s29+$0x1D0 ss:$0x1], $0xffff  }
0x16b: {  	v15 =	vld.idx.msk [tilespmem:v3+s29+$0x100 ss:$0x1], $0xffff  }
0x16c: {  	v17 =	vld.idx.msk [tilespmem:v3+s29+$0x110 ss:$0x1], $0xffff  }
0x16d: {  	v14 =	vld.idx.msk [tilespmem:v3+s29+$0x120 ss:$0x1], $0xffff  }
0x16e: {  	v16 =	vld.idx.msk [tilespmem:v3+s29+$0x130 ss:$0x1], $0xffff  }
0x16f: {  	v6 =	vld.idx.msk [tilespmem:v3+s29+$0x140 ss:$0x1], $0xffff  }
0x170: {  	v5 =	vld.idx.msk [tilespmem:v3+s29+$0x150 ss:$0x1], $0xffff  }
0x171: {  	v11 =	vld.idx.msk [tilespmem:v3+s29+$0x80 ss:$0x1], $0xffff  }
0x172: {  	v12 =	vld.idx.msk [tilespmem:v3+s29+$0x90 ss:$0x1], $0xffff  }
0x173: {  	v13 =	vld.idx.msk [tilespmem:v3+s29+$0x0 ss:$0x1], $0xffff  }
0x174: {  	v20 =	vld.idx.msk [tilespmem:v3+s29+$0x10 ss:$0x1], $0xffff  }
0x175: {  	v21 =	vld.idx.msk [tilespmem:v3+s29+$0x20 ss:$0x1], $0xffff  }
0x176: {  	v22 =	vld.idx.msk [tilespmem:v3+s29+$0x30 ss:$0x1], $0xffff  }
0x177: {  	v23 =	vld.idx.msk [tilespmem:v3+s29+$0xA0 ss:$0x1], $0xffff  }
0x178: {  	v24 =	vld.idx.msk [tilespmem:v3+s29+$0xB0 ss:$0x1], $0xffff  }
0x179: {  	v10 =	vimm.f32 $0.0e+00;
	v19 =	vld.idx.msk [tilespmem:v3+s29+$0xC0 ss:$0x1], $0xffff  }
0x17a: {  	v18 =	vld.idx.msk [tilespmem:v3+s29+$0xD0 ss:$0x1], $0xffff;
	v13 =	vadd.f32 v13, v10;
	v28 =	vadd.f32 v20, v10  }
0x17b: {  	v20 =	vld.idx.msk [tilespmem:v3+s29+$0x40 ss:$0x1], $0xffff;
	v25 =	vadd.f32 v21, v10;
	v26 =	vadd.f32 v22, v10  }
0x17c: {  	v21 =	vld.idx.msk [tilespmem:v3+s29+$0x50 ss:$0x1], $0xffff;
	v27 =	vadd.f32 v11, v13;
	v28 =	vadd.f32 v12, v28  }
0x17d: {  	s31 =	simm.s32 $0x800;
	v22 =	vld.idx.msk [tilespmem:v3+s29+$0x60 ss:$0x1], $0xffff;
	v13 =	vimm.f32 $0.0e+00;
	v12 =	vimm.f32 $0.0e+00;
	v11 =	vimm.f32 $0.0e+00  }
.LBB2_4:
0x17e: {  	p0 =	sne.s32 s31, $0x9800;
	v29 =	vld.idx.msk [tilespmem:v3+s29+$0x70 ss:$0x1], $0xffff;
	v23 =	vadd.f32 v23, v25;
	v24 =	vadd.f32 v24, v26  }
0x17f: {  	v25 =	vld.idx.msk [tilespmem:v3+s29+$0xE0 ss:$0x1], $0xffff;
	v15 =	vadd.f32 v15, v27;
	v17 =	vadd.f32 v17, v28  }
0x180: {  	v26 =	vld.idx.msk [tilespmem:v3+s29+$0xF0 ss:$0x1], $0xffff;
	v14 =	vadd.f32 v14, v23;
	v16 =	vadd.f32 v16, v24  }
0x181: {  	v23 =	vld.idx.msk [tilespmem:v3+s29+$0x160 ss:$0x1], $0xffff;
	v27 =	vadd.f32 v4, v15;
	v28 =	vadd.f32 v7, v17  }
0x182: {  	v15 =	vld.idx.msk [tilespmem:v3+s29+$0x170 ss:$0x1], $0xffff;
	v30 =	vadd.f32 v8, v14;
	v31 =	vadd.f32 v9, v16  }
0x183: {  	v7 =	vadd.f32 v20, v10;
	v8 =	vadd.f32 v21, v13;
	v14 =	vld.idx.msk [tilespmem:v3+s29+$0x1E0 ss:$0x1], $0xffff  }
0x184: {  	v9 =	vadd.f32 v22, v12;
	v10 =	vadd.f32 v29, v11;
	v11 =	vld.idx.msk [tilespmem:v3+s29+$0x1F0 ss:$0x1], $0xffff;
	s29 =	sshra.s32 s31, $0x2  }
0x185: {  	v12 =	vadd.f32 v19, v7;
	v13 =	vadd.f32 v18, v8;
	v4 =	vld.idx.msk [tilespmem:v3+s29+$0x180 ss:$0x1], $0xffff  }
0x186: {  	v16 =	vadd.f32 v25, v9;
	v10 =	vadd.f32 v26, v10;
	v7 =	vld.idx.msk [tilespmem:v3+s29+$0x190 ss:$0x1], $0xffff  }
0x187: {  	v6 =	vadd.f32 v6, v12;
	v5 =	vadd.f32 v5, v13;
	v8 =	vld.idx.msk [tilespmem:v3+s29+$0x1A0 ss:$0x1], $0xffff  }
0x188: {  	v12 =	vadd.f32 v23, v16;
	v15 =	vadd.f32 v15, v10;
	v9 =	vld.idx.msk [tilespmem:v3+s29+$0x1B0 ss:$0x1], $0xffff  }
0x189: {  	v10 =	vadd.f32 v2, v6;
	v13 =	vadd.f32 v1, v5;
	v2 =	vld.idx.msk [tilespmem:v3+s29+$0x1C0 ss:$0x1], $0xffff  }
0x18a: {  	v12 =	vadd.f32 v14, v12;
	v11 =	vadd.f32 v11, v15;
	v1 =	vld.idx.msk [tilespmem:v3+s29+$0x1D0 ss:$0x1], $0xffff  }
0x18b: {  	v15 =	vld.idx.msk [tilespmem:v3+s29+$0x100 ss:$0x1], $0xffff  }
0x18c: {  	v17 =	vld.idx.msk [tilespmem:v3+s29+$0x110 ss:$0x1], $0xffff  }
0x18d: {  	v14 =	vld.idx.msk [tilespmem:v3+s29+$0x120 ss:$0x1], $0xffff  }
0x18e: {  	v16 =	vld.idx.msk [tilespmem:v3+s29+$0x130 ss:$0x1], $0xffff  }
0x18f: {  	v6 =	vld.idx.msk [tilespmem:v3+s29+$0x140 ss:$0x1], $0xffff  }
0x190: {  	v5 =	vld.idx.msk [tilespmem:v3+s29+$0x150 ss:$0x1], $0xffff  }
0x191: {  	v29 =	vld.idx.msk [tilespmem:v3+s29+$0x80 ss:$0x1], $0xffff  }
0x192: {  	v32 =	vld.idx.msk [tilespmem:v3+s29+$0x90 ss:$0x1], $0xffff  }
0x193: {  	v20 =	vld.idx.msk [tilespmem:v3+s29+$0x0 ss:$0x1], $0xffff  }
0x194: {  	v21 =	vld.idx.msk [tilespmem:v3+s29+$0x10 ss:$0x1], $0xffff  }
0x195: {  	v22 =	vld.idx.msk [tilespmem:v3+s29+$0x20 ss:$0x1], $0xffff  }
0x196: {  	v26 =	vld.idx.msk [tilespmem:v3+s29+$0x30 ss:$0x1], $0xffff  }
0x197: {  	v23 =	vld.idx.msk [tilespmem:v3+s29+$0xA0 ss:$0x1], $0xffff  }
0x198: {  	v24 =	vld.idx.msk [tilespmem:v3+s29+$0xB0 ss:$0x1], $0xffff  }
.Ltmp5:
0x199: {  	v19 =	vld.idx.msk [tilespmem:v3+s29+$0xC0 ss:$0x1], $0xffff;
	(pc) =	sbr.rel @p0 .LBB2_4-.Ltmp5, $4  }
0x19a: {  	v18 =	vld.idx.msk [tilespmem:v3+s29+$0xD0 ss:$0x1], $0xffff  }
0x19b: {  	v27 =	vadd.f32 v20, v27;
	v28 =	vadd.f32 v21, v28;
	v20 =	vld.idx.msk [tilespmem:v3+s29+$0x40 ss:$0x1], $0xffff  }
0x19c: {  	v25 =	vadd.f32 v22, v30;
	v26 =	vadd.f32 v26, v31;
	v21 =	vld.idx.msk [tilespmem:v3+s29+$0x50 ss:$0x1], $0xffff  }
0x19d: {  	s31 =	sadd.s32 $0x800, s31;
	v27 =	vadd.f32 v29, v27;
	v28 =	vadd.f32 v32, v28;
	v22 =	vld.idx.msk [tilespmem:v3+s29+$0x60 ss:$0x1], $0xffff  }
0x19e: {  	_ =	sdelay $0x1  }
0x19f: {  	v23 =	vadd.f32 v23, v25;
	v24 =	vadd.f32 v24, v26  }
0x1a0: {  	v15 =	vadd.f32 v15, v27;
	v17 =	vadd.f32 v17, v28  }
0x1a1: {  	v55 =	vld.idx.msk [tilespmem:v3+s29+$0x70 ss:$0x1], $0xffff;
	v14 =	vadd.f32 v14, v23;
	v16 =	vadd.f32 v16, v24  }
0x1a2: {  	v56 =	vld.idx.msk [tilespmem:v3+s29+$0xE0 ss:$0x1], $0xffff;
	v10 =	vadd.f32 v20, v10;
	v4 =	vadd.f32 v4, v15  }
0x1a3: {  	v57 =	vld.idx.msk [tilespmem:v3+s29+$0xF0 ss:$0x1], $0xffff;
	v7 =	vadd.f32 v7, v17;
	v13 =	vadd.f32 v21, v13  }
0x1a4: {  	v58 =	vld.idx.msk [tilespmem:v3+s29+$0x160 ss:$0x1], $0xffff;
	v8 =	vadd.f32 v8, v14;
	v9 =	vadd.f32 v9, v16  }
0x1a5: {  	v59 =	vld.idx.msk [tilespmem:v3+s29+$0x170 ss:$0x1], $0xffff;
	v12 =	vadd.f32 v22, v12;
	v10 =	vadd.f32 v19, v10  }
0x1a6: {  	v60 =	vld.idx.msk [tilespmem:v3+s29+$0x1E0 ss:$0x1], $0xffff;
	v11 =	vadd.f32 v55, v11;
	v13 =	vadd.f32 v18, v13  }
0x1a7: {  	v3 =	vld.idx.msk [tilespmem:v3+s29+$0x1F0 ss:$0x1], $0xffff;
	[tilespmem:s25+$0x18400] =	vst v4;
	v12 =	vadd.f32 v56, v12;
	v6 =	vadd.f32 v6, v10  }
0x1a8: {  	[tilespmem:s25+$0x18410] =	vst v7;
	v61 =	vadd.f32 v57, v11;
	v5 =	vadd.f32 v5, v13  }
0x1a9: {  	[tilespmem:s25+$0x18420] =	vst v8;
	v62 =	vadd.f32 v58, v12;
	v2 =	vadd.f32 v2, v6  }
.Ltmp6:
0x1aa: {  	[tilespmem:s25+$0x18430] =	vst v9;
	v4 =	vadd.f32 v59, v61;
	v1 =	vadd.f32 v1, v5;
	(pc) =	sbr.rel .LBB2_7-.Ltmp6, $4  }
0x1ab: {  	v63 =	vadd.f32 v60, v62;
	[tilespmem:s26+$0x18400] =	vst v2  }
0x1ac: {  	v2 =	vadd.f32 v3, v4;
	[tilespmem:s25+$0x18450] =	vst v1  }
0x1ad: {  	[tilespmem:s25+$0x18460] =	vst v63  }
0x1ae: {  	[tilespmem:s25+$0x18470] =	vst v2  }
.LBB2_9:
0x1af: {  	_ =	sfence.sel $0x180000  }
0x1b0: {  	[bflag:$0x0] =	sbarrier.arrive $0xFFFF  }
0x1b1: {  	_ =	strace $0x90000047  }
0x1b2: {  	[bflag:$0x2] =	sbarrier.arrive $0xFFFF  }
0x1b3: {  	p0 =	sne.s32 s3, $0x0;
	s0 =	rddreg [dreg:$0x4]  }
0x1b4: {  	s0 =	sadd.s32 @!p0 $0x100000, s0  }
0x1b5: {  	[sflag:s0] =	ssyncadd.tile.s32 @!p0 $0x1;
	_ =	shalt  }
.Lfunc_end2:
_tile_overlayer_lowered:
.L_overlay_start_2:
0x1b6: {  	(tag) =	ssettag $0x2  }
0x1b7: {  	s0 =	rddreg [dreg:$0x0];
	s2 =	stileid.u32  }
0x1b8: {  	s1 =	rddreg [dreg:$0x1];
	p0 =	sne.s32 s2, $0x0  }
0x1b9: {  	s3 =	rddreg [dreg:$0x2];
	[bflag:$0x3] =	sbarrier.arrive $0xFFFF;
	s2 =	simm.s32 @!p0 $0x1C11  }
0x1ba: {  	[timem:s3], [sflag:s2] =	dma.local @!p0 [hbm:s0], s1  }
0x1bb: {  	s0 =	simm.s32 @!p0 $0x11  }
0x1bc: {  	_ =	swait.ge @!p0 [sflag:s0], s1  }
0x1bd: {  	s1 =	ssub.s32 @!p0 $0x0, s1;
	[sflag:s0] =	ssyncset.done @!p0 $0x0  }
0x1be: {  	[sflag:s0] =	ssyncadd.s32 @!p0 s1  }
0x1bf: {  	[bflag:$0x3] =	sbarrier.arrive $0xFFFF  }
0x1c0: {  	_ =	shalt  }

</sc_bundles>
